<compile_context>
chip_gen: v7x
topology: tpu7x:2x2x1
jax: 0.10.2.dev20260603
libtpu: 0.0.44.dev20260713+nightly
codegen_flags: <defaults>
</compile_context>

<pallas_src>
import functools

import jax
import jax.numpy as jnp
from jax import lax
from jax.experimental import pallas as pl
from jax.experimental.pallas import tpu as pltpu
from jax.experimental.pallas import tpu_sc as plsc

_EPS = 1e-5
_L = 16



def _pack_pairs(f):
    u = lax.bitcast_convert_type(f, jnp.uint32) + jnp.uint32(0x8000)
    hi = u[:, :64] & jnp.uint32(0xFFFF0000)
    lo = u[:, 64:] >> 16
    return lax.bitcast_convert_type(hi | lo, jnp.float32)


def _node_prologue(n_real, x_ref, wn_ref, bn_ref, gn_ref, betan_ref, w1_ref,
                   w2_ref, nf_ref, a_ref, b_ref):
    x = x_ref[...]
    n_pad = x.shape[0]
    u = jnp.maximum(
        jnp.dot(x, wn_ref[...], preferred_element_type=jnp.float32) + bn_ref[...],
        0.0)
    rb = jnp.maximum(bn_ref[...], 0.0)
    extra = jnp.float32(n_pad - n_real)
    mean = (jnp.sum(u, axis=0, keepdims=True) - extra * rb) / n_real
    var = ((jnp.sum(u * u, axis=0, keepdims=True) - extra * rb * rb) / n_real
           - mean * mean)
    scale = gn_ref[...] * lax.rsqrt(var + _EPS)
    nf_ref[...] = u * scale + (betan_ref[...] - mean * scale)
    a_ref[...] = jnp.dot(x, w1_ref[...], preferred_element_type=jnp.float32)
    b_ref[...] = jnp.dot(x, w2_ref[...], preferred_element_type=jnp.float32)


def _edge_stats(ea_ref, we_ref, be_ref, zs_ref):
    i = pl.program_id(0)
    z = jnp.maximum(
        jnp.dot(ea_ref[...], we_ref[...], preferred_element_type=jnp.float32)
        + be_ref[...], 0.0)
    blk = jnp.concatenate(
        [jnp.sum(z, axis=0, keepdims=True),
         jnp.sum(z * z, axis=0, keepdims=True)], axis=0)

    @pl.when(i == 0)
    def _():
        zs_ref[...] = blk

    @pl.when(i > 0)
    def _():
        zs_ref[...] = zs_ref[...] + blk


def _edge_msg(n_edges, zs_ref, we_ref, be_ref, ge_ref, betae_ref, w3_ref,
              bmsg_ref, ea_ref, p_ref):
    mean = zs_ref[0:1, :] / n_edges
    var = zs_ref[1:2, :] / n_edges - mean * mean
    s = ge_ref[...] * lax.rsqrt(var + _EPS)
    t = betae_ref[...] - mean * s
    z = jnp.maximum(
        jnp.dot(ea_ref[...], we_ref[...], preferred_element_type=jnp.float32)
        + be_ref[...], 0.0)
    const = jnp.dot(t, w3_ref[...], preferred_element_type=jnp.float32) + bmsg_ref[...]
    p_ref[...] = _pack_pairs(
        jnp.dot(z * s, w3_ref[...], preferred_element_type=jnp.float32)
        + const)


def _epilogue(n_edges, ys_ref, gm_ref, betam_ref, s_ref, d_ref, nf_ref,
              out_ref):
    ysum = jnp.sum(ys_ref[:, 0, :], axis=0, keepdims=True)
    ysq = jnp.sum(ys_ref[:, 1, :], axis=0, keepdims=True)
    mean = ysum / n_edges
    var = ysq / n_edges - mean * mean
    s_m = gm_ref[...] * lax.rsqrt(var + _EPS)
    t_m = betam_ref[...] - mean * s_m
    stot = s_ref[0] + s_ref[1]
    deg = d_ref[0] + d_ref[1]
    out_ref[...] = stot * s_m[None] + deg * t_m[None] + nf_ref[...]



def _make_sc_kernel(n_pad, n_edges, nc, ns):
    nw = nc * ns
    epw = n_edges // nw
    ch = 40
    nchunk = epw // ch
    rpt = n_pad // ns
    mesh = plsc.VectorSubcoreMesh(core_axis_name="c", subcore_axis_name="s",
                                  num_cores=nc, num_subcores=ns)

    @functools.partial(
        pl.kernel,
        out_type=(
            jax.ShapeDtypeStruct((nc, n_pad, 128), jnp.float32),
            jax.ShapeDtypeStruct((nw, 2, 128), jnp.float32),
        ),
        mesh=mesh,
        scratch_types=(
            pltpu.VMEM((2, ch), jnp.int32),
            pltpu.VMEM((2, ch), jnp.int32),
            pltpu.VMEM((2, ch), jnp.int32),
            pltpu.VMEM((2, ch, 128), jnp.float32),
            pltpu.VMEM((2, ch, 128), jnp.float32),
            pltpu.VMEM((2, ch, 64), jnp.float32),
            pltpu.VMEM((2, ch, 128), jnp.float32),
            pltpu.VMEM((2, 128), jnp.float32),
            pltpu.VMEM_SHARED((n_pad, 128), jnp.float32),
            pltpu.SemaphoreType.DMA,
            pltpu.SemaphoreType.DMA,
            pltpu.SemaphoreType.DMA,
            pltpu.SemaphoreType.DMA,
            pltpu.SemaphoreType.DMA,
            pltpu.SemaphoreType.DMA,
            pltpu.SemaphoreType.DMA,
            pltpu.SemaphoreType.DMA,
        ),
    )
    def sc_kernel(a_hbm, b_hbm, p_hbm, row_hbm, col_hbm, ztab_hbm,
                  s_out, ystats_out,
                  ridx, cidx, scidx, abuf, bbuf, pbuf, ybuf, stats,
                  s_tab, gsem0, gsem1, isem0, isem1, csem0, csem1,
                  ssem0, ssem1):
        c = lax.axis_index("c")
        s = lax.axis_index("s")
        wid = s * nc + c
        base = wid * epw
        gsems = (gsem0, gsem1)
        isems = (isem0, isem1)
        csems = (csem0, csem1)
        ssems = (ssem0, ssem1)

        pltpu.sync_copy(ztab_hbm.at[pl.ds(s * rpt, rpt)],
                        s_tab.at[pl.ds(s * rpt, rpt)])
        zero = jnp.zeros((_L,), jnp.float32)
        for j in range(8):
            stats[0, pl.ds(j * _L, _L)] = zero
            stats[1, pl.ds(j * _L, _L)] = zero
        plsc.subcore_barrier()

        def fire_i(g, b):
            off = base + g * ch
            pltpu.async_copy(row_hbm.at[pl.ds(off, ch)], ridx.at[b], isems[b])
            pltpu.async_copy(col_hbm.at[pl.ds(off, ch)], cidx.at[b], isems[b])

        def wait_i(b):
            pltpu.make_async_copy(row_hbm.at[pl.ds(0, ch)], ridx.at[b],
                                  isems[b]).wait()
            pltpu.make_async_copy(col_hbm.at[pl.ds(0, ch)], cidx.at[b],
                                  isems[b]).wait()

        def fire_g(g, b):
            off = base + g * ch
            pltpu.async_copy(a_hbm.at[ridx.at[b]], abuf.at[b], gsems[b])
            pltpu.async_copy(b_hbm.at[cidx.at[b]], bbuf.at[b], gsems[b])
            pltpu.async_copy(p_hbm.at[pl.ds(off, ch)], pbuf.at[b], gsems[b])

        def wait_g(b):
            pltpu.make_async_copy(a_hbm.at[ridx.at[b]], abuf.at[b],
                                  gsems[b]).wait()
            pltpu.make_async_copy(b_hbm.at[cidx.at[b]], bbuf.at[b],
                                  gsems[b]).wait()
            pltpu.make_async_copy(p_hbm.at[pl.ds(0, ch)], pbuf.at[b],
                                  gsems[b]).wait()

        def fire_c(g, b):
            off = base + g * ch
            pltpu.async_copy(col_hbm.at[pl.ds(off, ch)], scidx.at[b], csems[b])

        def wait_c(b):
            pltpu.make_async_copy(col_hbm.at[pl.ds(0, ch)], scidx.at[b],
                                  csems[b]).wait()

        def wait_s(b):
            pltpu.make_async_copy(ybuf.at[b], s_tab.at[scidx.at[b]],
                                  ssems[b]).wait()

        himask = jnp.full((_L,), -65536, jnp.int32)

        def unpack2(v):
            i = lax.bitcast_convert_type(v, jnp.int32)
            hi = lax.bitcast_convert_type(lax.bitwise_and(i, himask),
                                          jnp.float32)
            lo = lax.bitcast_convert_type(lax.shift_left(i, 16), jnp.float32)
            return hi, lo

        def compute(b):
            def row_body(r, acc):
                out = list(acc)
                for m in range(4):
                    ph, pol = unpack2(pbuf[b, r, pl.ds(m * _L, _L)])
                    s0 = pl.ds(32 * m, _L)
                    s1 = pl.ds(32 * m + _L, _L)
                    yh = jnp.maximum(abuf[b, r, s0] + bbuf[b, r, s0] + ph,
                                     0.0)
                    yl = jnp.maximum(abuf[b, r, s1] + bbuf[b, r, s1] + pol,
                                     0.0)
                    ybuf[b, r, s0] = yh
                    ybuf[b, r, s1] = yl
                    out[4 * m] = out[4 * m] + yh
                    out[4 * m + 1] = out[4 * m + 1] + yh * yh
                    out[4 * m + 2] = out[4 * m + 2] + yl
                    out[4 * m + 3] = out[4 * m + 3] + yl * yl
                return tuple(out)

            acc0 = tuple(jnp.zeros((_L,), jnp.float32) for _ in range(16))
            acc = lax.fori_loop(0, ch, row_body, acc0)
            for m in range(4):
                s0 = pl.ds(32 * m, _L)
                s1 = pl.ds(32 * m + _L, _L)
                stats[0, s0] = stats[0, s0] + acc[4 * m]
                stats[1, s0] = stats[1, s0] + acc[4 * m + 1]
                stats[0, s1] = stats[0, s1] + acc[4 * m + 2]
                stats[1, s1] = stats[1, s1] + acc[4 * m + 3]
            wait_c(b)
            pltpu.async_copy(ybuf.at[b], s_tab.at[scidx.at[b]], ssems[b],
                             add=True)

        fire_i(0, 0)
        fire_i(1, 1)
        wait_i(0)
        fire_g(0, 0)

        def pair_body(t, carry):
            for b in range(2):
                g = 2 * t + b
                nb = 1 - b

                @pl.when(jnp.logical_and(g >= 2, g < nchunk))
                def _():
                    wait_s(b)

                @pl.when(g < nchunk)
                def _():
                    fire_c(g, b)

                @pl.when(g + 1 < nchunk)
                def _():
                    wait_i(nb)
                    fire_g(g + 1, nb)

                @pl.when(g < nchunk)
                def _():
                    wait_g(b)
                    compute(b)

                @pl.when(g + 2 < nchunk)
                def _():
                    fire_i(g + 2, b)
            return carry

        lax.fori_loop(0, (nchunk + 1) // 2, pair_body, 0)
        wait_s(0)
        wait_s(1)

        pltpu.sync_copy(stats, ystats_out.at[wid])

        plsc.subcore_barrier()
        pltpu.sync_copy(s_tab.at[pl.ds(s * rpt, rpt)],
                        s_out.at[c, pl.ds(s * rpt, rpt)])

    return sc_kernel


def _make_deg_kernel(n_pad, n_edges, nc, ns):
    nw = nc * ns
    epw = n_edges // nw
    ch = 80
    nchunk = epw // ch
    rpt = n_pad // ns
    mesh = plsc.VectorSubcoreMesh(core_axis_name="c", subcore_axis_name="s",
                                  num_cores=nc, num_subcores=ns)

    @functools.partial(
        pl.kernel,
        out_type=jax.ShapeDtypeStruct((nc, n_pad, 128), jnp.float32),
        mesh=mesh,
        scratch_types=(
            pltpu.VMEM((2, ch), jnp.int32),
            pltpu.VMEM((ch, 128), jnp.float32),
            pltpu.VMEM_SHARED((n_pad, 128), jnp.float32),
            pltpu.SemaphoreType.DMA,
            pltpu.SemaphoreType.DMA,
            pltpu.SemaphoreType.DMA,
            pltpu.SemaphoreType.DMA,
        ),
    )
    def deg_kernel(col_hbm, ztab_hbm, ones_hbm, d_out, cidx, ones_v, d_tab,
                   csem0, csem1, ssem0, ssem1):
        c = lax.axis_index("c")
        s = lax.axis_index("s")
        base = (s * nc + c) * epw
        csems = (csem0, csem1)
        ssems = (ssem0, ssem1)

        pltpu.sync_copy(ztab_hbm.at[pl.ds(s * rpt, rpt)],
                        d_tab.at[pl.ds(s * rpt, rpt)])
        pltpu.sync_copy(ones_hbm, ones_v)
        plsc.subcore_barrier()

        def wait_s(b):
            pltpu.make_async_copy(ones_v, d_tab.at[cidx.at[b]],
                                  ssems[b]).wait()

        def pair_body(t, carry):
            for b in range(2):
                g = 2 * t + b

                @pl.when(jnp.logical_and(g >= 2, g < nchunk))
                def _():
                    wait_s(b)

                @pl.when(g < nchunk)
                def _():
                    pltpu.async_copy(col_hbm.at[pl.ds(base + g * ch, ch)],
                                     cidx.at[b], csems[b])
                    pltpu.make_async_copy(col_hbm.at[pl.ds(0, ch)],
                                          cidx.at[b], csems[b]).wait()
                    pltpu.async_copy(ones_v, d_tab.at[cidx.at[b]], ssems[b],
                                     add=True)
            return carry

        lax.fori_loop(0, (nchunk + 1) // 2, pair_body, 0)
        wait_s(0)
        wait_s(1)

        plsc.subcore_barrier()
        pltpu.sync_copy(d_tab.at[pl.ds(s * rpt, rpt)],
                        d_out.at[c, pl.ds(s * rpt, rpt)])

    return deg_kernel



def kernel(x, edge_attr, W_node, b_node, g_node, beta_node,
           W_edge, b_edge, g_edge, beta_edge,
           W_msg, b_msg, g_msg, beta_msg, edge_index):
    n_nodes, in_ch = x.shape
    n_edges = edge_attr.shape[0]
    out_ch = W_node.shape[1]

    hi_cols = [32 * m + i for m in range(4) for i in range(16)]
    lo_cols = [32 * m + 16 + i for m in range(4) for i in range(16)]
    perm = jnp.array(hi_cols + lo_cols, jnp.int32)
    w1 = W_msg[:in_ch]
    w2 = W_msg[in_ch:2 * in_ch]
    w3 = W_msg[2 * in_ch:][:, perm]
    bn = b_node.reshape(1, -1)
    gn = g_node.reshape(1, -1)
    betan = beta_node.reshape(1, -1)
    be = b_edge.reshape(1, -1)
    ge = g_edge.reshape(1, -1)
    betae = beta_edge.reshape(1, -1)
    bm = b_msg[perm].reshape(1, -1)
    gm = g_msg.reshape(1, -1)
    betam = beta_msg.reshape(1, -1)

    n_pad = ((n_nodes + 1023) // 1024) * 1024
    x_pad = jnp.pad(x, ((0, n_pad - n_nodes), (0, 0)))

    nf, a_tab, b_tab = pl.pallas_call(
        functools.partial(_node_prologue, n_nodes),
        out_shape=(
            jax.ShapeDtypeStruct((n_pad, out_ch), jnp.float32),
            jax.ShapeDtypeStruct((n_pad, out_ch), jnp.float32),
            jax.ShapeDtypeStruct((n_pad, out_ch), jnp.float32),
        ),
    )(x_pad, W_node, bn, gn, betan, w1, w2)

    eblk1 = 20000
    g1 = n_edges // eblk1
    zstats = pl.pallas_call(
        _edge_stats,
        grid=(g1,),
        in_specs=[
            pl.BlockSpec((eblk1, edge_attr.shape[1]), lambda i: (i, 0)),
            pl.BlockSpec(W_edge.shape, lambda i: (0, 0)),
            pl.BlockSpec((1, out_ch), lambda i: (0, 0)),
        ],
        out_specs=pl.BlockSpec((2, out_ch), lambda i: (0, 0)),
        out_shape=jax.ShapeDtypeStruct((2, out_ch), jnp.float32),
    )(edge_attr, W_edge, be)

    eblk2 = 8000
    g2 = n_edges // eblk2
    p_tab = pl.pallas_call(
        functools.partial(_edge_msg, n_edges),
        grid=(g2,),
        in_specs=[
            pl.BlockSpec((2, out_ch), lambda i: (0, 0)),
            pl.BlockSpec(W_edge.shape, lambda i: (0, 0)),
            pl.BlockSpec((1, out_ch), lambda i: (0, 0)),
            pl.BlockSpec((1, out_ch), lambda i: (0, 0)),
            pl.BlockSpec((1, out_ch), lambda i: (0, 0)),
            pl.BlockSpec(w3.shape, lambda i: (0, 0)),
            pl.BlockSpec((1, out_ch), lambda i: (0, 0)),
            pl.BlockSpec((eblk2, edge_attr.shape[1]), lambda i: (i, 0)),
        ],
        out_specs=pl.BlockSpec((eblk2, out_ch // 2), lambda i: (i, 0)),
        out_shape=jax.ShapeDtypeStruct((n_edges, out_ch // 2), jnp.float32),
    )(zstats, W_edge, be, ge, betae, w3, bm, edge_attr)

    info = plsc.get_sparse_core_info()
    nc, ns = info.num_cores, info.num_subcores
    nw = nc * ns
    row = edge_index[0]
    col = edge_index[1]
    zeros_tab = jnp.zeros((n_pad, 128), jnp.float32)
    ones_rows = jnp.ones((80, 128), jnp.float32)
    deg_k = _make_deg_kernel(n_pad, n_edges, nc, ns)
    d_part = deg_k(col, zeros_tab, ones_rows)
    sc = _make_sc_kernel(n_pad, n_edges, nc, ns)
    s_part, ystats = sc(a_tab, b_tab, p_tab, row, col, zeros_tab)

    dgrp = n_pad // 128
    s_part4 = s_part.reshape(nc, dgrp, 128, 128)
    d_part4 = d_part.reshape(nc, dgrp, 128, 128)
    nf4 = nf.reshape(dgrp, 128, 128)
    gblk = 16
    g3 = dgrp // gblk
    out = pl.pallas_call(
        functools.partial(_epilogue, n_edges),
        grid=(g3,),
        in_specs=[
            pl.BlockSpec((nw, 2, out_ch), lambda i: (0, 0, 0)),
            pl.BlockSpec((1, out_ch), lambda i: (0, 0)),
            pl.BlockSpec((1, out_ch), lambda i: (0, 0)),
            pl.BlockSpec((nc, gblk, 128, 128), lambda i: (0, i, 0, 0)),
            pl.BlockSpec((nc, gblk, 128, 128), lambda i: (0, i, 0, 0)),
            pl.BlockSpec((gblk, 128, 128), lambda i: (i, 0, 0)),
        ],
        out_specs=pl.BlockSpec((gblk, 128, 128), lambda i: (i, 0, 0)),
        out_shape=jax.ShapeDtypeStruct((dgrp, 128, 128), jnp.float32),
    )(ystats, gm, betam, s_part4, d_part4, nf4)
    return out.reshape(n_pad, out_ch)[:n_nodes]

# --- scband reference (transcript-rebuilt; emitter-appended) ---
"""Pipeline reference for scband-edge-conv-60421599920311 (READ-ONLY COPY).

The authoritative reference and input builder live on the scoring server;
editing this copy changes nothing except your own understanding.
"""

import jax, jax.numpy as jnp
import numpy as np

N = 10000
E = 320000
IN_CH = 128
OUT_CH = 128
EDGE_DIM = 16


def _bn(y, gamma, beta, eps=1e-5):
    # BatchNorm1d in training mode: batch mean, biased batch variance
    mean = jnp.mean(y, axis=0)
    var = jnp.var(y, axis=0)
    return (y - mean) / jnp.sqrt(var + eps) * gamma + beta


def setup_inputs(seed: int = 0) -> dict:
    key = jax.random.key(seed)
    ks = jax.random.split(key, 8)
    x = jax.random.normal(ks[0], (N, IN_CH), dtype=jnp.float32)
    edge_index = jax.random.randint(ks[1], (2, E), 0, N, dtype=jnp.int32)
    edge_attr = jax.random.normal(ks[2], (E, EDGE_DIM), dtype=jnp.float32)
    W_node = jax.random.normal(ks[3], (IN_CH, OUT_CH), dtype=jnp.float32) * 0.05
    b_node = jnp.zeros((OUT_CH,), dtype=jnp.float32)
    g_node = jnp.ones((OUT_CH,), dtype=jnp.float32)
    beta_node = jnp.zeros((OUT_CH,), dtype=jnp.float32)
    W_edge = jax.random.normal(ks[4], (EDGE_DIM, OUT_CH), dtype=jnp.float32) * 0.05
    b_edge = jnp.zeros((OUT_CH,), dtype=jnp.float32)
    g_edge = jnp.ones((OUT_CH,), dtype=jnp.float32)
    beta_edge = jnp.zeros((OUT_CH,), dtype=jnp.float32)
    W_msg = jax.random.normal(ks[5], (IN_CH * 2 + OUT_CH, OUT_CH), dtype=jnp.float32) * 0.05
    b_msg = jnp.zeros((OUT_CH,), dtype=jnp.float32)
    g_msg = jnp.ones((OUT_CH,), dtype=jnp.float32)
    beta_msg = jnp.zeros((OUT_CH,), dtype=jnp.float32)
    return {
        "x": x, "edge_attr": edge_attr,
        "W_node": W_node, "b_node": b_node, "g_node": g_node, "beta_node": beta_node,
        "W_edge": W_edge, "b_edge": b_edge, "g_edge": g_edge, "beta_edge": beta_edge,
        "W_msg": W_msg, "b_msg": b_msg, "g_msg": g_msg, "beta_msg": beta_msg,
        "edge_index": edge_index,
    }


def reference(x, edge_attr, W_node, b_node, g_node, beta_node,
              W_edge, b_edge, g_edge, beta_edge,
              W_msg, b_msg, g_msg, beta_msg, edge_index):
    # node_mlp: Linear -> ReLU -> BatchNorm1d
    node_feat = _bn(jax.nn.relu(x @ W_node + b_node), g_node, beta_node)
    # edge_mlp: Linear -> ReLU -> BatchNorm1d
    edge_feat = _bn(jax.nn.relu(edge_attr @ W_edge + b_edge), g_edge, beta_edge)
    row = edge_index[0]
    col = edge_index[1]
    message = jnp.concatenate([x[row], x[col], edge_feat], axis=1)
    message = _bn(jax.nn.relu(message @ W_msg + b_msg), g_msg, beta_msg)
    out = jnp.zeros_like(node_feat).at[col].add(message)
    out = out + node_feat
    return out

if __name__ == "__main__":
    import jax
    _d = setup_inputs()
    print(jax.jit(kernel)(*tuple(_d.values())))

</pallas_src>

<mosaic_0001>
#map = affine_map<(d0, d1) -> (0, 0)>
#map1 = affine_map<(d0, d1) -> (0)>
#map2 = affine_map<(d0, d1) -> (0, 0, 0)>
module attributes {stable_mosaic.version = 14 : i64} {
  func.func @sc_kernel(%arg0: i32, %arg1: i32, %arg2: memref<10240x128xf32, #tpu.memory_space<hbm>>, %arg3: memref<10240x128xf32, #tpu.memory_space<hbm>>, %arg4: memref<320000x64xf32, #tpu.memory_space<hbm>>, %arg5: memref<320000xi32, #tpu.memory_space<hbm>>, %arg6: memref<320000xi32, #tpu.memory_space<hbm>>, %arg7: memref<10240x128xf32, #tpu.memory_space<hbm>>, %arg8: memref<2x10240x128xf32, #tpu.memory_space<hbm>>, %arg9: memref<32x2x128xf32, #tpu.memory_space<hbm>>, %arg10: memref<2x40xi32, #tpu.memory_space<vmem>>, %arg11: memref<2x40xi32, #tpu.memory_space<vmem>>, %arg12: memref<2x40xi32, #tpu.memory_space<vmem>>, %arg13: memref<2x40x128xf32, #tpu.memory_space<vmem>>, %arg14: memref<2x40x128xf32, #tpu.memory_space<vmem>>, %arg15: memref<2x40x64xf32, #tpu.memory_space<vmem>>, %arg16: memref<2x40x128xf32, #tpu.memory_space<vmem>>, %arg17: memref<2x128xf32, #tpu.memory_space<vmem>>, %arg18: memref<10240x128xf32, #tpu.memory_space<vmem_shared>>, %arg19: memref<!tpu.dma_semaphore, #tpu.memory_space<semaphore_mem>>, %arg20: memref<!tpu.dma_semaphore, #tpu.memory_space<semaphore_mem>>, %arg21: memref<!tpu.dma_semaphore, #tpu.memory_space<semaphore_mem>>, %arg22: memref<!tpu.dma_semaphore, #tpu.memory_space<semaphore_mem>>, %arg23: memref<!tpu.dma_semaphore, #tpu.memory_space<semaphore_mem>>, %arg24: memref<!tpu.dma_semaphore, #tpu.memory_space<semaphore_mem>>, %arg25: memref<!tpu.dma_semaphore, #tpu.memory_space<semaphore_mem>>, %arg26: memref<!tpu.dma_semaphore, #tpu.memory_space<semaphore_mem>>) attributes {dimension_semantics = [#tpu.dimension_semantics<core_parallel>, #tpu.dimension_semantics<subcore_parallel>], iteration_bounds = array<i64: 2, 16>, scalar_prefetch = 0 : i64, scratch_operands = 17 : i64, tpu.core_type = #tpu.core_type<sc_vector_subcore>, window_params = [{transform_indices = #map}, {transform_indices = #map}, {transform_indices = #map}, {transform_indices = #map1}, {transform_indices = #map1}, {transform_indices = #map}, {transform_indices = #map2}, {transform_indices = #map2}]} {
    %mul3A = arith.constant 2 : i32
    %mul3A_0 = arith.muli %arg1, %mul3A : i32
    %add3A = arith.addi %mul3A_0, %arg0 : i32
    %mul3A_1 = arith.constant 10000 : i32
    %mul3A_2 = arith.muli %add3A, %mul3A_1 : i32
    %mul3A_3 = arith.constant 640 : i32
    %mul3A_4 = arith.muli %arg1, %mul3A_3 : i32
    %mul3A_5 = arith.constant 640 : i32
    %mul3A_6 = arith.muli %arg1, %mul3A_5 : i32
    "tpu.region"() ({
      %run_scoped3A = tpu.sem_alloc : memref<!tpu.dma_semaphore, #tpu.memory_space<semaphore_mem>>
      %dma_start3A_238 = arith.constant 0 : i32
      %dma_start3A_239 = tpu.memref_slice %arg18[%mul3A_6, %dma_start3A_238] : memref<10240x128xf32, #tpu.memory_space<vmem_shared>> -> memref<640x128xf32, #tpu.memory_space<vmem_shared>>
      %dma_start3A_240 = arith.constant 0 : i32
      %dma_start3A_241 = tpu.memref_slice %arg7[%mul3A_4, %dma_start3A_240] : memref<10240x128xf32, #tpu.memory_space<hbm>> -> memref<640x128xf32, #tpu.memory_space<hbm>>
      tpu.enqueue_dma source(%dma_start3A_241 : memref<640x128xf32, #tpu.memory_space<hbm>>) target(%dma_start3A_239 : memref<640x128xf32, #tpu.memory_space<vmem_shared>>) target_semaphore(%run_scoped3A : memref<!tpu.dma_semaphore, #tpu.memory_space<semaphore_mem>>)
      %dma_wait3A_242 = arith.constant 0 : i32
      %dma_wait3A_243 = tpu.memref_slice %arg18[%mul3A_6, %dma_wait3A_242] : memref<10240x128xf32, #tpu.memory_space<vmem_shared>> -> memref<640x128xf32, #tpu.memory_space<vmem_shared>>
      %dma_wait3A_244 = arith.constant 0 : i32
      %dma_wait3A_245 = tpu.memref_slice %arg7[%mul3A_4, %dma_wait3A_244] : memref<10240x128xf32, #tpu.memory_space<hbm>> -> memref<640x128xf32, #tpu.memory_space<hbm>>
      tpu.wait_dma2 semaphore(%run_scoped3A : memref<!tpu.dma_semaphore, #tpu.memory_space<semaphore_mem>>) src(%dma_wait3A_245 : memref<640x128xf32, #tpu.memory_space<hbm>>) dst(%dma_wait3A_243 : memref<640x128xf32, #tpu.memory_space<vmem_shared>>)
      tpu.yield
    }) : () -> ()
    %broadcast_in_dim3A = arith.constant 0.000000e+00 : f32
    %broadcast_in_dim3A_7 = vector.broadcast %broadcast_in_dim3A : f32 to vector<16xf32>
    %swap3A = arith.constant 0 : i32
    %swap3A_8 = arith.index_cast %swap3A : i32 to index
    %swap3A_9 = arith.constant 0 : index
    %swap3A_10 = tpu.vector_load %arg17[%swap3A_8, %swap3A_9] {strides = array<i32>} : memref<2x128xf32, #tpu.memory_space<vmem>>, vector<1x16xf32>,
    %swap3A_11 = vector.shape_cast %swap3A_10 : vector<1x16xf32> to vector<16xf32>
    %swap3A_12 = vector.shape_cast %broadcast_in_dim3A_7 : vector<16xf32> to vector<1x16xf32>
    tpu.vector_store %arg17[%swap3A_8, %swap3A_9], %swap3A_12 {strides = array<i32>} : memref<2x128xf32, #tpu.memory_space<vmem>>, vector<1x16xf32>,
    %swap3A_13 = arith.constant 1 : i32
    %swap3A_14 = arith.index_cast %swap3A_13 : i32 to index
    %swap3A_15 = arith.constant 0 : index
    %swap3A_16 = tpu.vector_load %arg17[%swap3A_14, %swap3A_15] {strides = array<i32>} : memref<2x128xf32, #tpu.memory_space<vmem>>, vector<1x16xf32>,
    %swap3A_17 = vector.shape_cast %swap3A_16 : vector<1x16xf32> to vector<16xf32>
    %swap3A_18 = vector.shape_cast %broadcast_in_dim3A_7 : vector<16xf32> to vector<1x16xf32>
    tpu.vector_store %arg17[%swap3A_14, %swap3A_15], %swap3A_18 {strides = array<i32>} : memref<2x128xf32, #tpu.memory_space<vmem>>, vector<1x16xf32>,
    %swap3A_19 = arith.constant 0 : i32
    %swap3A_20 = arith.index_cast %swap3A_19 : i32 to index
    %swap3A_21 = arith.constant 16 : index
    %swap3A_22 = tpu.vector_load %arg17[%swap3A_20, %swap3A_21] {strides = array<i32>} : memref<2x128xf32, #tpu.memory_space<vmem>>, vector<1x16xf32>,
    %swap3A_23 = vector.shape_cast %swap3A_22 : vector<1x16xf32> to vector<16xf32>
    %swap3A_24 = vector.shape_cast %broadcast_in_dim3A_7 : vector<16xf32> to vector<1x16xf32>
    tpu.vector_store %arg17[%swap3A_20, %swap3A_21], %swap3A_24 {strides = array<i32>} : memref<2x128xf32, #tpu.memory_space<vmem>>, vector<1x16xf32>,
    %swap3A_25 = arith.constant 1 : i32
    %swap3A_26 = arith.index_cast %swap3A_25 : i32 to index
    %swap3A_27 = arith.constant 16 : index
    %swap3A_28 = tpu.vector_load %arg17[%swap3A_26, %swap3A_27] {strides = array<i32>} : memref<2x128xf32, #tpu.memory_space<vmem>>, vector<1x16xf32>,
    %swap3A_29 = vector.shape_cast %swap3A_28 : vector<1x16xf32> to vector<16xf32>
    %swap3A_30 = vector.shape_cast %broadcast_in_dim3A_7 : vector<16xf32> to vector<1x16xf32>
    tpu.vector_store %arg17[%swap3A_26, %swap3A_27], %swap3A_30 {strides = array<i32>} : memref<2x128xf32, #tpu.memory_space<vmem>>, vector<1x16xf32>,
    %swap3A_31 = arith.constant 0 : i32
    %swap3A_32 = arith.index_cast %swap3A_31 : i32 to index
    %swap3A_33 = arith.constant 32 : index
    %swap3A_34 = tpu.vector_load %arg17[%swap3A_32, %swap3A_33] {strides = array<i32>} : memref<2x128xf32, #tpu.memory_space<vmem>>, vector<1x16xf32>,
    %swap3A_35 = vector.shape_cast %swap3A_34 : vector<1x16xf32> to vector<16xf32>
    %swap3A_36 = vector.shape_cast %broadcast_in_dim3A_7 : vector<16xf32> to vector<1x16xf32>
    tpu.vector_store %arg17[%swap3A_32, %swap3A_33], %swap3A_36 {strides = array<i32>} : memref<2x128xf32, #tpu.memory_space<vmem>>, vector<1x16xf32>,
    %swap3A_37 = arith.constant 1 : i32
    %swap3A_38 = arith.index_cast %swap3A_37 : i32 to index
    %swap3A_39 = arith.constant 32 : index
    %swap3A_40 = tpu.vector_load %arg17[%swap3A_38, %swap3A_39] {strides = array<i32>} : memref<2x128xf32, #tpu.memory_space<vmem>>, vector<1x16xf32>,
    %swap3A_41 = vector.shape_cast %swap3A_40 : vector<1x16xf32> to vector<16xf32>
    %swap3A_42 = vector.shape_cast %broadcast_in_dim3A_7 : vector<16xf32> to vector<1x16xf32>
    tpu.vector_store %arg17[%swap3A_38, %swap3A_39], %swap3A_42 {strides = array<i32>} : memref<2x128xf32, #tpu.memory_space<vmem>>, vector<1x16xf32>,
    %swap3A_43 = arith.constant 0 : i32
    %swap3A_44 = arith.index_cast %swap3A_43 : i32 to index
    %swap3A_45 = arith.constant 48 : index
    %swap3A_46 = tpu.vector_load %arg17[%swap3A_44, %swap3A_45] {strides = array<i32>} : memref<2x128xf32, #tpu.memory_space<vmem>>, vector<1x16xf32>,
    %swap3A_47 = vector.shape_cast %swap3A_46 : vector<1x16xf32> to vector<16xf32>
    %swap3A_48 = vector.shape_cast %broadcast_in_dim3A_7 : vector<16xf32> to vector<1x16xf32>
    tpu.vector_store %arg17[%swap3A_44, %swap3A_45], %swap3A_48 {strides = array<i32>} : memref<2x128xf32, #tpu.memory_space<vmem>>, vector<1x16xf32>,
    %swap3A_49 = arith.constant 1 : i32
    %swap3A_50 = arith.index_cast %swap3A_49 : i32 to index
    %swap3A_51 = arith.constant 48 : index
    %swap3A_52 = tpu.vector_load %arg17[%swap3A_50, %swap3A_51] {strides = array<i32>} : memref<2x128xf32, #tpu.memory_space<vmem>>, vector<1x16xf32>,
    %swap3A_53 = vector.shape_cast %swap3A_52 : vector<1x16xf32> to vector<16xf32>
    %swap3A_54 = vector.shape_cast %broadcast_in_dim3A_7 : vector<16xf32> to vector<1x16xf32>
    tpu.vector_store %arg17[%swap3A_50, %swap3A_51], %swap3A_54 {strides = array<i32>} : memref<2x128xf32, #tpu.memory_space<vmem>>, vector<1x16xf32>,
    %swap3A_55 = arith.constant 0 : i32
    %swap3A_56 = arith.index_cast %swap3A_55 : i32 to index
    %swap3A_57 = arith.constant 64 : index
    %swap3A_58 = tpu.vector_load %arg17[%swap3A_56, %swap3A_57] {strides = array<i32>} : memref<2x128xf32, #tpu.memory_space<vmem>>, vector<1x16xf32>,
    %swap3A_59 = vector.shape_cast %swap3A_58 : vector<1x16xf32> to vector<16xf32>
    %swap3A_60 = vector.shape_cast %broadcast_in_dim3A_7 : vector<16xf32> to vector<1x16xf32>
    tpu.vector_store %arg17[%swap3A_56, %swap3A_57], %swap3A_60 {strides = array<i32>} : memref<2x128xf32, #tpu.memory_space<vmem>>, vector<1x16xf32>,
    %swap3A_61 = arith.constant 1 : i32
    %swap3A_62 = arith.index_cast %swap3A_61 : i32 to index
    %swap3A_63 = arith.constant 64 : index
    %swap3A_64 = tpu.vector_load %arg17[%swap3A_62, %swap3A_63] {strides = array<i32>} : memref<2x128xf32, #tpu.memory_space<vmem>>, vector<1x16xf32>,
    %swap3A_65 = vector.shape_cast %swap3A_64 : vector<1x16xf32> to vector<16xf32>
    %swap3A_66 = vector.shape_cast %broadcast_in_dim3A_7 : vector<16xf32> to vector<1x16xf32>
    tpu.vector_store %arg17[%swap3A_62, %swap3A_63], %swap3A_66 {strides = array<i32>} : memref<2x128xf32, #tpu.memory_space<vmem>>, vector<1x16xf32>,
    %swap3A_67 = arith.constant 0 : i32
    %swap3A_68 = arith.index_cast %swap3A_67 : i32 to index
    %swap3A_69 = arith.constant 80 : index
    %swap3A_70 = tpu.vector_load %arg17[%swap3A_68, %swap3A_69] {strides = array<i32>} : memref<2x128xf32, #tpu.memory_space<vmem>>, vector<1x16xf32>,
    %swap3A_71 = vector.shape_cast %swap3A_70 : vector<1x16xf32> to vector<16xf32>
    %swap3A_72 = vector.shape_cast %broadcast_in_dim3A_7 : vector<16xf32> to vector<1x16xf32>
    tpu.vector_store %arg17[%swap3A_68, %swap3A_69], %swap3A_72 {strides = array<i32>} : memref<2x128xf32, #tpu.memory_space<vmem>>, vector<1x16xf32>,
    %swap3A_73 = arith.constant 1 : i32
    %swap3A_74 = arith.index_cast %swap3A_73 : i32 to index
    %swap3A_75 = arith.constant 80 : index
    %swap3A_76 = tpu.vector_load %arg17[%swap3A_74, %swap3A_75] {strides = array<i32>} : memref<2x128xf32, #tpu.memory_space<vmem>>, vector<1x16xf32>,
    %swap3A_77 = vector.shape_cast %swap3A_76 : vector<1x16xf32> to vector<16xf32>
    %swap3A_78 = vector.shape_cast %broadcast_in_dim3A_7 : vector<16xf32> to vector<1x16xf32>
    tpu.vector_store %arg17[%swap3A_74, %swap3A_75], %swap3A_78 {strides = array<i32>} : memref<2x128xf32, #tpu.memory_space<vmem>>, vector<1x16xf32>,
    %swap3A_79 = arith.constant 0 : i32
    %swap3A_80 = arith.index_cast %swap3A_79 : i32 to index
    %swap3A_81 = arith.constant 96 : index
    %swap3A_82 = tpu.vector_load %arg17[%swap3A_80, %swap3A_81] {strides = array<i32>} : memref<2x128xf32, #tpu.memory_space<vmem>>, vector<1x16xf32>,
    %swap3A_83 = vector.shape_cast %swap3A_82 : vector<1x16xf32> to vector<16xf32>
    %swap3A_84 = vector.shape_cast %broadcast_in_dim3A_7 : vector<16xf32> to vector<1x16xf32>
    tpu.vector_store %arg17[%swap3A_80, %swap3A_81], %swap3A_84 {strides = array<i32>} : memref<2x128xf32, #tpu.memory_space<vmem>>, vector<1x16xf32>,
    %swap3A_85 = arith.constant 1 : i32
    %swap3A_86 = arith.index_cast %swap3A_85 : i32 to index
    %swap3A_87 = arith.constant 96 : index
    %swap3A_88 = tpu.vector_load %arg17[%swap3A_86, %swap3A_87] {strides = array<i32>} : memref<2x128xf32, #tpu.memory_space<vmem>>, vector<1x16xf32>,
    %swap3A_89 = vector.shape_cast %swap3A_88 : vector<1x16xf32> to vector<16xf32>
    %swap3A_90 = vector.shape_cast %broadcast_in_dim3A_7 : vector<16xf32> to vector<1x16xf32>
    tpu.vector_store %arg17[%swap3A_86, %swap3A_87], %swap3A_90 {strides = array<i32>} : memref<2x128xf32, #tpu.memory_space<vmem>>, vector<1x16xf32>,
    %swap3A_91 = arith.constant 0 : i32
    %swap3A_92 = arith.index_cast %swap3A_91 : i32 to index
    %swap3A_93 = arith.constant 112 : index
    %swap3A_94 = tpu.vector_load %arg17[%swap3A_92, %swap3A_93] {strides = array<i32>} : memref<2x128xf32, #tpu.memory_space<vmem>>, vector<1x16xf32>,
    %swap3A_95 = vector.shape_cast %swap3A_94 : vector<1x16xf32> to vector<16xf32>
    %swap3A_96 = vector.shape_cast %broadcast_in_dim3A_7 : vector<16xf32> to vector<1x16xf32>
    tpu.vector_store %arg17[%swap3A_92, %swap3A_93], %swap3A_96 {strides = array<i32>} : memref<2x128xf32, #tpu.memory_space<vmem>>, vector<1x16xf32>,
    %swap3A_97 = arith.constant 1 : i32
    %swap3A_98 = arith.index_cast %swap3A_97 : i32 to index
    %swap3A_99 = arith.constant 112 : index
    %swap3A_100 = tpu.vector_load %arg17[%swap3A_98, %swap3A_99] {strides = array<i32>} : memref<2x128xf32, #tpu.memory_space<vmem>>, vector<1x16xf32>,
    %swap3A_101 = vector.shape_cast %swap3A_100 : vector<1x16xf32> to vector<16xf32>
    %swap3A_102 = vector.shape_cast %broadcast_in_dim3A_7 : vector<16xf32> to vector<1x16xf32>
    tpu.vector_store %arg17[%swap3A_98, %swap3A_99], %swap3A_102 {strides = array<i32>} : memref<2x128xf32, #tpu.memory_space<vmem>>, vector<1x16xf32>,
    %barrier3A = arith.constant 0 : index
    tpu.barrier barrier_id(%barrier3A)
    %broadcast_in_dim3A_103 = arith.constant -65536 : i32
    %broadcast_in_dim3A_104 = vector.broadcast %broadcast_in_dim3A_103 : i32 to vector<16xi32>
    %add3A_105 = arith.constant 0 : i32
    %add3A_106 = arith.addi %mul3A_2, %add3A_105 : i32
    %dma_start3A = arith.constant 0 : i32
    %dma_start3A_107 = arith.constant 0 : i32
    %dma_start3A_108 = tpu.memref_slice %arg10[%dma_start3A, %dma_start3A_107] : memref<2x40xi32, #tpu.memory_space<vmem>> -> memref<1x40xi32, #tpu.memory_space<vmem>>
    %dma_start3A_109 = tpu.memref_squeeze %dma_start3A_108 : memref<1x40xi32, #tpu.memory_space<vmem>> -> memref<40xi32, #tpu.memory_space<vmem>>
    %dma_start3A_110 = tpu.memref_slice %arg5[%add3A_106] : memref<320000xi32, #tpu.memory_space<hbm>> -> memref<40xi32, #tpu.memory_space<hbm>>
    %dma_start3A_111 = arith.constant 0 : i32
    %dma_start3A_112 = tpu.memref_slice %arg10[%dma_start3A, %dma_start3A_111] : memref<2x40xi32, #tpu.memory_space<vmem>> -> memref<1x40xi32, #tpu.memory_space<vmem>>
    %dma_start3A_113 = tpu.memref_squeeze %dma_start3A_112 : memref<1x40xi32, #tpu.memory_space<vmem>> -> memref<40xi32, #tpu.memory_space<vmem>>
    %dma_start3A_114 = tpu.memref_slice %arg5[%add3A_106] : memref<320000xi32, #tpu.memory_space<hbm>> -> memref<40xi32, #tpu.memory_space<hbm>>
    tpu.enqueue_dma source(%dma_start3A_114 : memref<40xi32, #tpu.memory_space<hbm>>) target(%dma_start3A_113 : memref<40xi32, #tpu.memory_space<vmem>>) target_semaphore(%arg21 : memref<!tpu.dma_semaphore, #tpu.memory_space<semaphore_mem>>)
    %dma_start3A_115 = arith.constant 0 : i32
    %dma_start3A_116 = arith.constant 0 : i32
    %dma_start3A_117 = tpu.memref_slice %arg11[%dma_start3A_115, %dma_start3A_116] : memref<2x40xi32, #tpu.memory_space<vmem>> -> memref<1x40xi32, #tpu.memory_space<vmem>>
    %dma_start3A_118 = tpu.memref_squeeze %dma_start3A_117 : memref<1x40xi32, #tpu.memory_space<vmem>> -> memref<40xi32, #tpu.memory_space<vmem>>
    %dma_start3A_119 = tpu.memref_slice %arg6[%add3A_106] : memref<320000xi32, #tpu.memory_space<hbm>> -> memref<40xi32, #tpu.memory_space<hbm>>
    %dma_start3A_120 = arith.constant 0 : i32
    %dma_start3A_121 = tpu.memref_slice %arg11[%dma_start3A_115, %dma_start3A_120] : memref<2x40xi32, #tpu.memory_space<vmem>> -> memref<1x40xi32, #tpu.memory_space<vmem>>
    %dma_start3A_122 = tpu.memref_squeeze %dma_start3A_121 : memref<1x40xi32, #tpu.memory_space<vmem>> -> memref<40xi32, #tpu.memory_space<vmem>>
    %dma_start3A_123 = tpu.memref_slice %arg6[%add3A_106] : memref<320000xi32, #tpu.memory_space<hbm>> -> memref<40xi32, #tpu.memory_space<hbm>>
    tpu.enqueue_dma source(%dma_start3A_123 : memref<40xi32, #tpu.memory_space<hbm>>) target(%dma_start3A_122 : memref<40xi32, #tpu.memory_space<vmem>>) target_semaphore(%arg21 : memref<!tpu.dma_semaphore, #tpu.memory_space<semaphore_mem>>)
    %add3A_124 = arith.constant 40 : i32
    %add3A_125 = arith.addi %mul3A_2, %add3A_124 : i32
    %dma_start3A_126 = arith.constant 1 : i32
    %dma_start3A_127 = arith.constant 0 : i32
    %dma_start3A_128 = tpu.memref_slice %arg10[%dma_start3A_126, %dma_start3A_127] : memref<2x40xi32, #tpu.memory_space<vmem>> -> memref<1x40xi32, #tpu.memory_space<vmem>>
    %dma_start3A_129 = tpu.memref_squeeze %dma_start3A_128 : memref<1x40xi32, #tpu.memory_space<vmem>> -> memref<40xi32, #tpu.memory_space<vmem>>
    %dma_start3A_130 = tpu.memref_slice %arg5[%add3A_125] : memref<320000xi32, #tpu.memory_space<hbm>> -> memref<40xi32, #tpu.memory_space<hbm>>
    %dma_start3A_131 = arith.constant 0 : i32
    %dma_start3A_132 = tpu.memref_slice %arg10[%dma_start3A_126, %dma_start3A_131] : memref<2x40xi32, #tpu.memory_space<vmem>> -> memref<1x40xi32, #tpu.memory_space<vmem>>
    %dma_start3A_133 = tpu.memref_squeeze %dma_start3A_132 : memref<1x40xi32, #tpu.memory_space<vmem>> -> memref<40xi32, #tpu.memory_space<vmem>>
    %dma_start3A_134 = tpu.memref_slice %arg5[%add3A_125] : memref<320000xi32, #tpu.memory_space<hbm>> -> memref<40xi32, #tpu.memory_space<hbm>>
    tpu.enqueue_dma source(%dma_start3A_134 : memref<40xi32, #tpu.memory_space<hbm>>) target(%dma_start3A_133 : memref<40xi32, #tpu.memory_space<vmem>>) target_semaphore(%arg22 : memref<!tpu.dma_semaphore, #tpu.memory_space<semaphore_mem>>)
    %dma_start3A_135 = arith.constant 1 : i32
    %dma_start3A_136 = arith.constant 0 : i32
    %dma_start3A_137 = tpu.memref_slice %arg11[%dma_start3A_135, %dma_start3A_136] : memref<2x40xi32, #tpu.memory_space<vmem>> -> memref<1x40xi32, #tpu.memory_space<vmem>>
    %dma_start3A_138 = tpu.memref_squeeze %dma_start3A_137 : memref<1x40xi32, #tpu.memory_space<vmem>> -> memref<40xi32, #tpu.memory_space<vmem>>
    %dma_start3A_139 = tpu.memref_slice %arg6[%add3A_125] : memref<320000xi32, #tpu.memory_space<hbm>> -> memref<40xi32, #tpu.memory_space<hbm>>
    %dma_start3A_140 = arith.constant 0 : i32
    %dma_start3A_141 = tpu.memref_slice %arg11[%dma_start3A_135, %dma_start3A_140] : memref<2x40xi32, #tpu.memory_space<vmem>> -> memref<1x40xi32, #tpu.memory_space<vmem>>
    %dma_start3A_142 = tpu.memref_squeeze %dma_start3A_141 : memref<1x40xi32, #tpu.memory_space<vmem>> -> memref<40xi32, #tpu.memory_space<vmem>>
    %dma_start3A_143 = tpu.memref_slice %arg6[%add3A_125] : memref<320000xi32, #tpu.memory_space<hbm>> -> memref<40xi32, #tpu.memory_space<hbm>>
    tpu.enqueue_dma source(%dma_start3A_143 : memref<40xi32, #tpu.memory_space<hbm>>) target(%dma_start3A_142 : memref<40xi32, #tpu.memory_space<vmem>>) target_semaphore(%arg22 : memref<!tpu.dma_semaphore, #tpu.memory_space<semaphore_mem>>)
    %dma_wait3A = arith.constant 0 : i32
    %dma_wait3A_144 = arith.constant 0 : i32
    %dma_wait3A_145 = tpu.memref_slice %arg10[%dma_wait3A, %dma_wait3A_144] : memref<2x40xi32, #tpu.memory_space<vmem>> -> memref<1x40xi32, #tpu.memory_space<vmem>>
    %dma_wait3A_146 = tpu.memref_squeeze %dma_wait3A_145 : memref<1x40xi32, #tpu.memory_space<vmem>> -> memref<40xi32, #tpu.memory_space<vmem>>
    %dma_wait3A_147 = arith.constant 0 : i32
    %dma_wait3A_148 = tpu.memref_slice %arg5[%dma_wait3A_147] : memref<320000xi32, #tpu.memory_space<hbm>> -> memref<40xi32, #tpu.memory_space<hbm>>
    %dma_wait3A_149 = arith.constant 0 : i32
    %dma_wait3A_150 = tpu.memref_slice %arg10[%dma_wait3A, %dma_wait3A_149] : memref<2x40xi32, #tpu.memory_space<vmem>> -> memref<1x40xi32, #tpu.memory_space<vmem>>
    %dma_wait3A_151 = tpu.memref_squeeze %dma_wait3A_150 : memref<1x40xi32, #tpu.memory_space<vmem>> -> memref<40xi32, #tpu.memory_space<vmem>>
    %dma_wait3A_152 = arith.constant 0 : i32
    %dma_wait3A_153 = tpu.memref_slice %arg5[%dma_wait3A_152] : memref<320000xi32, #tpu.memory_space<hbm>> -> memref<40xi32, #tpu.memory_space<hbm>>
    tpu.wait_dma2 semaphore(%arg21 : memref<!tpu.dma_semaphore, #tpu.memory_space<semaphore_mem>>) src(%dma_wait3A_153 : memref<40xi32, #tpu.memory_space<hbm>>) dst(%dma_wait3A_151 : memref<40xi32, #tpu.memory_space<vmem>>)
    %dma_wait3A_154 = arith.constant 0 : i32
    %dma_wait3A_155 = arith.constant 0 : i32
    %dma_wait3A_156 = tpu.memref_slice %arg11[%dma_wait3A_154, %dma_wait3A_155] : memref<2x40xi32, #tpu.memory_space<vmem>> -> memref<1x40xi32, #tpu.memory_space<vmem>>
    %dma_wait3A_157 = tpu.memref_squeeze %dma_wait3A_156 : memref<1x40xi32, #tpu.memory_space<vmem>> -> memref<40xi32, #tpu.memory_space<vmem>>
    %dma_wait3A_158 = arith.constant 0 : i32
    %dma_wait3A_159 = tpu.memref_slice %arg6[%dma_wait3A_158] : memref<320000xi32, #tpu.memory_space<hbm>> -> memref<40xi32, #tpu.memory_space<hbm>>
    %dma_wait3A_160 = arith.constant 0 : i32
    %dma_wait3A_161 = tpu.memref_slice %arg11[%dma_wait3A_154, %dma_wait3A_160] : memref<2x40xi32, #tpu.memory_space<vmem>> -> memref<1x40xi32, #tpu.memory_space<vmem>>
    %dma_wait3A_162 = tpu.memref_squeeze %dma_wait3A_161 : memref<1x40xi32, #tpu.memory_space<vmem>> -> memref<40xi32, #tpu.memory_space<vmem>>
    %dma_wait3A_163 = arith.constant 0 : i32
    %dma_wait3A_164 = tpu.memref_slice %arg6[%dma_wait3A_163] : memref<320000xi32, #tpu.memory_space<hbm>> -> memref<40xi32, #tpu.memory_space<hbm>>
    tpu.wait_dma2 semaphore(%arg21 : memref<!tpu.dma_semaphore, #tpu.memory_space<semaphore_mem>>) src(%dma_wait3A_164 : memref<40xi32, #tpu.memory_space<hbm>>) dst(%dma_wait3A_162 : memref<40xi32, #tpu.memory_space<vmem>>)
    %add3A_165 = arith.constant 0 : i32
    %add3A_166 = arith.addi %mul3A_2, %add3A_165 : i32
    %dma_start3A_167 = arith.constant 0 : i32
    %dma_start3A_168 = arith.constant 0 : i32
    %dma_start3A_169 = arith.constant 0 : i32
    %dma_start3A_170 = arith.constant 0 : i32
    %dma_start3A_171 = tpu.memref_slice %arg13[%dma_start3A_168, %dma_start3A_169, %dma_start3A_170] : memref<2x40x128xf32, #tpu.memory_space<vmem>> -> memref<1x40x128xf32, #tpu.memory_space<vmem>>
    %dma_start3A_172 = tpu.memref_squeeze %dma_start3A_171 : memref<1x40x128xf32, #tpu.memory_space<vmem>> -> memref<40x128xf32, #tpu.memory_space<vmem>>
    %dma_start3A_173 = arith.constant 0 : i32
    %dma_start3A_174 = tpu.memref_slice %arg10[%dma_start3A_167, %dma_start3A_173] : memref<2x40xi32, #tpu.memory_space<vmem>> -> memref<1x40xi32, #tpu.memory_space<vmem>>
    %dma_start3A_175 = tpu.memref_squeeze %dma_start3A_174 : memref<1x40xi32, #tpu.memory_space<vmem>> -> memref<40xi32, #tpu.memory_space<vmem>>
    %dma_start3A_176 = arith.constant 0 : i32
    %dma_start3A_177 = arith.constant 0 : i32
    %dma_start3A_178 = tpu.memref_slice %arg2[%dma_start3A_176, %dma_start3A_177] : memref<10240x128xf32, #tpu.memory_space<hbm>> -> memref<10240x128xf32, #tpu.memory_space<hbm>>
    tpu.enqueue_indirect_dma source(%dma_start3A_178 : memref<10240x128xf32, #tpu.memory_space<hbm>>) target(%dma_start3A_172 : memref<40x128xf32, #tpu.memory_space<vmem>>) offsets(%dma_start3A_175 : memref<40xi32, #tpu.memory_space<vmem>>) semaphore(%arg19 : memref<!tpu.dma_semaphore, #tpu.memory_space<semaphore_mem>>)
    %dma_start3A_179 = arith.constant 0 : i32
    %dma_start3A_180 = arith.constant 0 : i32
    %dma_start3A_181 = arith.constant 0 : i32
    %dma_start3A_182 = arith.constant 0 : i32
    %dma_start3A_183 = tpu.memref_slice %arg14[%dma_start3A_180, %dma_start3A_181, %dma_start3A_182] : memref<2x40x128xf32, #tpu.memory_space<vmem>> -> memref<1x40x128xf32, #tpu.memory_space<vmem>>
    %dma_start3A_184 = tpu.memref_squeeze %dma_start3A_183 : memref<1x40x128xf32, #tpu.memory_space<vmem>> -> memref<40x128xf32, #tpu.memory_space<vmem>>
    %dma_start3A_185 = arith.constant 0 : i32
    %dma_start3A_186 = tpu.memref_slice %arg11[%dma_start3A_179, %dma_start3A_185] : memref<2x40xi32, #tpu.memory_space<vmem>> -> memref<1x40xi32, #tpu.memory_space<vmem>>
    %dma_start3A_187 = tpu.memref_squeeze %dma_start3A_186 : memref<1x40xi32, #tpu.memory_space<vmem>> -> memref<40xi32, #tpu.memory_space<vmem>>
    %dma_start3A_188 = arith.constant 0 : i32
    %dma_start3A_189 = arith.constant 0 : i32
    %dma_start3A_190 = tpu.memref_slice %arg3[%dma_start3A_188, %dma_start3A_189] : memref<10240x128xf32, #tpu.memory_space<hbm>> -> memref<10240x128xf32, #tpu.memory_space<hbm>>
    tpu.enqueue_indirect_dma source(%dma_start3A_190 : memref<10240x128xf32, #tpu.memory_space<hbm>>) target(%dma_start3A_184 : memref<40x128xf32, #tpu.memory_space<vmem>>) offsets(%dma_start3A_187 : memref<40xi32, #tpu.memory_space<vmem>>) semaphore(%arg19 : memref<!tpu.dma_semaphore, #tpu.memory_space<semaphore_mem>>)
    %dma_start3A_191 = arith.constant 0 : i32
    %dma_start3A_192 = arith.constant 0 : i32
    %dma_start3A_193 = arith.constant 0 : i32
    %dma_start3A_194 = tpu.memref_slice %arg15[%dma_start3A_191, %dma_start3A_192, %dma_start3A_193] : memref<2x40x64xf32, #tpu.memory_space<vmem>> -> memref<1x40x64xf32, #tpu.memory_space<vmem>>
    %dma_start3A_195 = tpu.memref_squeeze %dma_start3A_194 : memref<1x40x64xf32, #tpu.memory_space<vmem>> -> memref<40x64xf32, #tpu.memory_space<vmem>>
    %dma_start3A_196 = arith.constant 0 : i32
    %dma_start3A_197 = tpu.memref_slice %arg4[%add3A_166, %dma_start3A_196] : memref<320000x64xf32, #tpu.memory_space<hbm>> -> memref<40x64xf32, #tpu.memory_space<hbm>>
    %dma_start3A_198 = arith.constant 0 : i32
    %dma_start3A_199 = arith.constant 0 : i32
    %dma_start3A_200 = tpu.memref_slice %arg15[%dma_start3A_191, %dma_start3A_198, %dma_start3A_199] : memref<2x40x64xf32, #tpu.memory_space<vmem>> -> memref<1x40x64xf32, #tpu.memory_space<vmem>>
    %dma_start3A_201 = tpu.memref_squeeze %dma_start3A_200 : memref<1x40x64xf32, #tpu.memory_space<vmem>> -> memref<40x64xf32, #tpu.memory_space<vmem>>
    %dma_start3A_202 = arith.constant 0 : i32
    %dma_start3A_203 = tpu.memref_slice %arg4[%add3A_166, %dma_start3A_202] : memref<320000x64xf32, #tpu.memory_space<hbm>> -> memref<40x64xf32, #tpu.memory_space<hbm>>
    tpu.enqueue_dma source(%dma_start3A_203 : memref<40x64xf32, #tpu.memory_space<hbm>>) target(%dma_start3A_201 : memref<40x64xf32, #tpu.memory_space<vmem>>) target_semaphore(%arg19 : memref<!tpu.dma_semaphore, #tpu.memory_space<semaphore_mem>>)
    %scan3A = arith.constant 0 : i32
    %scan3A_204 = arith.constant 0 : i32
    %scan3A_205 = arith.constant 125 : i32
    %scan3A_206 = arith.addi %scan3A_204, %scan3A_205 : i32
    %scan3A_207 = arith.constant 1 : i32
    scf.for %scan3A_238 = %scan3A_204 to %scan3A_206 step %scan3A_207  : i32 {
      %mul3A_239 = arith.constant 2 : i32
      %mul3A_240 = arith.muli %mul3A_239, %scan3A_238 : i32
      %add3A_241 = arith.constant 0 : i32
      %add3A_242 = arith.addi %mul3A_240, %add3A_241 : i32
      %ge3A = arith.constant 2 : i32
      %ge3A_243 = arith.cmpi sge, %add3A_242, %ge3A : i32
      %lt3A = arith.constant 250 : i32
      %lt3A_244 = arith.cmpi slt, %add3A_242, %lt3A : i32
      %and3A = arith.andi %ge3A_243, %lt3A_244 : i1
      %convert_element_type3A = arith.extui %and3A : i1 to i32
      %cond3A = arith.constant 0 : i32
      %cond3A_245 = arith.cmpi ne, %convert_element_type3A, %cond3A : i32
      scf.if %cond3A_245 {
        %dma_wait3A_306 = arith.constant 0 : i32
        %dma_wait3A_307 = arith.constant 0 : i32
        %dma_wait3A_308 = arith.constant 0 : i32
        %dma_wait3A_309 = arith.constant 0 : i32
        %dma_wait3A_310 = tpu.memref_slice %arg16[%dma_wait3A_306, %dma_wait3A_308, %dma_wait3A_309] : memref<2x40x128xf32, #tpu.memory_space<vmem>> -> memref<1x40x128xf32, #tpu.memory_space<vmem>>
        %dma_wait3A_311 = tpu.memref_squeeze %dma_wait3A_310 : memref<1x40x128xf32, #tpu.memory_space<vmem>> -> memref<40x128xf32, #tpu.memory_space<vmem>>
        %dma_wait3A_312 = arith.constant 0 : i32
        %dma_wait3A_313 = tpu.memref_slice %arg12[%dma_wait3A_307, %dma_wait3A_312] : memref<2x40xi32, #tpu.memory_space<vmem>> -> memref<1x40xi32, #tpu.memory_space<vmem>>
        %dma_wait3A_314 = tpu.memref_squeeze %dma_wait3A_313 : memref<1x40xi32, #tpu.memory_space<vmem>> -> memref<40xi32, #tpu.memory_space<vmem>>
        %dma_wait3A_315 = arith.constant 0 : i32
        %dma_wait3A_316 = arith.constant 0 : i32
        %dma_wait3A_317 = tpu.memref_slice %arg18[%dma_wait3A_315, %dma_wait3A_316] : memref<10240x128xf32, #tpu.memory_space<vmem_shared>> -> memref<10240x128xf32, #tpu.memory_space<vmem_shared>>
        tpu.wait_indirect_dma semaphore(%arg25 : memref<!tpu.dma_semaphore, #tpu.memory_space<semaphore_mem>>) src(%dma_wait3A_311 : memref<40x128xf32, #tpu.memory_space<vmem>>) dst(%dma_wait3A_317 : memref<10240x128xf32, #tpu.memory_space<vmem_shared>>)
      } else {
      }
      %lt3A_246 = arith.constant 250 : i32
      %lt3A_247 = arith.cmpi slt, %add3A_242, %lt3A_246 : i32
      %convert_element_type3A_248 = arith.extui %lt3A_247 : i1 to i32
      %cond3A_249 = arith.constant 0 : i32
      %cond3A_250 = arith.cmpi ne, %convert_element_type3A_248, %cond3A_249 : i32
      scf.if %cond3A_250 {
        %mul3A_306 = arith.constant 40 : i32
        %mul3A_307 = arith.muli %add3A_242, %mul3A_306 : i32
        %add3A_308 = arith.addi %mul3A_2, %mul3A_307 : i32
        %dma_start3A_309 = arith.constant 0 : i32
        %dma_start3A_310 = arith.constant 0 : i32
        %dma_start3A_311 = tpu.memref_slice %arg12[%dma_start3A_309, %dma_start3A_310] : memref<2x40xi32, #tpu.memory_space<vmem>> -> memref<1x40xi32, #tpu.memory_space<vmem>>
        %dma_start3A_312 = tpu.memref_squeeze %dma_start3A_311 : memref<1x40xi32, #tpu.memory_space<vmem>> -> memref<40xi32, #tpu.memory_space<vmem>>
        %dma_start3A_313 = tpu.memref_slice %arg6[%add3A_308] : memref<320000xi32, #tpu.memory_space<hbm>> -> memref<40xi32, #tpu.memory_space<hbm>>
        %dma_start3A_314 = arith.constant 0 : i32
        %dma_start3A_315 = tpu.memref_slice %arg12[%dma_start3A_309, %dma_start3A_314] : memref<2x40xi32, #tpu.memory_space<vmem>> -> memref<1x40xi32, #tpu.memory_space<vmem>>
        %dma_start3A_316 = tpu.memref_squeeze %dma_start3A_315 : memref<1x40xi32, #tpu.memory_space<vmem>> -> memref<40xi32, #tpu.memory_space<vmem>>
        %dma_start3A_317 = tpu.memref_slice %arg6[%add3A_308] : memref<320000xi32, #tpu.memory_space<hbm>> -> memref<40xi32, #tpu.memory_space<hbm>>
        tpu.enqueue_dma source(%dma_start3A_317 : memref<40xi32, #tpu.memory_space<hbm>>) target(%dma_start3A_316 : memref<40xi32, #tpu.memory_space<vmem>>) target_semaphore(%arg23 : memref<!tpu.dma_semaphore, #tpu.memory_space<semaphore_mem>>)
      } else {
      }
      %add3A_251 = arith.constant 1 : i32
      %add3A_252 = arith.addi %add3A_242, %add3A_251 : i32
      %lt3A_253 = arith.constant 250 : i32
      %lt3A_254 = arith.cmpi slt, %add3A_252, %lt3A_253 : i32
      %convert_element_type3A_255 = arith.extui %lt3A_254 : i1 to i32
      %cond3A_256 = arith.constant 0 : i32
      %cond3A_257 = arith.cmpi ne, %convert_element_type3A_255, %cond3A_256 : i32
      scf.if %cond3A_257 {
        %dma_wait3A_306 = arith.constant 1 : i32
        %dma_wait3A_307 = arith.constant 0 : i32
        %dma_wait3A_308 = tpu.memref_slice %arg10[%dma_wait3A_306, %dma_wait3A_307] : memref<2x40xi32, #tpu.memory_space<vmem>> -> memref<1x40xi32, #tpu.memory_space<vmem>>
        %dma_wait3A_309 = tpu.memref_squeeze %dma_wait3A_308 : memref<1x40xi32, #tpu.memory_space<vmem>> -> memref<40xi32, #tpu.memory_space<vmem>>
        %dma_wait3A_310 = arith.constant 0 : i32
        %dma_wait3A_311 = tpu.memref_slice %arg5[%dma_wait3A_310] : memref<320000xi32, #tpu.memory_space<hbm>> -> memref<40xi32, #tpu.memory_space<hbm>>
        %dma_wait3A_312 = arith.constant 0 : i32
        %dma_wait3A_313 = tpu.memref_slice %arg10[%dma_wait3A_306, %dma_wait3A_312] : memref<2x40xi32, #tpu.memory_space<vmem>> -> memref<1x40xi32, #tpu.memory_space<vmem>>
        %dma_wait3A_314 = tpu.memref_squeeze %dma_wait3A_313 : memref<1x40xi32, #tpu.memory_space<vmem>> -> memref<40xi32, #tpu.memory_space<vmem>>
        %dma_wait3A_315 = arith.constant 0 : i32
        %dma_wait3A_316 = tpu.memref_slice %arg5[%dma_wait3A_315] : memref<320000xi32, #tpu.memory_space<hbm>> -> memref<40xi32, #tpu.memory_space<hbm>>
        tpu.wait_dma2 semaphore(%arg22 : memref<!tpu.dma_semaphore, #tpu.memory_space<semaphore_mem>>) src(%dma_wait3A_316 : memref<40xi32, #tpu.memory_space<hbm>>) dst(%dma_wait3A_314 : memref<40xi32, #tpu.memory_space<vmem>>)
        %dma_wait3A_317 = arith.constant 1 : i32
        %dma_wait3A_318 = arith.constant 0 : i32
        %dma_wait3A_319 = tpu.memref_slice %arg11[%dma_wait3A_317, %dma_wait3A_318] : memref<2x40xi32, #tpu.memory_space<vmem>> -> memref<1x40xi32, #tpu.memory_space<vmem>>
        %dma_wait3A_320 = tpu.memref_squeeze %dma_wait3A_319 : memref<1x40xi32, #tpu.memory_space<vmem>> -> memref<40xi32, #tpu.memory_space<vmem>>
        %dma_wait3A_321 = arith.constant 0 : i32
        %dma_wait3A_322 = tpu.memref_slice %arg6[%dma_wait3A_321] : memref<320000xi32, #tpu.memory_space<hbm>> -> memref<40xi32, #tpu.memory_space<hbm>>
        %dma_wait3A_323 = arith.constant 0 : i32
        %dma_wait3A_324 = tpu.memref_slice %arg11[%dma_wait3A_317, %dma_wait3A_323] : memref<2x40xi32, #tpu.memory_space<vmem>> -> memref<1x40xi32, #tpu.memory_space<vmem>>
        %dma_wait3A_325 = tpu.memref_squeeze %dma_wait3A_324 : memref<1x40xi32, #tpu.memory_space<vmem>> -> memref<40xi32, #tpu.memory_space<vmem>>
        %dma_wait3A_326 = arith.constant 0 : i32
        %dma_wait3A_327 = tpu.memref_slice %arg6[%dma_wait3A_326] : memref<320000xi32, #tpu.memory_space<hbm>> -> memref<40xi32, #tpu.memory_space<hbm>>
        tpu.wait_dma2 semaphore(%arg22 : memref<!tpu.dma_semaphore, #tpu.memory_space<semaphore_mem>>) src(%dma_wait3A_327 : memref<40xi32, #tpu.memory_space<hbm>>) dst(%dma_wait3A_325 : memref<40xi32, #tpu.memory_space<vmem>>)
        %add3A_328 = arith.constant 1 : i32
        %add3A_329 = arith.addi %add3A_242, %add3A_328 : i32
        %mul3A_330 = arith.constant 40 : i32
        %mul3A_331 = arith.muli %add3A_329, %mul3A_330 : i32
        %add3A_332 = arith.addi %mul3A_2, %mul3A_331 : i32
        %dma_start3A_333 = arith.constant 1 : i32
        %dma_start3A_334 = arith.constant 1 : i32
        %dma_start3A_335 = arith.constant 0 : i32
        %dma_start3A_336 = arith.constant 0 : i32
        %dma_start3A_337 = tpu.memref_slice %arg13[%dma_start3A_334, %dma_start3A_335, %dma_start3A_336] : memref<2x40x128xf32, #tpu.memory_space<vmem>> -> memref<1x40x128xf32, #tpu.memory_space<vmem>>
        %dma_start3A_338 = tpu.memref_squeeze %dma_start3A_337 : memref<1x40x128xf32, #tpu.memory_space<vmem>> -> memref<40x128xf32, #tpu.memory_space<vmem>>
        %dma_start3A_339 = arith.constant 0 : i32
        %dma_start3A_340 = tpu.memref_slice %arg10[%dma_start3A_333, %dma_start3A_339] : memref<2x40xi32, #tpu.memory_space<vmem>> -> memref<1x40xi32, #tpu.memory_space<vmem>>
        %dma_start3A_341 = tpu.memref_squeeze %dma_start3A_340 : memref<1x40xi32, #tpu.memory_space<vmem>> -> memref<40xi32, #tpu.memory_space<vmem>>
        %dma_start3A_342 = arith.constant 0 : i32
        %dma_start3A_343 = arith.constant 0 : i32
        %dma_start3A_344 = tpu.memref_slice %arg2[%dma_start3A_342, %dma_start3A_343] : memref<10240x128xf32, #tpu.memory_space<hbm>> -> memref<10240x128xf32, #tpu.memory_space<hbm>>
        tpu.enqueue_indirect_dma source(%dma_start3A_344 : memref<10240x128xf32, #tpu.memory_space<hbm>>) target(%dma_start3A_338 : memref<40x128xf32, #tpu.memory_space<vmem>>) offsets(%dma_start3A_341 : memref<40xi32, #tpu.memory_space<vmem>>) semaphore(%arg20 : memref<!tpu.dma_semaphore, #tpu.memory_space<semaphore_mem>>)
        %dma_start3A_345 = arith.constant 1 : i32
        %dma_start3A_346 = arith.constant 1 : i32
        %dma_start3A_347 = arith.constant 0 : i32
        %dma_start3A_348 = arith.constant 0 : i32
        %dma_start3A_349 = tpu.memref_slice %arg14[%dma_start3A_346, %dma_start3A_347, %dma_start3A_348] : memref<2x40x128xf32, #tpu.memory_space<vmem>> -> memref<1x40x128xf32, #tpu.memory_space<vmem>>
        %dma_start3A_350 = tpu.memref_squeeze %dma_start3A_349 : memref<1x40x128xf32, #tpu.memory_space<vmem>> -> memref<40x128xf32, #tpu.memory_space<vmem>>
        %dma_start3A_351 = arith.constant 0 : i32
        %dma_start3A_352 = tpu.memref_slice %arg11[%dma_start3A_345, %dma_start3A_351] : memref<2x40xi32, #tpu.memory_space<vmem>> -> memref<1x40xi32, #tpu.memory_space<vmem>>
        %dma_start3A_353 = tpu.memref_squeeze %dma_start3A_352 : memref<1x40xi32, #tpu.memory_space<vmem>> -> memref<40xi32, #tpu.memory_space<vmem>>
        %dma_start3A_354 = arith.constant 0 : i32
        %dma_start3A_355 = arith.constant 0 : i32
        %dma_start3A_356 = tpu.memref_slice %arg3[%dma_start3A_354, %dma_start3A_355] : memref<10240x128xf32, #tpu.memory_space<hbm>> -> memref<10240x128xf32, #tpu.memory_space<hbm>>
        tpu.enqueue_indirect_dma source(%dma_start3A_356 : memref<10240x128xf32, #tpu.memory_space<hbm>>) target(%dma_start3A_350 : memref<40x128xf32, #tpu.memory_space<vmem>>) offsets(%dma_start3A_353 : memref<40xi32, #tpu.memory_space<vmem>>) semaphore(%arg20 : memref<!tpu.dma_semaphore, #tpu.memory_space<semaphore_mem>>)
        %dma_start3A_357 = arith.constant 1 : i32
        %dma_start3A_358 = arith.constant 0 : i32
        %dma_start3A_359 = arith.constant 0 : i32
        %dma_start3A_360 = tpu.memref_slice %arg15[%dma_start3A_357, %dma_start3A_358, %dma_start3A_359] : memref<2x40x64xf32, #tpu.memory_space<vmem>> -> memref<1x40x64xf32, #tpu.memory_space<vmem>>
        %dma_start3A_361 = tpu.memref_squeeze %dma_start3A_360 : memref<1x40x64xf32, #tpu.memory_space<vmem>> -> memref<40x64xf32, #tpu.memory_space<vmem>>
        %dma_start3A_362 = arith.constant 0 : i32
        %dma_start3A_363 = tpu.memref_slice %arg4[%add3A_332, %dma_start3A_362] : memref<320000x64xf32, #tpu.memory_space<hbm>> -> memref<40x64xf32, #tpu.memory_space<hbm>>
        %dma_start3A_364 = arith.constant 0 : i32
        %dma_start3A_365 = arith.constant 0 : i32
        %dma_start3A_366 = tpu.memref_slice %arg15[%dma_start3A_357, %dma_start3A_364, %dma_start3A_365] : memref<2x40x64xf32, #tpu.memory_space<vmem>> -> memref<1x40x64xf32, #tpu.memory_space<vmem>>
        %dma_start3A_367 = tpu.memref_squeeze %dma_start3A_366 : memref<1x40x64xf32, #tpu.memory_space<vmem>> -> memref<40x64xf32, #tpu.memory_space<vmem>>
        %dma_start3A_368 = arith.constant 0 : i32
        %dma_start3A_369 = tpu.memref_slice %arg4[%add3A_332, %dma_start3A_368] : memref<320000x64xf32, #tpu.memory_space<hbm>> -> memref<40x64xf32, #tpu.memory_space<hbm>>
        tpu.enqueue_dma source(%dma_start3A_369 : memref<40x64xf32, #tpu.memory_space<hbm>>) target(%dma_start3A_367 : memref<40x64xf32, #tpu.memory_space<vmem>>) target_semaphore(%arg20 : memref<!tpu.dma_semaphore, #tpu.memory_space<semaphore_mem>>)
      } else {
      }
      %lt3A_258 = arith.constant 250 : i32
      %lt3A_259 = arith.cmpi slt, %add3A_242, %lt3A_258 : i32
      %convert_element_type3A_260 = arith.extui %lt3A_259 : i1 to i32
      %cond3A_261 = arith.constant 0 : i32
      %cond3A_262 = arith.cmpi ne, %convert_element_type3A_260, %cond3A_261 : i32
      scf.if %cond3A_262 {
        %dma_wait3A_306 = arith.constant 0 : i32
        %dma_wait3A_307 = arith.constant 0 : i32
        %dma_wait3A_308 = arith.constant 0 : i32
        %dma_wait3A_309 = arith.constant 0 : i32
        %dma_wait3A_310 = tpu.memref_slice %arg13[%dma_wait3A_307, %dma_wait3A_308, %dma_wait3A_309] : memref<2x40x128xf32, #tpu.memory_space<vmem>> -> memref<1x40x128xf32, #tpu.memory_space<vmem>>
        %dma_wait3A_311 = tpu.memref_squeeze %dma_wait3A_310 : memref<1x40x128xf32, #tpu.memory_space<vmem>> -> memref<40x128xf32, #tpu.memory_space<vmem>>
        %dma_wait3A_312 = arith.constant 0 : i32
        %dma_wait3A_313 = tpu.memref_slice %arg10[%dma_wait3A_306, %dma_wait3A_312] : memref<2x40xi32, #tpu.memory_space<vmem>> -> memref<1x40xi32, #tpu.memory_space<vmem>>
        %dma_wait3A_314 = tpu.memref_squeeze %dma_wait3A_313 : memref<1x40xi32, #tpu.memory_space<vmem>> -> memref<40xi32, #tpu.memory_space<vmem>>
        %dma_wait3A_315 = arith.constant 0 : i32
        %dma_wait3A_316 = arith.constant 0 : i32
        %dma_wait3A_317 = tpu.memref_slice %arg2[%dma_wait3A_315, %dma_wait3A_316] : memref<10240x128xf32, #tpu.memory_space<hbm>> -> memref<10240x128xf32, #tpu.memory_space<hbm>>
        tpu.wait_indirect_dma semaphore(%arg19 : memref<!tpu.dma_semaphore, #tpu.memory_space<semaphore_mem>>) src(%dma_wait3A_317 : memref<10240x128xf32, #tpu.memory_space<hbm>>) dst(%dma_wait3A_311 : memref<40x128xf32, #tpu.memory_space<vmem>>)
        %dma_wait3A_318 = arith.constant 0 : i32
        %dma_wait3A_319 = arith.constant 0 : i32
        %dma_wait3A_320 = arith.constant 0 : i32
        %dma_wait3A_321 = arith.constant 0 : i32
        %dma_wait3A_322 = tpu.memref_slice %arg14[%dma_wait3A_319, %dma_wait3A_320, %dma_wait3A_321] : memref<2x40x128xf32, #tpu.memory_space<vmem>> -> memref<1x40x128xf32, #tpu.memory_space<vmem>>
        %dma_wait3A_323 = tpu.memref_squeeze %dma_wait3A_322 : memref<1x40x128xf32, #tpu.memory_space<vmem>> -> memref<40x128xf32, #tpu.memory_space<vmem>>
        %dma_wait3A_324 = arith.constant 0 : i32
        %dma_wait3A_325 = tpu.memref_slice %arg11[%dma_wait3A_318, %dma_wait3A_324] : memref<2x40xi32, #tpu.memory_space<vmem>> -> memref<1x40xi32, #tpu.memory_space<vmem>>
        %dma_wait3A_326 = tpu.memref_squeeze %dma_wait3A_325 : memref<1x40xi32, #tpu.memory_space<vmem>> -> memref<40xi32, #tpu.memory_space<vmem>>
        %dma_wait3A_327 = arith.constant 0 : i32
        %dma_wait3A_328 = arith.constant 0 : i32
        %dma_wait3A_329 = tpu.memref_slice %arg3[%dma_wait3A_327, %dma_wait3A_328] : memref<10240x128xf32, #tpu.memory_space<hbm>> -> memref<10240x128xf32, #tpu.memory_space<hbm>>
        tpu.wait_indirect_dma semaphore(%arg19 : memref<!tpu.dma_semaphore, #tpu.memory_space<semaphore_mem>>) src(%dma_wait3A_329 : memref<10240x128xf32, #tpu.memory_space<hbm>>) dst(%dma_wait3A_323 : memref<40x128xf32, #tpu.memory_space<vmem>>)
        %dma_wait3A_330 = arith.constant 0 : i32
        %dma_wait3A_331 = arith.constant 0 : i32
        %dma_wait3A_332 = arith.constant 0 : i32
        %dma_wait3A_333 = tpu.memref_slice %arg15[%dma_wait3A_330, %dma_wait3A_331, %dma_wait3A_332] : memref<2x40x64xf32, #tpu.memory_space<vmem>> -> memref<1x40x64xf32, #tpu.memory_space<vmem>>
        %dma_wait3A_334 = tpu.memref_squeeze %dma_wait3A_333 : memref<1x40x64xf32, #tpu.memory_space<vmem>> -> memref<40x64xf32, #tpu.memory_space<vmem>>
        %dma_wait3A_335 = arith.constant 0 : i32
        %dma_wait3A_336 = arith.constant 0 : i32
        %dma_wait3A_337 = tpu.memref_slice %arg4[%dma_wait3A_335, %dma_wait3A_336] : memref<320000x64xf32, #tpu.memory_space<hbm>> -> memref<40x64xf32, #tpu.memory_space<hbm>>
        %dma_wait3A_338 = arith.constant 0 : i32
        %dma_wait3A_339 = arith.constant 0 : i32
        %dma_wait3A_340 = tpu.memref_slice %arg15[%dma_wait3A_330, %dma_wait3A_338, %dma_wait3A_339] : memref<2x40x64xf32, #tpu.memory_space<vmem>> -> memref<1x40x64xf32, #tpu.memory_space<vmem>>
        %dma_wait3A_341 = tpu.memref_squeeze %dma_wait3A_340 : memref<1x40x64xf32, #tpu.memory_space<vmem>> -> memref<40x64xf32, #tpu.memory_space<vmem>>
        %dma_wait3A_342 = arith.constant 0 : i32
        %dma_wait3A_343 = arith.constant 0 : i32
        %dma_wait3A_344 = tpu.memref_slice %arg4[%dma_wait3A_342, %dma_wait3A_343] : memref<320000x64xf32, #tpu.memory_space<hbm>> -> memref<40x64xf32, #tpu.memory_space<hbm>>
        tpu.wait_dma2 semaphore(%arg19 : memref<!tpu.dma_semaphore, #tpu.memory_space<semaphore_mem>>) src(%dma_wait3A_344 : memref<40x64xf32, #tpu.memory_space<hbm>>) dst(%dma_wait3A_341 : memref<40x64xf32, #tpu.memory_space<vmem>>)
        %broadcast_in_dim3A_345 = arith.constant 0.000000e+00 : f32
        %broadcast_in_dim3A_346 = vector.broadcast %broadcast_in_dim3A_345 : f32 to vector<16xf32>
        %broadcast_in_dim3A_347 = arith.constant 0.000000e+00 : f32
        %broadcast_in_dim3A_348 = vector.broadcast %broadcast_in_dim3A_347 : f32 to vector<16xf32>
        %broadcast_in_dim3A_349 = arith.constant 0.000000e+00 : f32
        %broadcast_in_dim3A_350 = vector.broadcast %broadcast_in_dim3A_349 : f32 to vector<16xf32>
        %broadcast_in_dim3A_351 = arith.constant 0.000000e+00 : f32
        %broadcast_in_dim3A_352 = vector.broadcast %broadcast_in_dim3A_351 : f32 to vector<16xf32>
        %broadcast_in_dim3A_353 = arith.constant 0.000000e+00 : f32
        %broadcast_in_dim3A_354 = vector.broadcast %broadcast_in_dim3A_353 : f32 to vector<16xf32>
        %broadcast_in_dim3A_355 = arith.constant 0.000000e+00 : f32
        %broadcast_in_dim3A_356 = vector.broadcast %broadcast_in_dim3A_355 : f32 to vector<16xf32>
        %broadcast_in_dim3A_357 = arith.constant 0.000000e+00 : f32
        %broadcast_in_dim3A_358 = vector.broadcast %broadcast_in_dim3A_357 : f32 to vector<16xf32>
        %broadcast_in_dim3A_359 = arith.constant 0.000000e+00 : f32
        %broadcast_in_dim3A_360 = vector.broadcast %broadcast_in_dim3A_359 : f32 to vector<16xf32>
        %broadcast_in_dim3A_361 = arith.constant 0.000000e+00 : f32
        %broadcast_in_dim3A_362 = vector.broadcast %broadcast_in_dim3A_361 : f32 to vector<16xf32>
        %broadcast_in_dim3A_363 = arith.constant 0.000000e+00 : f32
        %broadcast_in_dim3A_364 = vector.broadcast %broadcast_in_dim3A_363 : f32 to vector<16xf32>
        %broadcast_in_dim3A_365 = arith.constant 0.000000e+00 : f32
        %broadcast_in_dim3A_366 = vector.broadcast %broadcast_in_dim3A_365 : f32 to vector<16xf32>
        %broadcast_in_dim3A_367 = arith.constant 0.000000e+00 : f32
        %broadcast_in_dim3A_368 = vector.broadcast %broadcast_in_dim3A_367 : f32 to vector<16xf32>
        %broadcast_in_dim3A_369 = arith.constant 0.000000e+00 : f32
        %broadcast_in_dim3A_370 = vector.broadcast %broadcast_in_dim3A_369 : f32 to vector<16xf32>
        %broadcast_in_dim3A_371 = arith.constant 0.000000e+00 : f32
        %broadcast_in_dim3A_372 = vector.broadcast %broadcast_in_dim3A_371 : f32 to vector<16xf32>
        %broadcast_in_dim3A_373 = arith.constant 0.000000e+00 : f32
        %broadcast_in_dim3A_374 = vector.broadcast %broadcast_in_dim3A_373 : f32 to vector<16xf32>
        %broadcast_in_dim3A_375 = arith.constant 0.000000e+00 : f32
        %broadcast_in_dim3A_376 = vector.broadcast %broadcast_in_dim3A_375 : f32 to vector<16xf32>
        %scan3A_377 = arith.constant 0 : i32
        %scan3A_378 = arith.constant 40 : i32
        %scan3A_379 = arith.addi %scan3A_377, %scan3A_378 : i32
        %scan3A_380 = arith.constant 1 : i32
        %scan3A_381:16 = scf.for %scan3A_597 = %scan3A_377 to %scan3A_379 step %scan3A_380 iter_args(%scan3A_598 = %broadcast_in_dim3A_346, %scan3A_599 = %broadcast_in_dim3A_348, %scan3A_600 = %broadcast_in_dim3A_350, %scan3A_601 = %broadcast_in_dim3A_352, %scan3A_602 = %broadcast_in_dim3A_354, %scan3A_603 = %broadcast_in_dim3A_356, %scan3A_604 = %broadcast_in_dim3A_358, %scan3A_605 = %broadcast_in_dim3A_360, %scan3A_606 = %broadcast_in_dim3A_362, %scan3A_607 = %broadcast_in_dim3A_364, %scan3A_608 = %broadcast_in_dim3A_366, %scan3A_609 = %broadcast_in_dim3A_368, %scan3A_610 = %broadcast_in_dim3A_370, %scan3A_611 = %broadcast_in_dim3A_372, %scan3A_612 = %broadcast_in_dim3A_374, %scan3A_613 = %broadcast_in_dim3A_376) -> (vector<16xf32>, vector<16xf32>, vector<16xf32>, vector<16xf32>, vector<16xf32>, vector<16xf32>, vector<16xf32>, vector<16xf32>, vector<16xf32>, vector<16xf32>, vector<16xf32>, vector<16xf32>, vector<16xf32>, vector<16xf32>, vector<16xf32>, vector<16xf32>)  : i32 {
          %get3A_614 = arith.constant 0 : i32
          %get3A_615 = arith.index_cast %get3A_614 : i32 to index
          %get3A_616 = arith.index_cast %scan3A_597 : i32 to index
          %get3A_617 = arith.constant 0 : index
          %get3A_618 = tpu.vector_load %arg15[%get3A_615, %get3A_616, %get3A_617] {strides = array<i32>} : memref<2x40x64xf32, #tpu.memory_space<vmem>>, vector<1x1x16xf32>,
          %get3A_619 = vector.shape_cast %get3A_618 : vector<1x1x16xf32> to vector<16xf32>
          %bitcast_convert_type3A = tpu.bitcast %get3A_619 : vector<16xf32> -> vector<16xi32>
          %and3A_620 = arith.andi %bitcast_convert_type3A, %broadcast_in_dim3A_104 : vector<16xi32>
          %bitcast_convert_type3A_621 = tpu.bitcast %and3A_620 : vector<16xi32> -> vector<16xf32>
          %shift_left3A = arith.constant 16 : i32
          %shift_left3A_622 = vector.broadcast %shift_left3A : i32 to vector<16xi32>
          %shift_left3A_623 = arith.shli %bitcast_convert_type3A, %shift_left3A_622 : vector<16xi32>
          %bitcast_convert_type3A_624 = tpu.bitcast %shift_left3A_623 : vector<16xi32> -> vector<16xf32>
          %get3A_625 = arith.constant 0 : i32
          %get3A_626 = arith.index_cast %get3A_625 : i32 to index
          %get3A_627 = arith.index_cast %scan3A_597 : i32 to index
          %get3A_628 = arith.constant 0 : index
          %get3A_629 = tpu.vector_load %arg13[%get3A_626, %get3A_627, %get3A_628] {strides = array<i32>} : memref<2x40x128xf32, #tpu.memory_space<vmem>>, vector<1x1x16xf32>,
          %get3A_630 = vector.shape_cast %get3A_629 : vector<1x1x16xf32> to vector<16xf32>
          %get3A_631 = arith.constant 0 : i32
          %get3A_632 = arith.index_cast %get3A_631 : i32 to index
          %get3A_633 = arith.index_cast %scan3A_597 : i32 to index
          %get3A_634 = arith.constant 0 : index
          %get3A_635 = tpu.vector_load %arg14[%get3A_632, %get3A_633, %get3A_634] {strides = array<i32>} : memref<2x40x128xf32, #tpu.memory_space<vmem>>, vector<1x1x16xf32>,
          %get3A_636 = vector.shape_cast %get3A_635 : vector<1x1x16xf32> to vector<16xf32>
          %add3A_637 = arith.addf %get3A_630, %get3A_636 : vector<16xf32>
          %add3A_638 = arith.addf %add3A_637, %bitcast_convert_type3A_621 : vector<16xf32>
          %max3A = arith.constant 0.000000e+00 : f32
          %max3A_639 = vector.broadcast %max3A : f32 to vector<16xf32>
          %max3A_640 = arith.maximumf %add3A_638, %max3A_639 : vector<16xf32>
          %get3A_641 = arith.constant 0 : i32
          %get3A_642 = arith.index_cast %get3A_641 : i32 to index
          %get3A_643 = arith.index_cast %scan3A_597 : i32 to index
          %get3A_644 = arith.constant 16 : index
          %get3A_645 = tpu.vector_load %arg13[%get3A_642, %get3A_643, %get3A_644] {strides = array<i32>} : memref<2x40x128xf32, #tpu.memory_space<vmem>>, vector<1x1x16xf32>,
          %get3A_646 = vector.shape_cast %get3A_645 : vector<1x1x16xf32> to vector<16xf32>
          %get3A_647 = arith.constant 0 : i32
          %get3A_648 = arith.index_cast %get3A_647 : i32 to index
          %get3A_649 = arith.index_cast %scan3A_597 : i32 to index
          %get3A_650 = arith.constant 16 : index
          %get3A_651 = tpu.vector_load %arg14[%get3A_648, %get3A_649, %get3A_650] {strides = array<i32>} : memref<2x40x128xf32, #tpu.memory_space<vmem>>, vector<1x1x16xf32>,
          %get3A_652 = vector.shape_cast %get3A_651 : vector<1x1x16xf32> to vector<16xf32>
          %add3A_653 = arith.addf %get3A_646, %get3A_652 : vector<16xf32>
          %add3A_654 = arith.addf %add3A_653, %bitcast_convert_type3A_624 : vector<16xf32>
          %max3A_655 = arith.constant 0.000000e+00 : f32
          %max3A_656 = vector.broadcast %max3A_655 : f32 to vector<16xf32>
          %max3A_657 = arith.maximumf %add3A_654, %max3A_656 : vector<16xf32>
          %swap3A_658 = arith.constant 0 : i32
          %swap3A_659 = arith.index_cast %swap3A_658 : i32 to index
          %swap3A_660 = arith.index_cast %scan3A_597 : i32 to index
          %swap3A_661 = arith.constant 0 : index
          %swap3A_662 = tpu.vector_load %arg16[%swap3A_659, %swap3A_660, %swap3A_661] {strides = array<i32>} : memref<2x40x128xf32, #tpu.memory_space<vmem>>, vector<1x1x16xf32>,
          %swap3A_663 = vector.shape_cast %swap3A_662 : vector<1x1x16xf32> to vector<16xf32>
          %swap3A_664 = vector.shape_cast %max3A_640 : vector<16xf32> to vector<1x1x16xf32>
          tpu.vector_store %arg16[%swap3A_659, %swap3A_660, %swap3A_661], %swap3A_664 {strides = array<i32>} : memref<2x40x128xf32, #tpu.memory_space<vmem>>, vector<1x1x16xf32>,
          %swap3A_665 = arith.constant 0 : i32
          %swap3A_666 = arith.index_cast %swap3A_665 : i32 to index
          %swap3A_667 = arith.index_cast %scan3A_597 : i32 to index
          %swap3A_668 = arith.constant 16 : index
          %swap3A_669 = tpu.vector_load %arg16[%swap3A_666, %swap3A_667, %swap3A_668] {strides = array<i32>} : memref<2x40x128xf32, #tpu.memory_space<vmem>>, vector<1x1x16xf32>,
          %swap3A_670 = vector.shape_cast %swap3A_669 : vector<1x1x16xf32> to vector<16xf32>
          %swap3A_671 = vector.shape_cast %max3A_657 : vector<16xf32> to vector<1x1x16xf32>
          tpu.vector_store %arg16[%swap3A_666, %swap3A_667, %swap3A_668], %swap3A_671 {strides = array<i32>} : memref<2x40x128xf32, #tpu.memory_space<vmem>>, vector<1x1x16xf32>,
          %add3A_672 = arith.addf %scan3A_598, %max3A_640 : vector<16xf32>
          %mul3A_673 = arith.mulf %max3A_640, %max3A_640 : vector<16xf32>
          %add3A_674 = arith.addf %scan3A_599, %mul3A_673 : vector<16xf32>
          %add3A_675 = arith.addf %scan3A_600, %max3A_657 : vector<16xf32>
          %mul3A_676 = arith.mulf %max3A_657, %max3A_657 : vector<16xf32>
          %add3A_677 = arith.addf %scan3A_601, %mul3A_676 : vector<16xf32>
          %get3A_678 = arith.constant 0 : i32
          %get3A_679 = arith.index_cast %get3A_678 : i32 to index
          %get3A_680 = arith.index_cast %scan3A_597 : i32 to index
          %get3A_681 = arith.constant 16 : index
          %get3A_682 = tpu.vector_load %arg15[%get3A_679, %get3A_680, %get3A_681] {strides = array<i32>} : memref<2x40x64xf32, #tpu.memory_space<vmem>>, vector<1x1x16xf32>,
          %get3A_683 = vector.shape_cast %get3A_682 : vector<1x1x16xf32> to vector<16xf32>
          %bitcast_convert_type3A_684 = tpu.bitcast %get3A_683 : vector<16xf32> -> vector<16xi32>
          %and3A_685 = arith.andi %bitcast_convert_type3A_684, %broadcast_in_dim3A_104 : vector<16xi32>
          %bitcast_convert_type3A_686 = tpu.bitcast %and3A_685 : vector<16xi32> -> vector<16xf32>
          %shift_left3A_687 = arith.constant 16 : i32
          %shift_left3A_688 = vector.broadcast %shift_left3A_687 : i32 to vector<16xi32>
          %shift_left3A_689 = arith.shli %bitcast_convert_type3A_684, %shift_left3A_688 : vector<16xi32>
          %bitcast_convert_type3A_690 = tpu.bitcast %shift_left3A_689 : vector<16xi32> -> vector<16xf32>
          %get3A_691 = arith.constant 0 : i32
          %get3A_692 = arith.index_cast %get3A_691 : i32 to index
          %get3A_693 = arith.index_cast %scan3A_597 : i32 to index
          %get3A_694 = arith.constant 32 : index
          %get3A_695 = tpu.vector_load %arg13[%get3A_692, %get3A_693, %get3A_694] {strides = array<i32>} : memref<2x40x128xf32, #tpu.memory_space<vmem>>, vector<1x1x16xf32>,
          %get3A_696 = vector.shape_cast %get3A_695 : vector<1x1x16xf32> to vector<16xf32>
          %get3A_697 = arith.constant 0 : i32
          %get3A_698 = arith.index_cast %get3A_697 : i32 to index
          %get3A_699 = arith.index_cast %scan3A_597 : i32 to index
          %get3A_700 = arith.constant 32 : index
          %get3A_701 = tpu.vector_load %arg14[%get3A_698, %get3A_699, %get3A_700] {strides = array<i32>} : memref<2x40x128xf32, #tpu.memory_space<vmem>>, vector<1x1x16xf32>,
          %get3A_702 = vector.shape_cast %get3A_701 : vector<1x1x16xf32> to vector<16xf32>
          %add3A_703 = arith.addf %get3A_696, %get3A_702 : vector<16xf32>
          %add3A_704 = arith.addf %add3A_703, %bitcast_convert_type3A_686 : vector<16xf32>
          %max3A_705 = arith.constant 0.000000e+00 : f32
          %max3A_706 = vector.broadcast %max3A_705 : f32 to vector<16xf32>
          %max3A_707 = arith.maximumf %add3A_704, %max3A_706 : vector<16xf32>
          %get3A_708 = arith.constant 0 : i32
          %get3A_709 = arith.index_cast %get3A_708 : i32 to index
          %get3A_710 = arith.index_cast %scan3A_597 : i32 to index
          %get3A_711 = arith.constant 48 : index
          %get3A_712 = tpu.vector_load %arg13[%get3A_709, %get3A_710, %get3A_711] {strides = array<i32>} : memref<2x40x128xf32, #tpu.memory_space<vmem>>, vector<1x1x16xf32>,
          %get3A_713 = vector.shape_cast %get3A_712 : vector<1x1x16xf32> to vector<16xf32>
          %get3A_714 = arith.constant 0 : i32
          %get3A_715 = arith.index_cast %get3A_714 : i32 to index
          %get3A_716 = arith.index_cast %scan3A_597 : i32 to index
          %get3A_717 = arith.constant 48 : index
          %get3A_718 = tpu.vector_load %arg14[%get3A_715, %get3A_716, %get3A_717] {strides = array<i32>} : memref<2x40x128xf32, #tpu.memory_space<vmem>>, vector<1x1x16xf32>,
          %get3A_719 = vector.shape_cast %get3A_718 : vector<1x1x16xf32> to vector<16xf32>
          %add3A_720 = arith.addf %get3A_713, %get3A_719 : vector<16xf32>
          %add3A_721 = arith.addf %add3A_720, %bitcast_convert_type3A_690 : vector<16xf32>
          %max3A_722 = arith.constant 0.000000e+00 : f32
          %max3A_723 = vector.broadcast %max3A_722 : f32 to vector<16xf32>
          %max3A_724 = arith.maximumf %add3A_721, %max3A_723 : vector<16xf32>
          %swap3A_725 = arith.constant 0 : i32
          %swap3A_726 = arith.index_cast %swap3A_725 : i32 to index
          %swap3A_727 = arith.index_cast %scan3A_597 : i32 to index
          %swap3A_728 = arith.constant 32 : index
          %swap3A_729 = tpu.vector_load %arg16[%swap3A_726, %swap3A_727, %swap3A_728] {strides = array<i32>} : memref<2x40x128xf32, #tpu.memory_space<vmem>>, vector<1x1x16xf32>,
          %swap3A_730 = vector.shape_cast %swap3A_729 : vector<1x1x16xf32> to vector<16xf32>
          %swap3A_731 = vector.shape_cast %max3A_707 : vector<16xf32> to vector<1x1x16xf32>
          tpu.vector_store %arg16[%swap3A_726, %swap3A_727, %swap3A_728], %swap3A_731 {strides = array<i32>} : memref<2x40x128xf32, #tpu.memory_space<vmem>>, vector<1x1x16xf32>,
          %swap3A_732 = arith.constant 0 : i32
          %swap3A_733 = arith.index_cast %swap3A_732 : i32 to index
          %swap3A_734 = arith.index_cast %scan3A_597 : i32 to index
          %swap3A_735 = arith.constant 48 : index
          %swap3A_736 = tpu.vector_load %arg16[%swap3A_733, %swap3A_734, %swap3A_735] {strides = array<i32>} : memref<2x40x128xf32, #tpu.memory_space<vmem>>, vector<1x1x16xf32>,
          %swap3A_737 = vector.shape_cast %swap3A_736 : vector<1x1x16xf32> to vector<16xf32>
          %swap3A_738 = vector.shape_cast %max3A_724 : vector<16xf32> to vector<1x1x16xf32>
          tpu.vector_store %arg16[%swap3A_733, %swap3A_734, %swap3A_735], %swap3A_738 {strides = array<i32>} : memref<2x40x128xf32, #tpu.memory_space<vmem>>, vector<1x1x16xf32>,
          %add3A_739 = arith.addf %scan3A_602, %max3A_707 : vector<16xf32>
          %mul3A_740 = arith.mulf %max3A_707, %max3A_707 : vector<16xf32>
          %add3A_741 = arith.addf %scan3A_603, %mul3A_740 : vector<16xf32>
          %add3A_742 = arith.addf %scan3A_604, %max3A_724 : vector<16xf32>
          %mul3A_743 = arith.mulf %max3A_724, %max3A_724 : vector<16xf32>
          %add3A_744 = arith.addf %scan3A_605, %mul3A_743 : vector<16xf32>
          %get3A_745 = arith.constant 0 : i32
          %get3A_746 = arith.index_cast %get3A_745 : i32 to index
          %get3A_747 = arith.index_cast %scan3A_597 : i32 to index
          %get3A_748 = arith.constant 32 : index
          %get3A_749 = tpu.vector_load %arg15[%get3A_746, %get3A_747, %get3A_748] {strides = array<i32>} : memref<2x40x64xf32, #tpu.memory_space<vmem>>, vector<1x1x16xf32>,
          %get3A_750 = vector.shape_cast %get3A_749 : vector<1x1x16xf32> to vector<16xf32>
          %bitcast_convert_type3A_751 = tpu.bitcast %get3A_750 : vector<16xf32> -> vector<16xi32>
          %and3A_752 = arith.andi %bitcast_convert_type3A_751, %broadcast_in_dim3A_104 : vector<16xi32>
          %bitcast_convert_type3A_753 = tpu.bitcast %and3A_752 : vector<16xi32> -> vector<16xf32>
          %shift_left3A_754 = arith.constant 16 : i32
          %shift_left3A_755 = vector.broadcast %shift_left3A_754 : i32 to vector<16xi32>
          %shift_left3A_756 = arith.shli %bitcast_convert_type3A_751, %shift_left3A_755 : vector<16xi32>
          %bitcast_convert_type3A_757 = tpu.bitcast %shift_left3A_756 : vector<16xi32> -> vector<16xf32>
          %get3A_758 = arith.constant 0 : i32
          %get3A_759 = arith.index_cast %get3A_758 : i32 to index
          %get3A_760 = arith.index_cast %scan3A_597 : i32 to index
          %get3A_761 = arith.constant 64 : index
          %get3A_762 = tpu.vector_load %arg13[%get3A_759, %get3A_760, %get3A_761] {strides = array<i32>} : memref<2x40x128xf32, #tpu.memory_space<vmem>>, vector<1x1x16xf32>,
          %get3A_763 = vector.shape_cast %get3A_762 : vector<1x1x16xf32> to vector<16xf32>
          %get3A_764 = arith.constant 0 : i32
          %get3A_765 = arith.index_cast %get3A_764 : i32 to index
          %get3A_766 = arith.index_cast %scan3A_597 : i32 to index
          %get3A_767 = arith.constant 64 : index
          %get3A_768 = tpu.vector_load %arg14[%get3A_765, %get3A_766, %get3A_767] {strides = array<i32>} : memref<2x40x128xf32, #tpu.memory_space<vmem>>, vector<1x1x16xf32>,
          %get3A_769 = vector.shape_cast %get3A_768 : vector<1x1x16xf32> to vector<16xf32>
          %add3A_770 = arith.addf %get3A_763, %get3A_769 : vector<16xf32>
          %add3A_771 = arith.addf %add3A_770, %bitcast_convert_type3A_753 : vector<16xf32>
          %max3A_772 = arith.constant 0.000000e+00 : f32
          %max3A_773 = vector.broadcast %max3A_772 : f32 to vector<16xf32>
          %max3A_774 = arith.maximumf %add3A_771, %max3A_773 : vector<16xf32>
          %get3A_775 = arith.constant 0 : i32
          %get3A_776 = arith.index_cast %get3A_775 : i32 to index
          %get3A_777 = arith.index_cast %scan3A_597 : i32 to index
          %get3A_778 = arith.constant 80 : index
          %get3A_779 = tpu.vector_load %arg13[%get3A_776, %get3A_777, %get3A_778] {strides = array<i32>} : memref<2x40x128xf32, #tpu.memory_space<vmem>>, vector<1x1x16xf32>,
          %get3A_780 = vector.shape_cast %get3A_779 : vector<1x1x16xf32> to vector<16xf32>
          %get3A_781 = arith.constant 0 : i32
          %get3A_782 = arith.index_cast %get3A_781 : i32 to index
          %get3A_783 = arith.index_cast %scan3A_597 : i32 to index
          %get3A_784 = arith.constant 80 : index
          %get3A_785 = tpu.vector_load %arg14[%get3A_782, %get3A_783, %get3A_784] {strides = array<i32>} : memref<2x40x128xf32, #tpu.memory_space<vmem>>, vector<1x1x16xf32>,
          %get3A_786 = vector.shape_cast %get3A_785 : vector<1x1x16xf32> to vector<16xf32>
          %add3A_787 = arith.addf %get3A_780, %get3A_786 : vector<16xf32>
          %add3A_788 = arith.addf %add3A_787, %bitcast_convert_type3A_757 : vector<16xf32>
          %max3A_789 = arith.constant 0.000000e+00 : f32
          %max3A_790 = vector.broadcast %max3A_789 : f32 to vector<16xf32>
          %max3A_791 = arith.maximumf %add3A_788, %max3A_790 : vector<16xf32>
          %swap3A_792 = arith.constant 0 : i32
          %swap3A_793 = arith.index_cast %swap3A_792 : i32 to index
          %swap3A_794 = arith.index_cast %scan3A_597 : i32 to index
          %swap3A_795 = arith.constant 64 : index
          %swap3A_796 = tpu.vector_load %arg16[%swap3A_793, %swap3A_794, %swap3A_795] {strides = array<i32>} : memref<2x40x128xf32, #tpu.memory_space<vmem>>, vector<1x1x16xf32>,
          %swap3A_797 = vector.shape_cast %swap3A_796 : vector<1x1x16xf32> to vector<16xf32>
          %swap3A_798 = vector.shape_cast %max3A_774 : vector<16xf32> to vector<1x1x16xf32>
          tpu.vector_store %arg16[%swap3A_793, %swap3A_794, %swap3A_795], %swap3A_798 {strides = array<i32>} : memref<2x40x128xf32, #tpu.memory_space<vmem>>, vector<1x1x16xf32>,
          %swap3A_799 = arith.constant 0 : i32
          %swap3A_800 = arith.index_cast %swap3A_799 : i32 to index
          %swap3A_801 = arith.index_cast %scan3A_597 : i32 to index
          %swap3A_802 = arith.constant 80 : index
          %swap3A_803 = tpu.vector_load %arg16[%swap3A_800, %swap3A_801, %swap3A_802] {strides = array<i32>} : memref<2x40x128xf32, #tpu.memory_space<vmem>>, vector<1x1x16xf32>,
          %swap3A_804 = vector.shape_cast %swap3A_803 : vector<1x1x16xf32> to vector<16xf32>
          %swap3A_805 = vector.shape_cast %max3A_791 : vector<16xf32> to vector<1x1x16xf32>
          tpu.vector_store %arg16[%swap3A_800, %swap3A_801, %swap3A_802], %swap3A_805 {strides = array<i32>} : memref<2x40x128xf32, #tpu.memory_space<vmem>>, vector<1x1x16xf32>,
          %add3A_806 = arith.addf %scan3A_606, %max3A_774 : vector<16xf32>
          %mul3A_807 = arith.mulf %max3A_774, %max3A_774 : vector<16xf32>
          %add3A_808 = arith.addf %scan3A_607, %mul3A_807 : vector<16xf32>
          %add3A_809 = arith.addf %scan3A_608, %max3A_791 : vector<16xf32>
          %mul3A_810 = arith.mulf %max3A_791, %max3A_791 : vector<16xf32>
          %add3A_811 = arith.addf %scan3A_609, %mul3A_810 : vector<16xf32>
          %get3A_812 = arith.constant 0 : i32
          %get3A_813 = arith.index_cast %get3A_812 : i32 to index
          %get3A_814 = arith.index_cast %scan3A_597 : i32 to index
          %get3A_815 = arith.constant 48 : index
          %get3A_816 = tpu.vector_load %arg15[%get3A_813, %get3A_814, %get3A_815] {strides = array<i32>} : memref<2x40x64xf32, #tpu.memory_space<vmem>>, vector<1x1x16xf32>,
          %get3A_817 = vector.shape_cast %get3A_816 : vector<1x1x16xf32> to vector<16xf32>
          %bitcast_convert_type3A_818 = tpu.bitcast %get3A_817 : vector<16xf32> -> vector<16xi32>
          %and3A_819 = arith.andi %bitcast_convert_type3A_818, %broadcast_in_dim3A_104 : vector<16xi32>
          %bitcast_convert_type3A_820 = tpu.bitcast %and3A_819 : vector<16xi32> -> vector<16xf32>
          %shift_left3A_821 = arith.constant 16 : i32
          %shift_left3A_822 = vector.broadcast %shift_left3A_821 : i32 to vector<16xi32>
          %shift_left3A_823 = arith.shli %bitcast_convert_type3A_818, %shift_left3A_822 : vector<16xi32>
          %bitcast_convert_type3A_824 = tpu.bitcast %shift_left3A_823 : vector<16xi32> -> vector<16xf32>
          %get3A_825 = arith.constant 0 : i32
          %get3A_826 = arith.index_cast %get3A_825 : i32 to index
          %get3A_827 = arith.index_cast %scan3A_597 : i32 to index
          %get3A_828 = arith.constant 96 : index
          %get3A_829 = tpu.vector_load %arg13[%get3A_826, %get3A_827, %get3A_828] {strides = array<i32>} : memref<2x40x128xf32, #tpu.memory_space<vmem>>, vector<1x1x16xf32>,
          %get3A_830 = vector.shape_cast %get3A_829 : vector<1x1x16xf32> to vector<16xf32>
          %get3A_831 = arith.constant 0 : i32
          %get3A_832 = arith.index_cast %get3A_831 : i32 to index
          %get3A_833 = arith.index_cast %scan3A_597 : i32 to index
          %get3A_834 = arith.constant 96 : index
          %get3A_835 = tpu.vector_load %arg14[%get3A_832, %get3A_833, %get3A_834] {strides = array<i32>} : memref<2x40x128xf32, #tpu.memory_space<vmem>>, vector<1x1x16xf32>,
          %get3A_836 = vector.shape_cast %get3A_835 : vector<1x1x16xf32> to vector<16xf32>
          %add3A_837 = arith.addf %get3A_830, %get3A_836 : vector<16xf32>
          %add3A_838 = arith.addf %add3A_837, %bitcast_convert_type3A_820 : vector<16xf32>
          %max3A_839 = arith.constant 0.000000e+00 : f32
          %max3A_840 = vector.broadcast %max3A_839 : f32 to vector<16xf32>
          %max3A_841 = arith.maximumf %add3A_838, %max3A_840 : vector<16xf32>
          %get3A_842 = arith.constant 0 : i32
          %get3A_843 = arith.index_cast %get3A_842 : i32 to index
          %get3A_844 = arith.index_cast %scan3A_597 : i32 to index
          %get3A_845 = arith.constant 112 : index
          %get3A_846 = tpu.vector_load %arg13[%get3A_843, %get3A_844, %get3A_845] {strides = array<i32>} : memref<2x40x128xf32, #tpu.memory_space<vmem>>, vector<1x1x16xf32>,
          %get3A_847 = vector.shape_cast %get3A_846 : vector<1x1x16xf32> to vector<16xf32>
          %get3A_848 = arith.constant 0 : i32
          %get3A_849 = arith.index_cast %get3A_848 : i32 to index
          %get3A_850 = arith.index_cast %scan3A_597 : i32 to index
          %get3A_851 = arith.constant 112 : index
          %get3A_852 = tpu.vector_load %arg14[%get3A_849, %get3A_850, %get3A_851] {strides = array<i32>} : memref<2x40x128xf32, #tpu.memory_space<vmem>>, vector<1x1x16xf32>,
          %get3A_853 = vector.shape_cast %get3A_852 : vector<1x1x16xf32> to vector<16xf32>
          %add3A_854 = arith.addf %get3A_847, %get3A_853 : vector<16xf32>
          %add3A_855 = arith.addf %add3A_854, %bitcast_convert_type3A_824 : vector<16xf32>
          %max3A_856 = arith.constant 0.000000e+00 : f32
          %max3A_857 = vector.broadcast %max3A_856 : f32 to vector<16xf32>
          %max3A_858 = arith.maximumf %add3A_855, %max3A_857 : vector<16xf32>
          %swap3A_859 = arith.constant 0 : i32
          %swap3A_860 = arith.index_cast %swap3A_859 : i32 to index
          %swap3A_861 = arith.index_cast %scan3A_597 : i32 to index
          %swap3A_862 = arith.constant 96 : index
          %swap3A_863 = tpu.vector_load %arg16[%swap3A_860, %swap3A_861, %swap3A_862] {strides = array<i32>} : memref<2x40x128xf32, #tpu.memory_space<vmem>>, vector<1x1x16xf32>,
          %swap3A_864 = vector.shape_cast %swap3A_863 : vector<1x1x16xf32> to vector<16xf32>
          %swap3A_865 = vector.shape_cast %max3A_841 : vector<16xf32> to vector<1x1x16xf32>
          tpu.vector_store %arg16[%swap3A_860, %swap3A_861, %swap3A_862], %swap3A_865 {strides = array<i32>} : memref<2x40x128xf32, #tpu.memory_space<vmem>>, vector<1x1x16xf32>,
          %swap3A_866 = arith.constant 0 : i32
          %swap3A_867 = arith.index_cast %swap3A_866 : i32 to index
          %swap3A_868 = arith.index_cast %scan3A_597 : i32 to index
          %swap3A_869 = arith.constant 112 : index
          %swap3A_870 = tpu.vector_load %arg16[%swap3A_867, %swap3A_868, %swap3A_869] {strides = array<i32>} : memref<2x40x128xf32, #tpu.memory_space<vmem>>, vector<1x1x16xf32>,
          %swap3A_871 = vector.shape_cast %swap3A_870 : vector<1x1x16xf32> to vector<16xf32>
          %swap3A_872 = vector.shape_cast %max3A_858 : vector<16xf32> to vector<1x1x16xf32>
          tpu.vector_store %arg16[%swap3A_867, %swap3A_868, %swap3A_869], %swap3A_872 {strides = array<i32>} : memref<2x40x128xf32, #tpu.memory_space<vmem>>, vector<1x1x16xf32>,
          %add3A_873 = arith.addf %scan3A_610, %max3A_841 : vector<16xf32>
          %mul3A_874 = arith.mulf %max3A_841, %max3A_841 : vector<16xf32>
          %add3A_875 = arith.addf %scan3A_611, %mul3A_874 : vector<16xf32>
          %add3A_876 = arith.addf %scan3A_612, %max3A_858 : vector<16xf32>
          %mul3A_877 = arith.mulf %max3A_858, %max3A_858 : vector<16xf32>
          %add3A_878 = arith.addf %scan3A_613, %mul3A_877 : vector<16xf32>
          scf.yield %add3A_672, %add3A_674, %add3A_675, %add3A_677, %add3A_739, %add3A_741, %add3A_742, %add3A_744, %add3A_806, %add3A_808, %add3A_809, %add3A_811, %add3A_873, %add3A_875, %add3A_876, %add3A_878 : vector<16xf32>, vector<16xf32>, vector<16xf32>, vector<16xf32>, vector<16xf32>, vector<16xf32>, vector<16xf32>, vector<16xf32>, vector<16xf32>, vector<16xf32>, vector<16xf32>, vector<16xf32>, vector<16xf32>, vector<16xf32>, vector<16xf32>, vector<16xf32>
        }
        %scan3A_382 = arith.constant 40 : i32
        %get3A = arith.constant 0 : i32
        %get3A_383 = arith.index_cast %get3A : i32 to index
        %get3A_384 = arith.constant 0 : index
        %get3A_385 = tpu.vector_load %arg17[%get3A_383, %get3A_384] {strides = array<i32>} : memref<2x128xf32, #tpu.memory_space<vmem>>, vector<1x16xf32>,
        %get3A_386 = vector.shape_cast %get3A_385 : vector<1x16xf32> to vector<16xf32>
        %add3A_387 = arith.addf %get3A_386, %scan3A_381#0 : vector<16xf32>
        %swap3A_388 = arith.constant 0 : i32
        %swap3A_389 = arith.index_cast %swap3A_388 : i32 to index
        %swap3A_390 = arith.constant 0 : index
        %swap3A_391 = tpu.vector_load %arg17[%swap3A_389, %swap3A_390] {strides = array<i32>} : memref<2x128xf32, #tpu.memory_space<vmem>>, vector<1x16xf32>,
        %swap3A_392 = vector.shape_cast %swap3A_391 : vector<1x16xf32> to vector<16xf32>
        %swap3A_393 = vector.shape_cast %add3A_387 : vector<16xf32> to vector<1x16xf32>
        tpu.vector_store %arg17[%swap3A_389, %swap3A_390], %swap3A_393 {strides = array<i32>} : memref<2x128xf32, #tpu.memory_space<vmem>>, vector<1x16xf32>,
        %get3A_394 = arith.constant 1 : i32
        %get3A_395 = arith.index_cast %get3A_394 : i32 to index
        %get3A_396 = arith.constant 0 : index
        %get3A_397 = tpu.vector_load %arg17[%get3A_395, %get3A_396] {strides = array<i32>} : memref<2x128xf32, #tpu.memory_space<vmem>>, vector<1x16xf32>,
        %get3A_398 = vector.shape_cast %get3A_397 : vector<1x16xf32> to vector<16xf32>
        %add3A_399 = arith.addf %get3A_398, %scan3A_381#1 : vector<16xf32>
        %swap3A_400 = arith.constant 1 : i32
        %swap3A_401 = arith.index_cast %swap3A_400 : i32 to index
        %swap3A_402 = arith.constant 0 : index
        %swap3A_403 = tpu.vector_load %arg17[%swap3A_401, %swap3A_402] {strides = array<i32>} : memref<2x128xf32, #tpu.memory_space<vmem>>, vector<1x16xf32>,
        %swap3A_404 = vector.shape_cast %swap3A_403 : vector<1x16xf32> to vector<16xf32>
        %swap3A_405 = vector.shape_cast %add3A_399 : vector<16xf32> to vector<1x16xf32>
        tpu.vector_store %arg17[%swap3A_401, %swap3A_402], %swap3A_405 {strides = array<i32>} : memref<2x128xf32, #tpu.memory_space<vmem>>, vector<1x16xf32>,
        %get3A_406 = arith.constant 0 : i32
        %get3A_407 = arith.index_cast %get3A_406 : i32 to index
        %get3A_408 = arith.constant 16 : index
        %get3A_409 = tpu.vector_load %arg17[%get3A_407, %get3A_408] {strides = array<i32>} : memref<2x128xf32, #tpu.memory_space<vmem>>, vector<1x16xf32>,
        %get3A_410 = vector.shape_cast %get3A_409 : vector<1x16xf32> to vector<16xf32>
        %add3A_411 = arith.addf %get3A_410, %scan3A_381#2 : vector<16xf32>
        %swap3A_412 = arith.constant 0 : i32
        %swap3A_413 = arith.index_cast %swap3A_412 : i32 to index
        %swap3A_414 = arith.constant 16 : index
        %swap3A_415 = tpu.vector_load %arg17[%swap3A_413, %swap3A_414] {strides = array<i32>} : memref<2x128xf32, #tpu.memory_space<vmem>>, vector<1x16xf32>,
        %swap3A_416 = vector.shape_cast %swap3A_415 : vector<1x16xf32> to vector<16xf32>
        %swap3A_417 = vector.shape_cast %add3A_411 : vector<16xf32> to vector<1x16xf32>
        tpu.vector_store %arg17[%swap3A_413, %swap3A_414], %swap3A_417 {strides = array<i32>} : memref<2x128xf32, #tpu.memory_space<vmem>>, vector<1x16xf32>,
        %get3A_418 = arith.constant 1 : i32
        %get3A_419 = arith.index_cast %get3A_418 : i32 to index
        %get3A_420 = arith.constant 16 : index
        %get3A_421 = tpu.vector_load %arg17[%get3A_419, %get3A_420] {strides = array<i32>} : memref<2x128xf32, #tpu.memory_space<vmem>>, vector<1x16xf32>,
        %get3A_422 = vector.shape_cast %get3A_421 : vector<1x16xf32> to vector<16xf32>
        %add3A_423 = arith.addf %get3A_422, %scan3A_381#3 : vector<16xf32>
        %swap3A_424 = arith.constant 1 : i32
        %swap3A_425 = arith.index_cast %swap3A_424 : i32 to index
        %swap3A_426 = arith.constant 16 : index
        %swap3A_427 = tpu.vector_load %arg17[%swap3A_425, %swap3A_426] {strides = array<i32>} : memref<2x128xf32, #tpu.memory_space<vmem>>, vector<1x16xf32>,
        %swap3A_428 = vector.shape_cast %swap3A_427 : vector<1x16xf32> to vector<16xf32>
        %swap3A_429 = vector.shape_cast %add3A_423 : vector<16xf32> to vector<1x16xf32>
        tpu.vector_store %arg17[%swap3A_425, %swap3A_426], %swap3A_429 {strides = array<i32>} : memref<2x128xf32, #tpu.memory_space<vmem>>, vector<1x16xf32>,
        %get3A_430 = arith.constant 0 : i32
        %get3A_431 = arith.index_cast %get3A_430 : i32 to index
        %get3A_432 = arith.constant 32 : index
        %get3A_433 = tpu.vector_load %arg17[%get3A_431, %get3A_432] {strides = array<i32>} : memref<2x128xf32, #tpu.memory_space<vmem>>, vector<1x16xf32>,
        %get3A_434 = vector.shape_cast %get3A_433 : vector<1x16xf32> to vector<16xf32>
        %add3A_435 = arith.addf %get3A_434, %scan3A_381#4 : vector<16xf32>
        %swap3A_436 = arith.constant 0 : i32
        %swap3A_437 = arith.index_cast %swap3A_436 : i32 to index
        %swap3A_438 = arith.constant 32 : index
        %swap3A_439 = tpu.vector_load %arg17[%swap3A_437, %swap3A_438] {strides = array<i32>} : memref<2x128xf32, #tpu.memory_space<vmem>>, vector<1x16xf32>,
        %swap3A_440 = vector.shape_cast %swap3A_439 : vector<1x16xf32> to vector<16xf32>
        %swap3A_441 = vector.shape_cast %add3A_435 : vector<16xf32> to vector<1x16xf32>
        tpu.vector_store %arg17[%swap3A_437, %swap3A_438], %swap3A_441 {strides = array<i32>} : memref<2x128xf32, #tpu.memory_space<vmem>>, vector<1x16xf32>,
        %get3A_442 = arith.constant 1 : i32
        %get3A_443 = arith.index_cast %get3A_442 : i32 to index
        %get3A_444 = arith.constant 32 : index
        %get3A_445 = tpu.vector_load %arg17[%get3A_443, %get3A_444] {strides = array<i32>} : memref<2x128xf32, #tpu.memory_space<vmem>>, vector<1x16xf32>,
        %get3A_446 = vector.shape_cast %get3A_445 : vector<1x16xf32> to vector<16xf32>
        %add3A_447 = arith.addf %get3A_446, %scan3A_381#5 : vector<16xf32>
        %swap3A_448 = arith.constant 1 : i32
        %swap3A_449 = arith.index_cast %swap3A_448 : i32 to index
        %swap3A_450 = arith.constant 32 : index
        %swap3A_451 = tpu.vector_load %arg17[%swap3A_449, %swap3A_450] {strides = array<i32>} : memref<2x128xf32, #tpu.memory_space<vmem>>, vector<1x16xf32>,
        %swap3A_452 = vector.shape_cast %swap3A_451 : vector<1x16xf32> to vector<16xf32>
        %swap3A_453 = vector.shape_cast %add3A_447 : vector<16xf32> to vector<1x16xf32>
        tpu.vector_store %arg17[%swap3A_449, %swap3A_450], %swap3A_453 {strides = array<i32>} : memref<2x128xf32, #tpu.memory_space<vmem>>, vector<1x16xf32>,
        %get3A_454 = arith.constant 0 : i32
        %get3A_455 = arith.index_cast %get3A_454 : i32 to index
        %get3A_456 = arith.constant 48 : index
        %get3A_457 = tpu.vector_load %arg17[%get3A_455, %get3A_456] {strides = array<i32>} : memref<2x128xf32, #tpu.memory_space<vmem>>, vector<1x16xf32>,
        %get3A_458 = vector.shape_cast %get3A_457 : vector<1x16xf32> to vector<16xf32>
        %add3A_459 = arith.addf %get3A_458, %scan3A_381#6 : vector<16xf32>
        %swap3A_460 = arith.constant 0 : i32
        %swap3A_461 = arith.index_cast %swap3A_460 : i32 to index
        %swap3A_462 = arith.constant 48 : index
        %swap3A_463 = tpu.vector_load %arg17[%swap3A_461, %swap3A_462] {strides = array<i32>} : memref<2x128xf32, #tpu.memory_space<vmem>>, vector<1x16xf32>,
        %swap3A_464 = vector.shape_cast %swap3A_463 : vector<1x16xf32> to vector<16xf32>
        %swap3A_465 = vector.shape_cast %add3A_459 : vector<16xf32> to vector<1x16xf32>
        tpu.vector_store %arg17[%swap3A_461, %swap3A_462], %swap3A_465 {strides = array<i32>} : memref<2x128xf32, #tpu.memory_space<vmem>>, vector<1x16xf32>,
        %get3A_466 = arith.constant 1 : i32
        %get3A_467 = arith.index_cast %get3A_466 : i32 to index
        %get3A_468 = arith.constant 48 : index
        %get3A_469 = tpu.vector_load %arg17[%get3A_467, %get3A_468] {strides = array<i32>} : memref<2x128xf32, #tpu.memory_space<vmem>>, vector<1x16xf32>,
        %get3A_470 = vector.shape_cast %get3A_469 : vector<1x16xf32> to vector<16xf32>
        %add3A_471 = arith.addf %get3A_470, %scan3A_381#7 : vector<16xf32>
        %swap3A_472 = arith.constant 1 : i32
        %swap3A_473 = arith.index_cast %swap3A_472 : i32 to index
        %swap3A_474 = arith.constant 48 : index
        %swap3A_475 = tpu.vector_load %arg17[%swap3A_473, %swap3A_474] {strides = array<i32>} : memref<2x128xf32, #tpu.memory_space<vmem>>, vector<1x16xf32>,
        %swap3A_476 = vector.shape_cast %swap3A_475 : vector<1x16xf32> to vector<16xf32>
        %swap3A_477 = vector.shape_cast %add3A_471 : vector<16xf32> to vector<1x16xf32>
        tpu.vector_store %arg17[%swap3A_473, %swap3A_474], %swap3A_477 {strides = array<i32>} : memref<2x128xf32, #tpu.memory_space<vmem>>, vector<1x16xf32>,
        %get3A_478 = arith.constant 0 : i32
        %get3A_479 = arith.index_cast %get3A_478 : i32 to index
        %get3A_480 = arith.constant 64 : index
        %get3A_481 = tpu.vector_load %arg17[%get3A_479, %get3A_480] {strides = array<i32>} : memref<2x128xf32, #tpu.memory_space<vmem>>, vector<1x16xf32>,
        %get3A_482 = vector.shape_cast %get3A_481 : vector<1x16xf32> to vector<16xf32>
        %add3A_483 = arith.addf %get3A_482, %scan3A_381#8 : vector<16xf32>
        %swap3A_484 = arith.constant 0 : i32
        %swap3A_485 = arith.index_cast %swap3A_484 : i32 to index
        %swap3A_486 = arith.constant 64 : index
        %swap3A_487 = tpu.vector_load %arg17[%swap3A_485, %swap3A_486] {strides = array<i32>} : memref<2x128xf32, #tpu.memory_space<vmem>>, vector<1x16xf32>,
        %swap3A_488 = vector.shape_cast %swap3A_487 : vector<1x16xf32> to vector<16xf32>
        %swap3A_489 = vector.shape_cast %add3A_483 : vector<16xf32> to vector<1x16xf32>
        tpu.vector_store %arg17[%swap3A_485, %swap3A_486], %swap3A_489 {strides = array<i32>} : memref<2x128xf32, #tpu.memory_space<vmem>>, vector<1x16xf32>,
        %get3A_490 = arith.constant 1 : i32
        %get3A_491 = arith.index_cast %get3A_490 : i32 to index
        %get3A_492 = arith.constant 64 : index
        %get3A_493 = tpu.vector_load %arg17[%get3A_491, %get3A_492] {strides = array<i32>} : memref<2x128xf32, #tpu.memory_space<vmem>>, vector<1x16xf32>,
        %get3A_494 = vector.shape_cast %get3A_493 : vector<1x16xf32> to vector<16xf32>
        %add3A_495 = arith.addf %get3A_494, %scan3A_381#9 : vector<16xf32>
        %swap3A_496 = arith.constant 1 : i32
        %swap3A_497 = arith.index_cast %swap3A_496 : i32 to index
        %swap3A_498 = arith.constant 64 : index
        %swap3A_499 = tpu.vector_load %arg17[%swap3A_497, %swap3A_498] {strides = array<i32>} : memref<2x128xf32, #tpu.memory_space<vmem>>, vector<1x16xf32>,
        %swap3A_500 = vector.shape_cast %swap3A_499 : vector<1x16xf32> to vector<16xf32>
        %swap3A_501 = vector.shape_cast %add3A_495 : vector<16xf32> to vector<1x16xf32>
        tpu.vector_store %arg17[%swap3A_497, %swap3A_498], %swap3A_501 {strides = array<i32>} : memref<2x128xf32, #tpu.memory_space<vmem>>, vector<1x16xf32>,
        %get3A_502 = arith.constant 0 : i32
        %get3A_503 = arith.index_cast %get3A_502 : i32 to index
        %get3A_504 = arith.constant 80 : index
        %get3A_505 = tpu.vector_load %arg17[%get3A_503, %get3A_504] {strides = array<i32>} : memref<2x128xf32, #tpu.memory_space<vmem>>, vector<1x16xf32>,
        %get3A_506 = vector.shape_cast %get3A_505 : vector<1x16xf32> to vector<16xf32>
        %add3A_507 = arith.addf %get3A_506, %scan3A_381#10 : vector<16xf32>
        %swap3A_508 = arith.constant 0 : i32
        %swap3A_509 = arith.index_cast %swap3A_508 : i32 to index
        %swap3A_510 = arith.constant 80 : index
        %swap3A_511 = tpu.vector_load %arg17[%swap3A_509, %swap3A_510] {strides = array<i32>} : memref<2x128xf32, #tpu.memory_space<vmem>>, vector<1x16xf32>,
        %swap3A_512 = vector.shape_cast %swap3A_511 : vector<1x16xf32> to vector<16xf32>
        %swap3A_513 = vector.shape_cast %add3A_507 : vector<16xf32> to vector<1x16xf32>
        tpu.vector_store %arg17[%swap3A_509, %swap3A_510], %swap3A_513 {strides = array<i32>} : memref<2x128xf32, #tpu.memory_space<vmem>>, vector<1x16xf32>,
        %get3A_514 = arith.constant 1 : i32
        %get3A_515 = arith.index_cast %get3A_514 : i32 to index
        %get3A_516 = arith.constant 80 : index
        %get3A_517 = tpu.vector_load %arg17[%get3A_515, %get3A_516] {strides = array<i32>} : memref<2x128xf32, #tpu.memory_space<vmem>>, vector<1x16xf32>,
        %get3A_518 = vector.shape_cast %get3A_517 : vector<1x16xf32> to vector<16xf32>
        %add3A_519 = arith.addf %get3A_518, %scan3A_381#11 : vector<16xf32>
        %swap3A_520 = arith.constant 1 : i32
        %swap3A_521 = arith.index_cast %swap3A_520 : i32 to index
        %swap3A_522 = arith.constant 80 : index
        %swap3A_523 = tpu.vector_load %arg17[%swap3A_521, %swap3A_522] {strides = array<i32>} : memref<2x128xf32, #tpu.memory_space<vmem>>, vector<1x16xf32>,
        %swap3A_524 = vector.shape_cast %swap3A_523 : vector<1x16xf32> to vector<16xf32>
        %swap3A_525 = vector.shape_cast %add3A_519 : vector<16xf32> to vector<1x16xf32>
        tpu.vector_store %arg17[%swap3A_521, %swap3A_522], %swap3A_525 {strides = array<i32>} : memref<2x128xf32, #tpu.memory_space<vmem>>, vector<1x16xf32>,
        %get3A_526 = arith.constant 0 : i32
        %get3A_527 = arith.index_cast %get3A_526 : i32 to index
        %get3A_528 = arith.constant 96 : index
        %get3A_529 = tpu.vector_load %arg17[%get3A_527, %get3A_528] {strides = array<i32>} : memref<2x128xf32, #tpu.memory_space<vmem>>, vector<1x16xf32>,
        %get3A_530 = vector.shape_cast %get3A_529 : vector<1x16xf32> to vector<16xf32>
        %add3A_531 = arith.addf %get3A_530, %scan3A_381#12 : vector<16xf32>
        %swap3A_532 = arith.constant 0 : i32
        %swap3A_533 = arith.index_cast %swap3A_532 : i32 to index
        %swap3A_534 = arith.constant 96 : index
        %swap3A_535 = tpu.vector_load %arg17[%swap3A_533, %swap3A_534] {strides = array<i32>} : memref<2x128xf32, #tpu.memory_space<vmem>>, vector<1x16xf32>,
        %swap3A_536 = vector.shape_cast %swap3A_535 : vector<1x16xf32> to vector<16xf32>
        %swap3A_537 = vector.shape_cast %add3A_531 : vector<16xf32> to vector<1x16xf32>
        tpu.vector_store %arg17[%swap3A_533, %swap3A_534], %swap3A_537 {strides = array<i32>} : memref<2x128xf32, #tpu.memory_space<vmem>>, vector<1x16xf32>,
        %get3A_538 = arith.constant 1 : i32
        %get3A_539 = arith.index_cast %get3A_538 : i32 to index
        %get3A_540 = arith.constant 96 : index
        %get3A_541 = tpu.vector_load %arg17[%get3A_539, %get3A_540] {strides = array<i32>} : memref<2x128xf32, #tpu.memory_space<vmem>>, vector<1x16xf32>,
        %get3A_542 = vector.shape_cast %get3A_541 : vector<1x16xf32> to vector<16xf32>
        %add3A_543 = arith.addf %get3A_542, %scan3A_381#13 : vector<16xf32>
        %swap3A_544 = arith.constant 1 : i32
        %swap3A_545 = arith.index_cast %swap3A_544 : i32 to index
        %swap3A_546 = arith.constant 96 : index
        %swap3A_547 = tpu.vector_load %arg17[%swap3A_545, %swap3A_546] {strides = array<i32>} : memref<2x128xf32, #tpu.memory_space<vmem>>, vector<1x16xf32>,
        %swap3A_548 = vector.shape_cast %swap3A_547 : vector<1x16xf32> to vector<16xf32>
        %swap3A_549 = vector.shape_cast %add3A_543 : vector<16xf32> to vector<1x16xf32>
        tpu.vector_store %arg17[%swap3A_545, %swap3A_546], %swap3A_549 {strides = array<i32>} : memref<2x128xf32, #tpu.memory_space<vmem>>, vector<1x16xf32>,
        %get3A_550 = arith.constant 0 : i32
        %get3A_551 = arith.index_cast %get3A_550 : i32 to index
        %get3A_552 = arith.constant 112 : index
        %get3A_553 = tpu.vector_load %arg17[%get3A_551, %get3A_552] {strides = array<i32>} : memref<2x128xf32, #tpu.memory_space<vmem>>, vector<1x16xf32>,
        %get3A_554 = vector.shape_cast %get3A_553 : vector<1x16xf32> to vector<16xf32>
        %add3A_555 = arith.addf %get3A_554, %scan3A_381#14 : vector<16xf32>
        %swap3A_556 = arith.constant 0 : i32
        %swap3A_557 = arith.index_cast %swap3A_556 : i32 to index
        %swap3A_558 = arith.constant 112 : index
        %swap3A_559 = tpu.vector_load %arg17[%swap3A_557, %swap3A_558] {strides = array<i32>} : memref<2x128xf32, #tpu.memory_space<vmem>>, vector<1x16xf32>,
        %swap3A_560 = vector.shape_cast %swap3A_559 : vector<1x16xf32> to vector<16xf32>
        %swap3A_561 = vector.shape_cast %add3A_555 : vector<16xf32> to vector<1x16xf32>
        tpu.vector_store %arg17[%swap3A_557, %swap3A_558], %swap3A_561 {strides = array<i32>} : memref<2x128xf32, #tpu.memory_space<vmem>>, vector<1x16xf32>,
        %get3A_562 = arith.constant 1 : i32
        %get3A_563 = arith.index_cast %get3A_562 : i32 to index
        %get3A_564 = arith.constant 112 : index
        %get3A_565 = tpu.vector_load %arg17[%get3A_563, %get3A_564] {strides = array<i32>} : memref<2x128xf32, #tpu.memory_space<vmem>>, vector<1x16xf32>,
        %get3A_566 = vector.shape_cast %get3A_565 : vector<1x16xf32> to vector<16xf32>
        %add3A_567 = arith.addf %get3A_566, %scan3A_381#15 : vector<16xf32>
        %swap3A_568 = arith.constant 1 : i32
        %swap3A_569 = arith.index_cast %swap3A_568 : i32 to index
        %swap3A_570 = arith.constant 112 : index
        %swap3A_571 = tpu.vector_load %arg17[%swap3A_569, %swap3A_570] {strides = array<i32>} : memref<2x128xf32, #tpu.memory_space<vmem>>, vector<1x16xf32>,
        %swap3A_572 = vector.shape_cast %swap3A_571 : vector<1x16xf32> to vector<16xf32>
        %swap3A_573 = vector.shape_cast %add3A_567 : vector<16xf32> to vector<1x16xf32>
        tpu.vector_store %arg17[%swap3A_569, %swap3A_570], %swap3A_573 {strides = array<i32>} : memref<2x128xf32, #tpu.memory_space<vmem>>, vector<1x16xf32>,
        %dma_wait3A_574 = arith.constant 0 : i32
        %dma_wait3A_575 = arith.constant 0 : i32
        %dma_wait3A_576 = tpu.memref_slice %arg12[%dma_wait3A_574, %dma_wait3A_575] : memref<2x40xi32, #tpu.memory_space<vmem>> -> memref<1x40xi32, #tpu.memory_space<vmem>>
        %dma_wait3A_577 = tpu.memref_squeeze %dma_wait3A_576 : memref<1x40xi32, #tpu.memory_space<vmem>> -> memref<40xi32, #tpu.memory_space<vmem>>
        %dma_wait3A_578 = arith.constant 0 : i32
        %dma_wait3A_579 = tpu.memref_slice %arg6[%dma_wait3A_578] : memref<320000xi32, #tpu.memory_space<hbm>> -> memref<40xi32, #tpu.memory_space<hbm>>
        %dma_wait3A_580 = arith.constant 0 : i32
        %dma_wait3A_581 = tpu.memref_slice %arg12[%dma_wait3A_574, %dma_wait3A_580] : memref<2x40xi32, #tpu.memory_space<vmem>> -> memref<1x40xi32, #tpu.memory_space<vmem>>
        %dma_wait3A_582 = tpu.memref_squeeze %dma_wait3A_581 : memref<1x40xi32, #tpu.memory_space<vmem>> -> memref<40xi32, #tpu.memory_space<vmem>>
        %dma_wait3A_583 = arith.constant 0 : i32
        %dma_wait3A_584 = tpu.memref_slice %arg6[%dma_wait3A_583] : memref<320000xi32, #tpu.memory_space<hbm>> -> memref<40xi32, #tpu.memory_space<hbm>>
        tpu.wait_dma2 semaphore(%arg23 : memref<!tpu.dma_semaphore, #tpu.memory_space<semaphore_mem>>) src(%dma_wait3A_584 : memref<40xi32, #tpu.memory_space<hbm>>) dst(%dma_wait3A_582 : memref<40xi32, #tpu.memory_space<vmem>>)
        %dma_start3A_585 = arith.constant 0 : i32
        %dma_start3A_586 = arith.constant 0 : i32
        %dma_start3A_587 = arith.constant 0 : i32
        %dma_start3A_588 = arith.constant 0 : i32
        %dma_start3A_589 = tpu.memref_slice %arg16[%dma_start3A_585, %dma_start3A_587, %dma_start3A_588] : memref<2x40x128xf32, #tpu.memory_space<vmem>> -> memref<1x40x128xf32, #tpu.memory_space<vmem>>
        %dma_start3A_590 = tpu.memref_squeeze %dma_start3A_589 : memref<1x40x128xf32, #tpu.memory_space<vmem>> -> memref<40x128xf32, #tpu.memory_space<vmem>>
        %dma_start3A_591 = arith.constant 0 : i32
        %dma_start3A_592 = tpu.memref_slice %arg12[%dma_start3A_586, %dma_start3A_591] : memref<2x40xi32, #tpu.memory_space<vmem>> -> memref<1x40xi32, #tpu.memory_space<vmem>>
        %dma_start3A_593 = tpu.memref_squeeze %dma_start3A_592 : memref<1x40xi32, #tpu.memory_space<vmem>> -> memref<40xi32, #tpu.memory_space<vmem>>
        %dma_start3A_594 = arith.constant 0 : i32
        %dma_start3A_595 = arith.constant 0 : i32
        %dma_start3A_596 = tpu.memref_slice %arg18[%dma_start3A_594, %dma_start3A_595] : memref<10240x128xf32, #tpu.memory_space<vmem_shared>> -> memref<10240x128xf32, #tpu.memory_space<vmem_shared>>
        tpu.enqueue_indirect_dma source(%dma_start3A_590 : memref<40x128xf32, #tpu.memory_space<vmem>>) target(%dma_start3A_596 : memref<10240x128xf32, #tpu.memory_space<vmem_shared>>) offsets(%dma_start3A_593 : memref<40xi32, #tpu.memory_space<vmem>>) semaphore(%arg25 : memref<!tpu.dma_semaphore, #tpu.memory_space<semaphore_mem>>) {add = true}
      } else {
      }
      %add3A_263 = arith.constant 2 : i32
      %add3A_264 = arith.addi %add3A_242, %add3A_263 : i32
      %lt3A_265 = arith.constant 250 : i32
      %lt3A_266 = arith.cmpi slt, %add3A_264, %lt3A_265 : i32
      %convert_element_type3A_267 = arith.extui %lt3A_266 : i1 to i32
      %cond3A_268 = arith.constant 0 : i32
      %cond3A_269 = arith.cmpi ne, %convert_element_type3A_267, %cond3A_268 : i32
      scf.if %cond3A_269 {
        %add3A_306 = arith.constant 2 : i32
        %add3A_307 = arith.addi %add3A_242, %add3A_306 : i32
        %mul3A_308 = arith.constant 40 : i32
        %mul3A_309 = arith.muli %add3A_307, %mul3A_308 : i32
        %add3A_310 = arith.addi %mul3A_2, %mul3A_309 : i32
        %dma_start3A_311 = arith.constant 0 : i32
        %dma_start3A_312 = arith.constant 0 : i32
        %dma_start3A_313 = tpu.memref_slice %arg10[%dma_start3A_311, %dma_start3A_312] : memref<2x40xi32, #tpu.memory_space<vmem>> -> memref<1x40xi32, #tpu.memory_space<vmem>>
        %dma_start3A_314 = tpu.memref_squeeze %dma_start3A_313 : memref<1x40xi32, #tpu.memory_space<vmem>> -> memref<40xi32, #tpu.memory_space<vmem>>
        %dma_start3A_315 = tpu.memref_slice %arg5[%add3A_310] : memref<320000xi32, #tpu.memory_space<hbm>> -> memref<40xi32, #tpu.memory_space<hbm>>
        %dma_start3A_316 = arith.constant 0 : i32
        %dma_start3A_317 = tpu.memref_slice %arg10[%dma_start3A_311, %dma_start3A_316] : memref<2x40xi32, #tpu.memory_space<vmem>> -> memref<1x40xi32, #tpu.memory_space<vmem>>
        %dma_start3A_318 = tpu.memref_squeeze %dma_start3A_317 : memref<1x40xi32, #tpu.memory_space<vmem>> -> memref<40xi32, #tpu.memory_space<vmem>>
        %dma_start3A_319 = tpu.memref_slice %arg5[%add3A_310] : memref<320000xi32, #tpu.memory_space<hbm>> -> memref<40xi32, #tpu.memory_space<hbm>>
        tpu.enqueue_dma source(%dma_start3A_319 : memref<40xi32, #tpu.memory_space<hbm>>) target(%dma_start3A_318 : memref<40xi32, #tpu.memory_space<vmem>>) target_semaphore(%arg21 : memref<!tpu.dma_semaphore, #tpu.memory_space<semaphore_mem>>)
        %dma_start3A_320 = arith.constant 0 : i32
        %dma_start3A_321 = arith.constant 0 : i32
        %dma_start3A_322 = tpu.memref_slice %arg11[%dma_start3A_320, %dma_start3A_321] : memref<2x40xi32, #tpu.memory_space<vmem>> -> memref<1x40xi32, #tpu.memory_space<vmem>>
        %dma_start3A_323 = tpu.memref_squeeze %dma_start3A_322 : memref<1x40xi32, #tpu.memory_space<vmem>> -> memref<40xi32, #tpu.memory_space<vmem>>
        %dma_start3A_324 = tpu.memref_slice %arg6[%add3A_310] : memref<320000xi32, #tpu.memory_space<hbm>> -> memref<40xi32, #tpu.memory_space<hbm>>
        %dma_start3A_325 = arith.constant 0 : i32
        %dma_start3A_326 = tpu.memref_slice %arg11[%dma_start3A_320, %dma_start3A_325] : memref<2x40xi32, #tpu.memory_space<vmem>> -> memref<1x40xi32, #tpu.memory_space<vmem>>
        %dma_start3A_327 = tpu.memref_squeeze %dma_start3A_326 : memref<1x40xi32, #tpu.memory_space<vmem>> -> memref<40xi32, #tpu.memory_space<vmem>>
        %dma_start3A_328 = tpu.memref_slice %arg6[%add3A_310] : memref<320000xi32, #tpu.memory_space<hbm>> -> memref<40xi32, #tpu.memory_space<hbm>>
        tpu.enqueue_dma source(%dma_start3A_328 : memref<40xi32, #tpu.memory_space<hbm>>) target(%dma_start3A_327 : memref<40xi32, #tpu.memory_space<vmem>>) target_semaphore(%arg21 : memref<!tpu.dma_semaphore, #tpu.memory_space<semaphore_mem>>)
      } else {
      }
      %mul3A_270 = arith.constant 2 : i32
      %mul3A_271 = arith.muli %mul3A_270, %scan3A_238 : i32
      %add3A_272 = arith.constant 1 : i32
      %add3A_273 = arith.addi %mul3A_271, %add3A_272 : i32
      %ge3A_274 = arith.constant 2 : i32
      %ge3A_275 = arith.cmpi sge, %add3A_273, %ge3A_274 : i32
      %lt3A_276 = arith.constant 250 : i32
      %lt3A_277 = arith.cmpi slt, %add3A_273, %lt3A_276 : i32
      %and3A_278 = arith.andi %ge3A_275, %lt3A_277 : i1
      %convert_element_type3A_279 = arith.extui %and3A_278 : i1 to i32
      %cond3A_280 = arith.constant 0 : i32
      %cond3A_281 = arith.cmpi ne, %convert_element_type3A_279, %cond3A_280 : i32
      scf.if %cond3A_281 {
        %dma_wait3A_306 = arith.constant 1 : i32
        %dma_wait3A_307 = arith.constant 1 : i32
        %dma_wait3A_308 = arith.constant 0 : i32
        %dma_wait3A_309 = arith.constant 0 : i32
        %dma_wait3A_310 = tpu.memref_slice %arg16[%dma_wait3A_306, %dma_wait3A_308, %dma_wait3A_309] : memref<2x40x128xf32, #tpu.memory_space<vmem>> -> memref<1x40x128xf32, #tpu.memory_space<vmem>>
        %dma_wait3A_311 = tpu.memref_squeeze %dma_wait3A_310 : memref<1x40x128xf32, #tpu.memory_space<vmem>> -> memref<40x128xf32, #tpu.memory_space<vmem>>
        %dma_wait3A_312 = arith.constant 0 : i32
        %dma_wait3A_313 = tpu.memref_slice %arg12[%dma_wait3A_307, %dma_wait3A_312] : memref<2x40xi32, #tpu.memory_space<vmem>> -> memref<1x40xi32, #tpu.memory_space<vmem>>
        %dma_wait3A_314 = tpu.memref_squeeze %dma_wait3A_313 : memref<1x40xi32, #tpu.memory_space<vmem>> -> memref<40xi32, #tpu.memory_space<vmem>>
        %dma_wait3A_315 = arith.constant 0 : i32
        %dma_wait3A_316 = arith.constant 0 : i32
        %dma_wait3A_317 = tpu.memref_slice %arg18[%dma_wait3A_315, %dma_wait3A_316] : memref<10240x128xf32, #tpu.memory_space<vmem_shared>> -> memref<10240x128xf32, #tpu.memory_space<vmem_shared>>
        tpu.wait_indirect_dma semaphore(%arg26 : memref<!tpu.dma_semaphore, #tpu.memory_space<semaphore_mem>>) src(%dma_wait3A_311 : memref<40x128xf32, #tpu.memory_space<vmem>>) dst(%dma_wait3A_317 : memref<10240x128xf32, #tpu.memory_space<vmem_shared>>)
      } else {
      }
      %lt3A_282 = arith.constant 250 : i32
      %lt3A_283 = arith.cmpi slt, %add3A_273, %lt3A_282 : i32
      %convert_element_type3A_284 = arith.extui %lt3A_283 : i1 to i32
      %cond3A_285 = arith.constant 0 : i32
      %cond3A_286 = arith.cmpi ne, %convert_element_type3A_284, %cond3A_285 : i32
      scf.if %cond3A_286 {
        %mul3A_306 = arith.constant 40 : i32
        %mul3A_307 = arith.muli %add3A_273, %mul3A_306 : i32
        %add3A_308 = arith.addi %mul3A_2, %mul3A_307 : i32
        %dma_start3A_309 = arith.constant 1 : i32
        %dma_start3A_310 = arith.constant 0 : i32
        %dma_start3A_311 = tpu.memref_slice %arg12[%dma_start3A_309, %dma_start3A_310] : memref<2x40xi32, #tpu.memory_space<vmem>> -> memref<1x40xi32, #tpu.memory_space<vmem>>
        %dma_start3A_312 = tpu.memref_squeeze %dma_start3A_311 : memref<1x40xi32, #tpu.memory_space<vmem>> -> memref<40xi32, #tpu.memory_space<vmem>>
        %dma_start3A_313 = tpu.memref_slice %arg6[%add3A_308] : memref<320000xi32, #tpu.memory_space<hbm>> -> memref<40xi32, #tpu.memory_space<hbm>>
        %dma_start3A_314 = arith.constant 0 : i32
        %dma_start3A_315 = tpu.memref_slice %arg12[%dma_start3A_309, %dma_start3A_314] : memref<2x40xi32, #tpu.memory_space<vmem>> -> memref<1x40xi32, #tpu.memory_space<vmem>>
        %dma_start3A_316 = tpu.memref_squeeze %dma_start3A_315 : memref<1x40xi32, #tpu.memory_space<vmem>> -> memref<40xi32, #tpu.memory_space<vmem>>
        %dma_start3A_317 = tpu.memref_slice %arg6[%add3A_308] : memref<320000xi32, #tpu.memory_space<hbm>> -> memref<40xi32, #tpu.memory_space<hbm>>
        tpu.enqueue_dma source(%dma_start3A_317 : memref<40xi32, #tpu.memory_space<hbm>>) target(%dma_start3A_316 : memref<40xi32, #tpu.memory_space<vmem>>) target_semaphore(%arg24 : memref<!tpu.dma_semaphore, #tpu.memory_space<semaphore_mem>>)
      } else {
      }
      %add3A_287 = arith.constant 1 : i32
      %add3A_288 = arith.addi %add3A_273, %add3A_287 : i32
      %lt3A_289 = arith.constant 250 : i32
      %lt3A_290 = arith.cmpi slt, %add3A_288, %lt3A_289 : i32
      %convert_element_type3A_291 = arith.extui %lt3A_290 : i1 to i32
      %cond3A_292 = arith.constant 0 : i32
      %cond3A_293 = arith.cmpi ne, %convert_element_type3A_291, %cond3A_292 : i32
      scf.if %cond3A_293 {
        %dma_wait3A_306 = arith.constant 0 : i32
        %dma_wait3A_307 = arith.constant 0 : i32
        %dma_wait3A_308 = tpu.memref_slice %arg10[%dma_wait3A_306, %dma_wait3A_307] : memref<2x40xi32, #tpu.memory_space<vmem>> -> memref<1x40xi32, #tpu.memory_space<vmem>>
        %dma_wait3A_309 = tpu.memref_squeeze %dma_wait3A_308 : memref<1x40xi32, #tpu.memory_space<vmem>> -> memref<40xi32, #tpu.memory_space<vmem>>
        %dma_wait3A_310 = arith.constant 0 : i32
        %dma_wait3A_311 = tpu.memref_slice %arg5[%dma_wait3A_310] : memref<320000xi32, #tpu.memory_space<hbm>> -> memref<40xi32, #tpu.memory_space<hbm>>
        %dma_wait3A_312 = arith.constant 0 : i32
        %dma_wait3A_313 = tpu.memref_slice %arg10[%dma_wait3A_306, %dma_wait3A_312] : memref<2x40xi32, #tpu.memory_space<vmem>> -> memref<1x40xi32, #tpu.memory_space<vmem>>
        %dma_wait3A_314 = tpu.memref_squeeze %dma_wait3A_313 : memref<1x40xi32, #tpu.memory_space<vmem>> -> memref<40xi32, #tpu.memory_space<vmem>>
        %dma_wait3A_315 = arith.constant 0 : i32
        %dma_wait3A_316 = tpu.memref_slice %arg5[%dma_wait3A_315] : memref<320000xi32, #tpu.memory_space<hbm>> -> memref<40xi32, #tpu.memory_space<hbm>>
        tpu.wait_dma2 semaphore(%arg21 : memref<!tpu.dma_semaphore, #tpu.memory_space<semaphore_mem>>) src(%dma_wait3A_316 : memref<40xi32, #tpu.memory_space<hbm>>) dst(%dma_wait3A_314 : memref<40xi32, #tpu.memory_space<vmem>>)
        %dma_wait3A_317 = arith.constant 0 : i32
        %dma_wait3A_318 = arith.constant 0 : i32
        %dma_wait3A_319 = tpu.memref_slice %arg11[%dma_wait3A_317, %dma_wait3A_318] : memref<2x40xi32, #tpu.memory_space<vmem>> -> memref<1x40xi32, #tpu.memory_space<vmem>>
        %dma_wait3A_320 = tpu.memref_squeeze %dma_wait3A_319 : memref<1x40xi32, #tpu.memory_space<vmem>> -> memref<40xi32, #tpu.memory_space<vmem>>
        %dma_wait3A_321 = arith.constant 0 : i32
        %dma_wait3A_322 = tpu.memref_slice %arg6[%dma_wait3A_321] : memref<320000xi32, #tpu.memory_space<hbm>> -> memref<40xi32, #tpu.memory_space<hbm>>
        %dma_wait3A_323 = arith.constant 0 : i32
        %dma_wait3A_324 = tpu.memref_slice %arg11[%dma_wait3A_317, %dma_wait3A_323] : memref<2x40xi32, #tpu.memory_space<vmem>> -> memref<1x40xi32, #tpu.memory_space<vmem>>
        %dma_wait3A_325 = tpu.memref_squeeze %dma_wait3A_324 : memref<1x40xi32, #tpu.memory_space<vmem>> -> memref<40xi32, #tpu.memory_space<vmem>>
        %dma_wait3A_326 = arith.constant 0 : i32
        %dma_wait3A_327 = tpu.memref_slice %arg6[%dma_wait3A_326] : memref<320000xi32, #tpu.memory_space<hbm>> -> memref<40xi32, #tpu.memory_space<hbm>>
        tpu.wait_dma2 semaphore(%arg21 : memref<!tpu.dma_semaphore, #tpu.memory_space<semaphore_mem>>) src(%dma_wait3A_327 : memref<40xi32, #tpu.memory_space<hbm>>) dst(%dma_wait3A_325 : memref<40xi32, #tpu.memory_space<vmem>>)
        %add3A_328 = arith.constant 1 : i32
        %add3A_329 = arith.addi %add3A_273, %add3A_328 : i32
        %mul3A_330 = arith.constant 40 : i32
        %mul3A_331 = arith.muli %add3A_329, %mul3A_330 : i32
        %add3A_332 = arith.addi %mul3A_2, %mul3A_331 : i32
        %dma_start3A_333 = arith.constant 0 : i32
        %dma_start3A_334 = arith.constant 0 : i32
        %dma_start3A_335 = arith.constant 0 : i32
        %dma_start3A_336 = arith.constant 0 : i32
        %dma_start3A_337 = tpu.memref_slice %arg13[%dma_start3A_334, %dma_start3A_335, %dma_start3A_336] : memref<2x40x128xf32, #tpu.memory_space<vmem>> -> memref<1x40x128xf32, #tpu.memory_space<vmem>>
        %dma_start3A_338 = tpu.memref_squeeze %dma_start3A_337 : memref<1x40x128xf32, #tpu.memory_space<vmem>> -> memref<40x128xf32, #tpu.memory_space<vmem>>
        %dma_start3A_339 = arith.constant 0 : i32
        %dma_start3A_340 = tpu.memref_slice %arg10[%dma_start3A_333, %dma_start3A_339] : memref<2x40xi32, #tpu.memory_space<vmem>> -> memref<1x40xi32, #tpu.memory_space<vmem>>
        %dma_start3A_341 = tpu.memref_squeeze %dma_start3A_340 : memref<1x40xi32, #tpu.memory_space<vmem>> -> memref<40xi32, #tpu.memory_space<vmem>>
        %dma_start3A_342 = arith.constant 0 : i32
        %dma_start3A_343 = arith.constant 0 : i32
        %dma_start3A_344 = tpu.memref_slice %arg2[%dma_start3A_342, %dma_start3A_343] : memref<10240x128xf32, #tpu.memory_space<hbm>> -> memref<10240x128xf32, #tpu.memory_space<hbm>>
        tpu.enqueue_indirect_dma source(%dma_start3A_344 : memref<10240x128xf32, #tpu.memory_space<hbm>>) target(%dma_start3A_338 : memref<40x128xf32, #tpu.memory_space<vmem>>) offsets(%dma_start3A_341 : memref<40xi32, #tpu.memory_space<vmem>>) semaphore(%arg19 : memref<!tpu.dma_semaphore, #tpu.memory_space<semaphore_mem>>)
        %dma_start3A_345 = arith.constant 0 : i32
        %dma_start3A_346 = arith.constant 0 : i32
        %dma_start3A_347 = arith.constant 0 : i32
        %dma_start3A_348 = arith.constant 0 : i32
        %dma_start3A_349 = tpu.memref_slice %arg14[%dma_start3A_346, %dma_start3A_347, %dma_start3A_348] : memref<2x40x128xf32, #tpu.memory_space<vmem>> -> memref<1x40x128xf32, #tpu.memory_space<vmem>>
        %dma_start3A_350 = tpu.memref_squeeze %dma_start3A_349 : memref<1x40x128xf32, #tpu.memory_space<vmem>> -> memref<40x128xf32, #tpu.memory_space<vmem>>
        %dma_start3A_351 = arith.constant 0 : i32
        %dma_start3A_352 = tpu.memref_slice %arg11[%dma_start3A_345, %dma_start3A_351] : memref<2x40xi32, #tpu.memory_space<vmem>> -> memref<1x40xi32, #tpu.memory_space<vmem>>
        %dma_start3A_353 = tpu.memref_squeeze %dma_start3A_352 : memref<1x40xi32, #tpu.memory_space<vmem>> -> memref<40xi32, #tpu.memory_space<vmem>>
        %dma_start3A_354 = arith.constant 0 : i32
        %dma_start3A_355 = arith.constant 0 : i32
        %dma_start3A_356 = tpu.memref_slice %arg3[%dma_start3A_354, %dma_start3A_355] : memref<10240x128xf32, #tpu.memory_space<hbm>> -> memref<10240x128xf32, #tpu.memory_space<hbm>>
        tpu.enqueue_indirect_dma source(%dma_start3A_356 : memref<10240x128xf32, #tpu.memory_space<hbm>>) target(%dma_start3A_350 : memref<40x128xf32, #tpu.memory_space<vmem>>) offsets(%dma_start3A_353 : memref<40xi32, #tpu.memory_space<vmem>>) semaphore(%arg19 : memref<!tpu.dma_semaphore, #tpu.memory_space<semaphore_mem>>)
        %dma_start3A_357 = arith.constant 0 : i32
        %dma_start3A_358 = arith.constant 0 : i32
        %dma_start3A_359 = arith.constant 0 : i32
        %dma_start3A_360 = tpu.memref_slice %arg15[%dma_start3A_357, %dma_start3A_358, %dma_start3A_359] : memref<2x40x64xf32, #tpu.memory_space<vmem>> -> memref<1x40x64xf32, #tpu.memory_space<vmem>>
        %dma_start3A_361 = tpu.memref_squeeze %dma_start3A_360 : memref<1x40x64xf32, #tpu.memory_space<vmem>> -> memref<40x64xf32, #tpu.memory_space<vmem>>
        %dma_start3A_362 = arith.constant 0 : i32
        %dma_start3A_363 = tpu.memref_slice %arg4[%add3A_332, %dma_start3A_362] : memref<320000x64xf32, #tpu.memory_space<hbm>> -> memref<40x64xf32, #tpu.memory_space<hbm>>
        %dma_start3A_364 = arith.constant 0 : i32
        %dma_start3A_365 = arith.constant 0 : i32
        %dma_start3A_366 = tpu.memref_slice %arg15[%dma_start3A_357, %dma_start3A_364, %dma_start3A_365] : memref<2x40x64xf32, #tpu.memory_space<vmem>> -> memref<1x40x64xf32, #tpu.memory_space<vmem>>
        %dma_start3A_367 = tpu.memref_squeeze %dma_start3A_366 : memref<1x40x64xf32, #tpu.memory_space<vmem>> -> memref<40x64xf32, #tpu.memory_space<vmem>>
        %dma_start3A_368 = arith.constant 0 : i32
        %dma_start3A_369 = tpu.memref_slice %arg4[%add3A_332, %dma_start3A_368] : memref<320000x64xf32, #tpu.memory_space<hbm>> -> memref<40x64xf32, #tpu.memory_space<hbm>>
        tpu.enqueue_dma source(%dma_start3A_369 : memref<40x64xf32, #tpu.memory_space<hbm>>) target(%dma_start3A_367 : memref<40x64xf32, #tpu.memory_space<vmem>>) target_semaphore(%arg19 : memref<!tpu.dma_semaphore, #tpu.memory_space<semaphore_mem>>)
      } else {
      }
      %lt3A_294 = arith.constant 250 : i32
      %lt3A_295 = arith.cmpi slt, %add3A_273, %lt3A_294 : i32
      %convert_element_type3A_296 = arith.extui %lt3A_295 : i1 to i32
      %cond3A_297 = arith.constant 0 : i32
      %cond3A_298 = arith.cmpi ne, %convert_element_type3A_296, %cond3A_297 : i32
      scf.if %cond3A_298 {
        %dma_wait3A_306 = arith.constant 1 : i32
        %dma_wait3A_307 = arith.constant 1 : i32
        %dma_wait3A_308 = arith.constant 0 : i32
        %dma_wait3A_309 = arith.constant 0 : i32
        %dma_wait3A_310 = tpu.memref_slice %arg13[%dma_wait3A_307, %dma_wait3A_308, %dma_wait3A_309] : memref<2x40x128xf32, #tpu.memory_space<vmem>> -> memref<1x40x128xf32, #tpu.memory_space<vmem>>
        %dma_wait3A_311 = tpu.memref_squeeze %dma_wait3A_310 : memref<1x40x128xf32, #tpu.memory_space<vmem>> -> memref<40x128xf32, #tpu.memory_space<vmem>>
        %dma_wait3A_312 = arith.constant 0 : i32
        %dma_wait3A_313 = tpu.memref_slice %arg10[%dma_wait3A_306, %dma_wait3A_312] : memref<2x40xi32, #tpu.memory_space<vmem>> -> memref<1x40xi32, #tpu.memory_space<vmem>>
        %dma_wait3A_314 = tpu.memref_squeeze %dma_wait3A_313 : memref<1x40xi32, #tpu.memory_space<vmem>> -> memref<40xi32, #tpu.memory_space<vmem>>
        %dma_wait3A_315 = arith.constant 0 : i32
        %dma_wait3A_316 = arith.constant 0 : i32
        %dma_wait3A_317 = tpu.memref_slice %arg2[%dma_wait3A_315, %dma_wait3A_316] : memref<10240x128xf32, #tpu.memory_space<hbm>> -> memref<10240x128xf32, #tpu.memory_space<hbm>>
        tpu.wait_indirect_dma semaphore(%arg20 : memref<!tpu.dma_semaphore, #tpu.memory_space<semaphore_mem>>) src(%dma_wait3A_317 : memref<10240x128xf32, #tpu.memory_space<hbm>>) dst(%dma_wait3A_311 : memref<40x128xf32, #tpu.memory_space<vmem>>)
        %dma_wait3A_318 = arith.constant 1 : i32
        %dma_wait3A_319 = arith.constant 1 : i32
        %dma_wait3A_320 = arith.constant 0 : i32
        %dma_wait3A_321 = arith.constant 0 : i32
        %dma_wait3A_322 = tpu.memref_slice %arg14[%dma_wait3A_319, %dma_wait3A_320, %dma_wait3A_321] : memref<2x40x128xf32, #tpu.memory_space<vmem>> -> memref<1x40x128xf32, #tpu.memory_space<vmem>>
        %dma_wait3A_323 = tpu.memref_squeeze %dma_wait3A_322 : memref<1x40x128xf32, #tpu.memory_space<vmem>> -> memref<40x128xf32, #tpu.memory_space<vmem>>
        %dma_wait3A_324 = arith.constant 0 : i32
        %dma_wait3A_325 = tpu.memref_slice %arg11[%dma_wait3A_318, %dma_wait3A_324] : memref<2x40xi32, #tpu.memory_space<vmem>> -> memref<1x40xi32, #tpu.memory_space<vmem>>
        %dma_wait3A_326 = tpu.memref_squeeze %dma_wait3A_325 : memref<1x40xi32, #tpu.memory_space<vmem>> -> memref<40xi32, #tpu.memory_space<vmem>>
        %dma_wait3A_327 = arith.constant 0 : i32
        %dma_wait3A_328 = arith.constant 0 : i32
        %dma_wait3A_329 = tpu.memref_slice %arg3[%dma_wait3A_327, %dma_wait3A_328] : memref<10240x128xf32, #tpu.memory_space<hbm>> -> memref<10240x128xf32, #tpu.memory_space<hbm>>
        tpu.wait_indirect_dma semaphore(%arg20 : memref<!tpu.dma_semaphore, #tpu.memory_space<semaphore_mem>>) src(%dma_wait3A_329 : memref<10240x128xf32, #tpu.memory_space<hbm>>) dst(%dma_wait3A_323 : memref<40x128xf32, #tpu.memory_space<vmem>>)
        %dma_wait3A_330 = arith.constant 1 : i32
        %dma_wait3A_331 = arith.constant 0 : i32
        %dma_wait3A_332 = arith.constant 0 : i32
        %dma_wait3A_333 = tpu.memref_slice %arg15[%dma_wait3A_330, %dma_wait3A_331, %dma_wait3A_332] : memref<2x40x64xf32, #tpu.memory_space<vmem>> -> memref<1x40x64xf32, #tpu.memory_space<vmem>>
        %dma_wait3A_334 = tpu.memref_squeeze %dma_wait3A_333 : memref<1x40x64xf32, #tpu.memory_space<vmem>> -> memref<40x64xf32, #tpu.memory_space<vmem>>
        %dma_wait3A_335 = arith.constant 0 : i32
        %dma_wait3A_336 = arith.constant 0 : i32
        %dma_wait3A_337 = tpu.memref_slice %arg4[%dma_wait3A_335, %dma_wait3A_336] : memref<320000x64xf32, #tpu.memory_space<hbm>> -> memref<40x64xf32, #tpu.memory_space<hbm>>
        %dma_wait3A_338 = arith.constant 0 : i32
        %dma_wait3A_339 = arith.constant 0 : i32
        %dma_wait3A_340 = tpu.memref_slice %arg15[%dma_wait3A_330, %dma_wait3A_338, %dma_wait3A_339] : memref<2x40x64xf32, #tpu.memory_space<vmem>> -> memref<1x40x64xf32, #tpu.memory_space<vmem>>
        %dma_wait3A_341 = tpu.memref_squeeze %dma_wait3A_340 : memref<1x40x64xf32, #tpu.memory_space<vmem>> -> memref<40x64xf32, #tpu.memory_space<vmem>>
        %dma_wait3A_342 = arith.constant 0 : i32
        %dma_wait3A_343 = arith.constant 0 : i32
        %dma_wait3A_344 = tpu.memref_slice %arg4[%dma_wait3A_342, %dma_wait3A_343] : memref<320000x64xf32, #tpu.memory_space<hbm>> -> memref<40x64xf32, #tpu.memory_space<hbm>>
        tpu.wait_dma2 semaphore(%arg20 : memref<!tpu.dma_semaphore, #tpu.memory_space<semaphore_mem>>) src(%dma_wait3A_344 : memref<40x64xf32, #tpu.memory_space<hbm>>) dst(%dma_wait3A_341 : memref<40x64xf32, #tpu.memory_space<vmem>>)
        %broadcast_in_dim3A_345 = arith.constant 0.000000e+00 : f32
        %broadcast_in_dim3A_346 = vector.broadcast %broadcast_in_dim3A_345 : f32 to vector<16xf32>
        %broadcast_in_dim3A_347 = arith.constant 0.000000e+00 : f32
        %broadcast_in_dim3A_348 = vector.broadcast %broadcast_in_dim3A_347 : f32 to vector<16xf32>
        %broadcast_in_dim3A_349 = arith.constant 0.000000e+00 : f32
        %broadcast_in_dim3A_350 = vector.broadcast %broadcast_in_dim3A_349 : f32 to vector<16xf32>
        %broadcast_in_dim3A_351 = arith.constant 0.000000e+00 : f32
        %broadcast_in_dim3A_352 = vector.broadcast %broadcast_in_dim3A_351 : f32 to vector<16xf32>
        %broadcast_in_dim3A_353 = arith.constant 0.000000e+00 : f32
        %broadcast_in_dim3A_354 = vector.broadcast %broadcast_in_dim3A_353 : f32 to vector<16xf32>
        %broadcast_in_dim3A_355 = arith.constant 0.000000e+00 : f32
        %broadcast_in_dim3A_356 = vector.broadcast %broadcast_in_dim3A_355 : f32 to vector<16xf32>
        %broadcast_in_dim3A_357 = arith.constant 0.000000e+00 : f32
        %broadcast_in_dim3A_358 = vector.broadcast %broadcast_in_dim3A_357 : f32 to vector<16xf32>
        %broadcast_in_dim3A_359 = arith.constant 0.000000e+00 : f32
        %broadcast_in_dim3A_360 = vector.broadcast %broadcast_in_dim3A_359 : f32 to vector<16xf32>
        %broadcast_in_dim3A_361 = arith.constant 0.000000e+00 : f32
        %broadcast_in_dim3A_362 = vector.broadcast %broadcast_in_dim3A_361 : f32 to vector<16xf32>
        %broadcast_in_dim3A_363 = arith.constant 0.000000e+00 : f32
        %broadcast_in_dim3A_364 = vector.broadcast %broadcast_in_dim3A_363 : f32 to vector<16xf32>
        %broadcast_in_dim3A_365 = arith.constant 0.000000e+00 : f32
        %broadcast_in_dim3A_366 = vector.broadcast %broadcast_in_dim3A_365 : f32 to vector<16xf32>
        %broadcast_in_dim3A_367 = arith.constant 0.000000e+00 : f32
        %broadcast_in_dim3A_368 = vector.broadcast %broadcast_in_dim3A_367 : f32 to vector<16xf32>
        %broadcast_in_dim3A_369 = arith.constant 0.000000e+00 : f32
        %broadcast_in_dim3A_370 = vector.broadcast %broadcast_in_dim3A_369 : f32 to vector<16xf32>
        %broadcast_in_dim3A_371 = arith.constant 0.000000e+00 : f32
        %broadcast_in_dim3A_372 = vector.broadcast %broadcast_in_dim3A_371 : f32 to vector<16xf32>
        %broadcast_in_dim3A_373 = arith.constant 0.000000e+00 : f32
        %broadcast_in_dim3A_374 = vector.broadcast %broadcast_in_dim3A_373 : f32 to vector<16xf32>
        %broadcast_in_dim3A_375 = arith.constant 0.000000e+00 : f32
        %broadcast_in_dim3A_376 = vector.broadcast %broadcast_in_dim3A_375 : f32 to vector<16xf32>
        %scan3A_377 = arith.constant 0 : i32
        %scan3A_378 = arith.constant 40 : i32
        %scan3A_379 = arith.addi %scan3A_377, %scan3A_378 : i32
        %scan3A_380 = arith.constant 1 : i32
        %scan3A_381:16 = scf.for %scan3A_597 = %scan3A_377 to %scan3A_379 step %scan3A_380 iter_args(%scan3A_598 = %broadcast_in_dim3A_346, %scan3A_599 = %broadcast_in_dim3A_348, %scan3A_600 = %broadcast_in_dim3A_350, %scan3A_601 = %broadcast_in_dim3A_352, %scan3A_602 = %broadcast_in_dim3A_354, %scan3A_603 = %broadcast_in_dim3A_356, %scan3A_604 = %broadcast_in_dim3A_358, %scan3A_605 = %broadcast_in_dim3A_360, %scan3A_606 = %broadcast_in_dim3A_362, %scan3A_607 = %broadcast_in_dim3A_364, %scan3A_608 = %broadcast_in_dim3A_366, %scan3A_609 = %broadcast_in_dim3A_368, %scan3A_610 = %broadcast_in_dim3A_370, %scan3A_611 = %broadcast_in_dim3A_372, %scan3A_612 = %broadcast_in_dim3A_374, %scan3A_613 = %broadcast_in_dim3A_376) -> (vector<16xf32>, vector<16xf32>, vector<16xf32>, vector<16xf32>, vector<16xf32>, vector<16xf32>, vector<16xf32>, vector<16xf32>, vector<16xf32>, vector<16xf32>, vector<16xf32>, vector<16xf32>, vector<16xf32>, vector<16xf32>, vector<16xf32>, vector<16xf32>)  : i32 {
          %get3A_614 = arith.constant 1 : i32
          %get3A_615 = arith.index_cast %get3A_614 : i32 to index
          %get3A_616 = arith.index_cast %scan3A_597 : i32 to index
          %get3A_617 = arith.constant 0 : index
          %get3A_618 = tpu.vector_load %arg15[%get3A_615, %get3A_616, %get3A_617] {strides = array<i32>} : memref<2x40x64xf32, #tpu.memory_space<vmem>>, vector<1x1x16xf32>,
          %get3A_619 = vector.shape_cast %get3A_618 : vector<1x1x16xf32> to vector<16xf32>
          %bitcast_convert_type3A = tpu.bitcast %get3A_619 : vector<16xf32> -> vector<16xi32>
          %and3A_620 = arith.andi %bitcast_convert_type3A, %broadcast_in_dim3A_104 : vector<16xi32>
          %bitcast_convert_type3A_621 = tpu.bitcast %and3A_620 : vector<16xi32> -> vector<16xf32>
          %shift_left3A = arith.constant 16 : i32
          %shift_left3A_622 = vector.broadcast %shift_left3A : i32 to vector<16xi32>
          %shift_left3A_623 = arith.shli %bitcast_convert_type3A, %shift_left3A_622 : vector<16xi32>
          %bitcast_convert_type3A_624 = tpu.bitcast %shift_left3A_623 : vector<16xi32> -> vector<16xf32>
          %get3A_625 = arith.constant 1 : i32
          %get3A_626 = arith.index_cast %get3A_625 : i32 to index
          %get3A_627 = arith.index_cast %scan3A_597 : i32 to index
          %get3A_628 = arith.constant 0 : index
          %get3A_629 = tpu.vector_load %arg13[%get3A_626, %get3A_627, %get3A_628] {strides = array<i32>} : memref<2x40x128xf32, #tpu.memory_space<vmem>>, vector<1x1x16xf32>,
          %get3A_630 = vector.shape_cast %get3A_629 : vector<1x1x16xf32> to vector<16xf32>
          %get3A_631 = arith.constant 1 : i32
          %get3A_632 = arith.index_cast %get3A_631 : i32 to index
          %get3A_633 = arith.index_cast %scan3A_597 : i32 to index
          %get3A_634 = arith.constant 0 : index
          %get3A_635 = tpu.vector_load %arg14[%get3A_632, %get3A_633, %get3A_634] {strides = array<i32>} : memref<2x40x128xf32, #tpu.memory_space<vmem>>, vector<1x1x16xf32>,
          %get3A_636 = vector.shape_cast %get3A_635 : vector<1x1x16xf32> to vector<16xf32>
          %add3A_637 = arith.addf %get3A_630, %get3A_636 : vector<16xf32>
          %add3A_638 = arith.addf %add3A_637, %bitcast_convert_type3A_621 : vector<16xf32>
          %max3A = arith.constant 0.000000e+00 : f32
          %max3A_639 = vector.broadcast %max3A : f32 to vector<16xf32>
          %max3A_640 = arith.maximumf %add3A_638, %max3A_639 : vector<16xf32>
          %get3A_641 = arith.constant 1 : i32
          %get3A_642 = arith.index_cast %get3A_641 : i32 to index
          %get3A_643 = arith.index_cast %scan3A_597 : i32 to index
          %get3A_644 = arith.constant 16 : index
          %get3A_645 = tpu.vector_load %arg13[%get3A_642, %get3A_643, %get3A_644] {strides = array<i32>} : memref<2x40x128xf32, #tpu.memory_space<vmem>>, vector<1x1x16xf32>,
          %get3A_646 = vector.shape_cast %get3A_645 : vector<1x1x16xf32> to vector<16xf32>
          %get3A_647 = arith.constant 1 : i32
          %get3A_648 = arith.index_cast %get3A_647 : i32 to index
          %get3A_649 = arith.index_cast %scan3A_597 : i32 to index
          %get3A_650 = arith.constant 16 : index
          %get3A_651 = tpu.vector_load %arg14[%get3A_648, %get3A_649, %get3A_650] {strides = array<i32>} : memref<2x40x128xf32, #tpu.memory_space<vmem>>, vector<1x1x16xf32>,
          %get3A_652 = vector.shape_cast %get3A_651 : vector<1x1x16xf32> to vector<16xf32>
          %add3A_653 = arith.addf %get3A_646, %get3A_652 : vector<16xf32>
          %add3A_654 = arith.addf %add3A_653, %bitcast_convert_type3A_624 : vector<16xf32>
          %max3A_655 = arith.constant 0.000000e+00 : f32
          %max3A_656 = vector.broadcast %max3A_655 : f32 to vector<16xf32>
          %max3A_657 = arith.maximumf %add3A_654, %max3A_656 : vector<16xf32>
          %swap3A_658 = arith.constant 1 : i32
          %swap3A_659 = arith.index_cast %swap3A_658 : i32 to index
          %swap3A_660 = arith.index_cast %scan3A_597 : i32 to index
          %swap3A_661 = arith.constant 0 : index
          %swap3A_662 = tpu.vector_load %arg16[%swap3A_659, %swap3A_660, %swap3A_661] {strides = array<i32>} : memref<2x40x128xf32, #tpu.memory_space<vmem>>, vector<1x1x16xf32>,
          %swap3A_663 = vector.shape_cast %swap3A_662 : vector<1x1x16xf32> to vector<16xf32>
          %swap3A_664 = vector.shape_cast %max3A_640 : vector<16xf32> to vector<1x1x16xf32>
          tpu.vector_store %arg16[%swap3A_659, %swap3A_660, %swap3A_661], %swap3A_664 {strides = array<i32>} : memref<2x40x128xf32, #tpu.memory_space<vmem>>, vector<1x1x16xf32>,
          %swap3A_665 = arith.constant 1 : i32
          %swap3A_666 = arith.index_cast %swap3A_665 : i32 to index
          %swap3A_667 = arith.index_cast %scan3A_597 : i32 to index
          %swap3A_668 = arith.constant 16 : index
          %swap3A_669 = tpu.vector_load %arg16[%swap3A_666, %swap3A_667, %swap3A_668] {strides = array<i32>} : memref<2x40x128xf32, #tpu.memory_space<vmem>>, vector<1x1x16xf32>,
          %swap3A_670 = vector.shape_cast %swap3A_669 : vector<1x1x16xf32> to vector<16xf32>
          %swap3A_671 = vector.shape_cast %max3A_657 : vector<16xf32> to vector<1x1x16xf32>
          tpu.vector_store %arg16[%swap3A_666, %swap3A_667, %swap3A_668], %swap3A_671 {strides = array<i32>} : memref<2x40x128xf32, #tpu.memory_space<vmem>>, vector<1x1x16xf32>,
          %add3A_672 = arith.addf %scan3A_598, %max3A_640 : vector<16xf32>
          %mul3A_673 = arith.mulf %max3A_640, %max3A_640 : vector<16xf32>
          %add3A_674 = arith.addf %scan3A_599, %mul3A_673 : vector<16xf32>
          %add3A_675 = arith.addf %scan3A_600, %max3A_657 : vector<16xf32>
          %mul3A_676 = arith.mulf %max3A_657, %max3A_657 : vector<16xf32>
          %add3A_677 = arith.addf %scan3A_601, %mul3A_676 : vector<16xf32>
          %get3A_678 = arith.constant 1 : i32
          %get3A_679 = arith.index_cast %get3A_678 : i32 to index
          %get3A_680 = arith.index_cast %scan3A_597 : i32 to index
          %get3A_681 = arith.constant 16 : index
          %get3A_682 = tpu.vector_load %arg15[%get3A_679, %get3A_680, %get3A_681] {strides = array<i32>} : memref<2x40x64xf32, #tpu.memory_space<vmem>>, vector<1x1x16xf32>,
          %get3A_683 = vector.shape_cast %get3A_682 : vector<1x1x16xf32> to vector<16xf32>
          %bitcast_convert_type3A_684 = tpu.bitcast %get3A_683 : vector<16xf32> -> vector<16xi32>
          %and3A_685 = arith.andi %bitcast_convert_type3A_684, %broadcast_in_dim3A_104 : vector<16xi32>
          %bitcast_convert_type3A_686 = tpu.bitcast %and3A_685 : vector<16xi32> -> vector<16xf32>
          %shift_left3A_687 = arith.constant 16 : i32
          %shift_left3A_688 = vector.broadcast %shift_left3A_687 : i32 to vector<16xi32>
          %shift_left3A_689 = arith.shli %bitcast_convert_type3A_684, %shift_left3A_688 : vector<16xi32>
          %bitcast_convert_type3A_690 = tpu.bitcast %shift_left3A_689 : vector<16xi32> -> vector<16xf32>
          %get3A_691 = arith.constant 1 : i32
          %get3A_692 = arith.index_cast %get3A_691 : i32 to index
          %get3A_693 = arith.index_cast %scan3A_597 : i32 to index
          %get3A_694 = arith.constant 32 : index
          %get3A_695 = tpu.vector_load %arg13[%get3A_692, %get3A_693, %get3A_694] {strides = array<i32>} : memref<2x40x128xf32, #tpu.memory_space<vmem>>, vector<1x1x16xf32>,
          %get3A_696 = vector.shape_cast %get3A_695 : vector<1x1x16xf32> to vector<16xf32>
          %get3A_697 = arith.constant 1 : i32
          %get3A_698 = arith.index_cast %get3A_697 : i32 to index
          %get3A_699 = arith.index_cast %scan3A_597 : i32 to index
          %get3A_700 = arith.constant 32 : index
          %get3A_701 = tpu.vector_load %arg14[%get3A_698, %get3A_699, %get3A_700] {strides = array<i32>} : memref<2x40x128xf32, #tpu.memory_space<vmem>>, vector<1x1x16xf32>,
          %get3A_702 = vector.shape_cast %get3A_701 : vector<1x1x16xf32> to vector<16xf32>
          %add3A_703 = arith.addf %get3A_696, %get3A_702 : vector<16xf32>
          %add3A_704 = arith.addf %add3A_703, %bitcast_convert_type3A_686 : vector<16xf32>
          %max3A_705 = arith.constant 0.000000e+00 : f32
          %max3A_706 = vector.broadcast %max3A_705 : f32 to vector<16xf32>
          %max3A_707 = arith.maximumf %add3A_704, %max3A_706 : vector<16xf32>
          %get3A_708 = arith.constant 1 : i32
          %get3A_709 = arith.index_cast %get3A_708 : i32 to index
          %get3A_710 = arith.index_cast %scan3A_597 : i32 to index
          %get3A_711 = arith.constant 48 : index
          %get3A_712 = tpu.vector_load %arg13[%get3A_709, %get3A_710, %get3A_711] {strides = array<i32>} : memref<2x40x128xf32, #tpu.memory_space<vmem>>, vector<1x1x16xf32>,
          %get3A_713 = vector.shape_cast %get3A_712 : vector<1x1x16xf32> to vector<16xf32>
          %get3A_714 = arith.constant 1 : i32
          %get3A_715 = arith.index_cast %get3A_714 : i32 to index
          %get3A_716 = arith.index_cast %scan3A_597 : i32 to index
          %get3A_717 = arith.constant 48 : index
          %get3A_718 = tpu.vector_load %arg14[%get3A_715, %get3A_716, %get3A_717] {strides = array<i32>} : memref<2x40x128xf32, #tpu.memory_space<vmem>>, vector<1x1x16xf32>,
          %get3A_719 = vector.shape_cast %get3A_718 : vector<1x1x16xf32> to vector<16xf32>
          %add3A_720 = arith.addf %get3A_713, %get3A_719 : vector<16xf32>
          %add3A_721 = arith.addf %add3A_720, %bitcast_convert_type3A_690 : vector<16xf32>
          %max3A_722 = arith.constant 0.000000e+00 : f32
          %max3A_723 = vector.broadcast %max3A_722 : f32 to vector<16xf32>
          %max3A_724 = arith.maximumf %add3A_721, %max3A_723 : vector<16xf32>
          %swap3A_725 = arith.constant 1 : i32
          %swap3A_726 = arith.index_cast %swap3A_725 : i32 to index
          %swap3A_727 = arith.index_cast %scan3A_597 : i32 to index
          %swap3A_728 = arith.constant 32 : index
          %swap3A_729 = tpu.vector_load %arg16[%swap3A_726, %swap3A_727, %swap3A_728] {strides = array<i32>} : memref<2x40x128xf32, #tpu.memory_space<vmem>>, vector<1x1x16xf32>,
          %swap3A_730 = vector.shape_cast %swap3A_729 : vector<1x1x16xf32> to vector<16xf32>
          %swap3A_731 = vector.shape_cast %max3A_707 : vector<16xf32> to vector<1x1x16xf32>
          tpu.vector_store %arg16[%swap3A_726, %swap3A_727, %swap3A_728], %swap3A_731 {strides = array<i32>} : memref<2x40x128xf32, #tpu.memory_space<vmem>>, vector<1x1x16xf32>,
          %swap3A_732 = arith.constant 1 : i32
          %swap3A_733 = arith.index_cast %swap3A_732 : i32 to index
          %swap3A_734 = arith.index_cast %scan3A_597 : i32 to index
          %swap3A_735 = arith.constant 48 : index
          %swap3A_736 = tpu.vector_load %arg16[%swap3A_733, %swap3A_734, %swap3A_735] {strides = array<i32>} : memref<2x40x128xf32, #tpu.memory_space<vmem>>, vector<1x1x16xf32>,
          %swap3A_737 = vector.shape_cast %swap3A_736 : vector<1x1x16xf32> to vector<16xf32>
          %swap3A_738 = vector.shape_cast %max3A_724 : vector<16xf32> to vector<1x1x16xf32>
          tpu.vector_store %arg16[%swap3A_733, %swap3A_734, %swap3A_735], %swap3A_738 {strides = array<i32>} : memref<2x40x128xf32, #tpu.memory_space<vmem>>, vector<1x1x16xf32>,
          %add3A_739 = arith.addf %scan3A_602, %max3A_707 : vector<16xf32>
          %mul3A_740 = arith.mulf %max3A_707, %max3A_707 : vector<16xf32>
          %add3A_741 = arith.addf %scan3A_603, %mul3A_740 : vector<16xf32>
          %add3A_742 = arith.addf %scan3A_604, %max3A_724 : vector<16xf32>
          %mul3A_743 = arith.mulf %max3A_724, %max3A_724 : vector<16xf32>
          %add3A_744 = arith.addf %scan3A_605, %mul3A_743 : vector<16xf32>
          %get3A_745 = arith.constant 1 : i32
          %get3A_746 = arith.index_cast %get3A_745 : i32 to index
          %get3A_747 = arith.index_cast %scan3A_597 : i32 to index
          %get3A_748 = arith.constant 32 : index
          %get3A_749 = tpu.vector_load %arg15[%get3A_746, %get3A_747, %get3A_748] {strides = array<i32>} : memref<2x40x64xf32, #tpu.memory_space<vmem>>, vector<1x1x16xf32>,
          %get3A_750 = vector.shape_cast %get3A_749 : vector<1x1x16xf32> to vector<16xf32>
          %bitcast_convert_type3A_751 = tpu.bitcast %get3A_750 : vector<16xf32> -> vector<16xi32>
          %and3A_752 = arith.andi %bitcast_convert_type3A_751, %broadcast_in_dim3A_104 : vector<16xi32>
          %bitcast_convert_type3A_753 = tpu.bitcast %and3A_752 : vector<16xi32> -> vector<16xf32>
          %shift_left3A_754 = arith.constant 16 : i32
          %shift_left3A_755 = vector.broadcast %shift_left3A_754 : i32 to vector<16xi32>
          %shift_left3A_756 = arith.shli %bitcast_convert_type3A_751, %shift_left3A_755 : vector<16xi32>
          %bitcast_convert_type3A_757 = tpu.bitcast %shift_left3A_756 : vector<16xi32> -> vector<16xf32>
          %get3A_758 = arith.constant 1 : i32
          %get3A_759 = arith.index_cast %get3A_758 : i32 to index
          %get3A_760 = arith.index_cast %scan3A_597 : i32 to index
          %get3A_761 = arith.constant 64 : index
          %get3A_762 = tpu.vector_load %arg13[%get3A_759, %get3A_760, %get3A_761] {strides = array<i32>} : memref<2x40x128xf32, #tpu.memory_space<vmem>>, vector<1x1x16xf32>,
          %get3A_763 = vector.shape_cast %get3A_762 : vector<1x1x16xf32> to vector<16xf32>
          %get3A_764 = arith.constant 1 : i32
          %get3A_765 = arith.index_cast %get3A_764 : i32 to index
          %get3A_766 = arith.index_cast %scan3A_597 : i32 to index
          %get3A_767 = arith.constant 64 : index
          %get3A_768 = tpu.vector_load %arg14[%get3A_765, %get3A_766, %get3A_767] {strides = array<i32>} : memref<2x40x128xf32, #tpu.memory_space<vmem>>, vector<1x1x16xf32>,
          %get3A_769 = vector.shape_cast %get3A_768 : vector<1x1x16xf32> to vector<16xf32>
          %add3A_770 = arith.addf %get3A_763, %get3A_769 : vector<16xf32>
          %add3A_771 = arith.addf %add3A_770, %bitcast_convert_type3A_753 : vector<16xf32>
          %max3A_772 = arith.constant 0.000000e+00 : f32
          %max3A_773 = vector.broadcast %max3A_772 : f32 to vector<16xf32>
          %max3A_774 = arith.maximumf %add3A_771, %max3A_773 : vector<16xf32>
          %get3A_775 = arith.constant 1 : i32
          %get3A_776 = arith.index_cast %get3A_775 : i32 to index
          %get3A_777 = arith.index_cast %scan3A_597 : i32 to index
          %get3A_778 = arith.constant 80 : index
          %get3A_779 = tpu.vector_load %arg13[%get3A_776, %get3A_777, %get3A_778] {strides = array<i32>} : memref<2x40x128xf32, #tpu.memory_space<vmem>>, vector<1x1x16xf32>,
          %get3A_780 = vector.shape_cast %get3A_779 : vector<1x1x16xf32> to vector<16xf32>
          %get3A_781 = arith.constant 1 : i32
          %get3A_782 = arith.index_cast %get3A_781 : i32 to index
          %get3A_783 = arith.index_cast %scan3A_597 : i32 to index
          %get3A_784 = arith.constant 80 : index
          %get3A_785 = tpu.vector_load %arg14[%get3A_782, %get3A_783, %get3A_784] {strides = array<i32>} : memref<2x40x128xf32, #tpu.memory_space<vmem>>, vector<1x1x16xf32>,
          %get3A_786 = vector.shape_cast %get3A_785 : vector<1x1x16xf32> to vector<16xf32>
          %add3A_787 = arith.addf %get3A_780, %get3A_786 : vector<16xf32>
          %add3A_788 = arith.addf %add3A_787, %bitcast_convert_type3A_757 : vector<16xf32>
          %max3A_789 = arith.constant 0.000000e+00 : f32
          %max3A_790 = vector.broadcast %max3A_789 : f32 to vector<16xf32>
          %max3A_791 = arith.maximumf %add3A_788, %max3A_790 : vector<16xf32>
          %swap3A_792 = arith.constant 1 : i32
          %swap3A_793 = arith.index_cast %swap3A_792 : i32 to index
          %swap3A_794 = arith.index_cast %scan3A_597 : i32 to index
          %swap3A_795 = arith.constant 64 : index
          %swap3A_796 = tpu.vector_load %arg16[%swap3A_793, %swap3A_794, %swap3A_795] {strides = array<i32>} : memref<2x40x128xf32, #tpu.memory_space<vmem>>, vector<1x1x16xf32>,
          %swap3A_797 = vector.shape_cast %swap3A_796 : vector<1x1x16xf32> to vector<16xf32>
          %swap3A_798 = vector.shape_cast %max3A_774 : vector<16xf32> to vector<1x1x16xf32>
          tpu.vector_store %arg16[%swap3A_793, %swap3A_794, %swap3A_795], %swap3A_798 {strides = array<i32>} : memref<2x40x128xf32, #tpu.memory_space<vmem>>, vector<1x1x16xf32>,
          %swap3A_799 = arith.constant 1 : i32
          %swap3A_800 = arith.index_cast %swap3A_799 : i32 to index
          %swap3A_801 = arith.index_cast %scan3A_597 : i32 to index
          %swap3A_802 = arith.constant 80 : index
          %swap3A_803 = tpu.vector_load %arg16[%swap3A_800, %swap3A_801, %swap3A_802] {strides = array<i32>} : memref<2x40x128xf32, #tpu.memory_space<vmem>>, vector<1x1x16xf32>,
          %swap3A_804 = vector.shape_cast %swap3A_803 : vector<1x1x16xf32> to vector<16xf32>
          %swap3A_805 = vector.shape_cast %max3A_791 : vector<16xf32> to vector<1x1x16xf32>
          tpu.vector_store %arg16[%swap3A_800, %swap3A_801, %swap3A_802], %swap3A_805 {strides = array<i32>} : memref<2x40x128xf32, #tpu.memory_space<vmem>>, vector<1x1x16xf32>,
          %add3A_806 = arith.addf %scan3A_606, %max3A_774 : vector<16xf32>
          %mul3A_807 = arith.mulf %max3A_774, %max3A_774 : vector<16xf32>
          %add3A_808 = arith.addf %scan3A_607, %mul3A_807 : vector<16xf32>
          %add3A_809 = arith.addf %scan3A_608, %max3A_791 : vector<16xf32>
          %mul3A_810 = arith.mulf %max3A_791, %max3A_791 : vector<16xf32>
          %add3A_811 = arith.addf %scan3A_609, %mul3A_810 : vector<16xf32>
          %get3A_812 = arith.constant 1 : i32
          %get3A_813 = arith.index_cast %get3A_812 : i32 to index
          %get3A_814 = arith.index_cast %scan3A_597 : i32 to index
          %get3A_815 = arith.constant 48 : index
          %get3A_816 = tpu.vector_load %arg15[%get3A_813, %get3A_814, %get3A_815] {strides = array<i32>} : memref<2x40x64xf32, #tpu.memory_space<vmem>>, vector<1x1x16xf32>,
          %get3A_817 = vector.shape_cast %get3A_816 : vector<1x1x16xf32> to vector<16xf32>
          %bitcast_convert_type3A_818 = tpu.bitcast %get3A_817 : vector<16xf32> -> vector<16xi32>
          %and3A_819 = arith.andi %bitcast_convert_type3A_818, %broadcast_in_dim3A_104 : vector<16xi32>
          %bitcast_convert_type3A_820 = tpu.bitcast %and3A_819 : vector<16xi32> -> vector<16xf32>
          %shift_left3A_821 = arith.constant 16 : i32
          %shift_left3A_822 = vector.broadcast %shift_left3A_821 : i32 to vector<16xi32>
          %shift_left3A_823 = arith.shli %bitcast_convert_type3A_818, %shift_left3A_822 : vector<16xi32>
          %bitcast_convert_type3A_824 = tpu.bitcast %shift_left3A_823 : vector<16xi32> -> vector<16xf32>
          %get3A_825 = arith.constant 1 : i32
          %get3A_826 = arith.index_cast %get3A_825 : i32 to index
          %get3A_827 = arith.index_cast %scan3A_597 : i32 to index
          %get3A_828 = arith.constant 96 : index
          %get3A_829 = tpu.vector_load %arg13[%get3A_826, %get3A_827, %get3A_828] {strides = array<i32>} : memref<2x40x128xf32, #tpu.memory_space<vmem>>, vector<1x1x16xf32>,
          %get3A_830 = vector.shape_cast %get3A_829 : vector<1x1x16xf32> to vector<16xf32>
          %get3A_831 = arith.constant 1 : i32
          %get3A_832 = arith.index_cast %get3A_831 : i32 to index
          %get3A_833 = arith.index_cast %scan3A_597 : i32 to index
          %get3A_834 = arith.constant 96 : index
          %get3A_835 = tpu.vector_load %arg14[%get3A_832, %get3A_833, %get3A_834] {strides = array<i32>} : memref<2x40x128xf32, #tpu.memory_space<vmem>>, vector<1x1x16xf32>,
          %get3A_836 = vector.shape_cast %get3A_835 : vector<1x1x16xf32> to vector<16xf32>
          %add3A_837 = arith.addf %get3A_830, %get3A_836 : vector<16xf32>
          %add3A_838 = arith.addf %add3A_837, %bitcast_convert_type3A_820 : vector<16xf32>
          %max3A_839 = arith.constant 0.000000e+00 : f32
          %max3A_840 = vector.broadcast %max3A_839 : f32 to vector<16xf32>
          %max3A_841 = arith.maximumf %add3A_838, %max3A_840 : vector<16xf32>
          %get3A_842 = arith.constant 1 : i32
          %get3A_843 = arith.index_cast %get3A_842 : i32 to index
          %get3A_844 = arith.index_cast %scan3A_597 : i32 to index
          %get3A_845 = arith.constant 112 : index
          %get3A_846 = tpu.vector_load %arg13[%get3A_843, %get3A_844, %get3A_845] {strides = array<i32>} : memref<2x40x128xf32, #tpu.memory_space<vmem>>, vector<1x1x16xf32>,
          %get3A_847 = vector.shape_cast %get3A_846 : vector<1x1x16xf32> to vector<16xf32>
          %get3A_848 = arith.constant 1 : i32
          %get3A_849 = arith.index_cast %get3A_848 : i32 to index
          %get3A_850 = arith.index_cast %scan3A_597 : i32 to index
          %get3A_851 = arith.constant 112 : index
          %get3A_852 = tpu.vector_load %arg14[%get3A_849, %get3A_850, %get3A_851] {strides = array<i32>} : memref<2x40x128xf32, #tpu.memory_space<vmem>>, vector<1x1x16xf32>,
          %get3A_853 = vector.shape_cast %get3A_852 : vector<1x1x16xf32> to vector<16xf32>
          %add3A_854 = arith.addf %get3A_847, %get3A_853 : vector<16xf32>
          %add3A_855 = arith.addf %add3A_854, %bitcast_convert_type3A_824 : vector<16xf32>
          %max3A_856 = arith.constant 0.000000e+00 : f32
          %max3A_857 = vector.broadcast %max3A_856 : f32 to vector<16xf32>
          %max3A_858 = arith.maximumf %add3A_855, %max3A_857 : vector<16xf32>
          %swap3A_859 = arith.constant 1 : i32
          %swap3A_860 = arith.index_cast %swap3A_859 : i32 to index
          %swap3A_861 = arith.index_cast %scan3A_597 : i32 to index
          %swap3A_862 = arith.constant 96 : index
          %swap3A_863 = tpu.vector_load %arg16[%swap3A_860, %swap3A_861, %swap3A_862] {strides = array<i32>} : memref<2x40x128xf32, #tpu.memory_space<vmem>>, vector<1x1x16xf32>,
          %swap3A_864 = vector.shape_cast %swap3A_863 : vector<1x1x16xf32> to vector<16xf32>
          %swap3A_865 = vector.shape_cast %max3A_841 : vector<16xf32> to vector<1x1x16xf32>
          tpu.vector_store %arg16[%swap3A_860, %swap3A_861, %swap3A_862], %swap3A_865 {strides = array<i32>} : memref<2x40x128xf32, #tpu.memory_space<vmem>>, vector<1x1x16xf32>,
          %swap3A_866 = arith.constant 1 : i32
          %swap3A_867 = arith.index_cast %swap3A_866 : i32 to index
          %swap3A_868 = arith.index_cast %scan3A_597 : i32 to index
          %swap3A_869 = arith.constant 112 : index
          %swap3A_870 = tpu.vector_load %arg16[%swap3A_867, %swap3A_868, %swap3A_869] {strides = array<i32>} : memref<2x40x128xf32, #tpu.memory_space<vmem>>, vector<1x1x16xf32>,
          %swap3A_871 = vector.shape_cast %swap3A_870 : vector<1x1x16xf32> to vector<16xf32>
          %swap3A_872 = vector.shape_cast %max3A_858 : vector<16xf32> to vector<1x1x16xf32>
          tpu.vector_store %arg16[%swap3A_867, %swap3A_868, %swap3A_869], %swap3A_872 {strides = array<i32>} : memref<2x40x128xf32, #tpu.memory_space<vmem>>, vector<1x1x16xf32>,
          %add3A_873 = arith.addf %scan3A_610, %max3A_841 : vector<16xf32>
          %mul3A_874 = arith.mulf %max3A_841, %max3A_841 : vector<16xf32>
          %add3A_875 = arith.addf %scan3A_611, %mul3A_874 : vector<16xf32>
          %add3A_876 = arith.addf %scan3A_612, %max3A_858 : vector<16xf32>
          %mul3A_877 = arith.mulf %max3A_858, %max3A_858 : vector<16xf32>
          %add3A_878 = arith.addf %scan3A_613, %mul3A_877 : vector<16xf32>
          scf.yield %add3A_672, %add3A_674, %add3A_675, %add3A_677, %add3A_739, %add3A_741, %add3A_742, %add3A_744, %add3A_806, %add3A_808, %add3A_809, %add3A_811, %add3A_873, %add3A_875, %add3A_876, %add3A_878 : vector<16xf32>, vector<16xf32>, vector<16xf32>, vector<16xf32>, vector<16xf32>, vector<16xf32>, vector<16xf32>, vector<16xf32>, vector<16xf32>, vector<16xf32>, vector<16xf32>, vector<16xf32>, vector<16xf32>, vector<16xf32>, vector<16xf32>, vector<16xf32>
        }
        %scan3A_382 = arith.constant 40 : i32
        %get3A = arith.constant 0 : i32
        %get3A_383 = arith.index_cast %get3A : i32 to index
        %get3A_384 = arith.constant 0 : index
        %get3A_385 = tpu.vector_load %arg17[%get3A_383, %get3A_384] {strides = array<i32>} : memref<2x128xf32, #tpu.memory_space<vmem>>, vector<1x16xf32>,
        %get3A_386 = vector.shape_cast %get3A_385 : vector<1x16xf32> to vector<16xf32>
        %add3A_387 = arith.addf %get3A_386, %scan3A_381#0 : vector<16xf32>
        %swap3A_388 = arith.constant 0 : i32
        %swap3A_389 = arith.index_cast %swap3A_388 : i32 to index
        %swap3A_390 = arith.constant 0 : index
        %swap3A_391 = tpu.vector_load %arg17[%swap3A_389, %swap3A_390] {strides = array<i32>} : memref<2x128xf32, #tpu.memory_space<vmem>>, vector<1x16xf32>,
        %swap3A_392 = vector.shape_cast %swap3A_391 : vector<1x16xf32> to vector<16xf32>
        %swap3A_393 = vector.shape_cast %add3A_387 : vector<16xf32> to vector<1x16xf32>
        tpu.vector_store %arg17[%swap3A_389, %swap3A_390], %swap3A_393 {strides = array<i32>} : memref<2x128xf32, #tpu.memory_space<vmem>>, vector<1x16xf32>,
        %get3A_394 = arith.constant 1 : i32
        %get3A_395 = arith.index_cast %get3A_394 : i32 to index
        %get3A_396 = arith.constant 0 : index
        %get3A_397 = tpu.vector_load %arg17[%get3A_395, %get3A_396] {strides = array<i32>} : memref<2x128xf32, #tpu.memory_space<vmem>>, vector<1x16xf32>,
        %get3A_398 = vector.shape_cast %get3A_397 : vector<1x16xf32> to vector<16xf32>
        %add3A_399 = arith.addf %get3A_398, %scan3A_381#1 : vector<16xf32>
        %swap3A_400 = arith.constant 1 : i32
        %swap3A_401 = arith.index_cast %swap3A_400 : i32 to index
        %swap3A_402 = arith.constant 0 : index
        %swap3A_403 = tpu.vector_load %arg17[%swap3A_401, %swap3A_402] {strides = array<i32>} : memref<2x128xf32, #tpu.memory_space<vmem>>, vector<1x16xf32>,
        %swap3A_404 = vector.shape_cast %swap3A_403 : vector<1x16xf32> to vector<16xf32>
        %swap3A_405 = vector.shape_cast %add3A_399 : vector<16xf32> to vector<1x16xf32>
        tpu.vector_store %arg17[%swap3A_401, %swap3A_402], %swap3A_405 {strides = array<i32>} : memref<2x128xf32, #tpu.memory_space<vmem>>, vector<1x16xf32>,
        %get3A_406 = arith.constant 0 : i32
        %get3A_407 = arith.index_cast %get3A_406 : i32 to index
        %get3A_408 = arith.constant 16 : index
        %get3A_409 = tpu.vector_load %arg17[%get3A_407, %get3A_408] {strides = array<i32>} : memref<2x128xf32, #tpu.memory_space<vmem>>, vector<1x16xf32>,
        %get3A_410 = vector.shape_cast %get3A_409 : vector<1x16xf32> to vector<16xf32>
        %add3A_411 = arith.addf %get3A_410, %scan3A_381#2 : vector<16xf32>
        %swap3A_412 = arith.constant 0 : i32
        %swap3A_413 = arith.index_cast %swap3A_412 : i32 to index
        %swap3A_414 = arith.constant 16 : index
        %swap3A_415 = tpu.vector_load %arg17[%swap3A_413, %swap3A_414] {strides = array<i32>} : memref<2x128xf32, #tpu.memory_space<vmem>>, vector<1x16xf32>,
        %swap3A_416 = vector.shape_cast %swap3A_415 : vector<1x16xf32> to vector<16xf32>
        %swap3A_417 = vector.shape_cast %add3A_411 : vector<16xf32> to vector<1x16xf32>
        tpu.vector_store %arg17[%swap3A_413, %swap3A_414], %swap3A_417 {strides = array<i32>} : memref<2x128xf32, #tpu.memory_space<vmem>>, vector<1x16xf32>,
        %get3A_418 = arith.constant 1 : i32
        %get3A_419 = arith.index_cast %get3A_418 : i32 to index
        %get3A_420 = arith.constant 16 : index
        %get3A_421 = tpu.vector_load %arg17[%get3A_419, %get3A_420] {strides = array<i32>} : memref<2x128xf32, #tpu.memory_space<vmem>>, vector<1x16xf32>,
        %get3A_422 = vector.shape_cast %get3A_421 : vector<1x16xf32> to vector<16xf32>
        %add3A_423 = arith.addf %get3A_422, %scan3A_381#3 : vector<16xf32>
        %swap3A_424 = arith.constant 1 : i32
        %swap3A_425 = arith.index_cast %swap3A_424 : i32 to index
        %swap3A_426 = arith.constant 16 : index
        %swap3A_427 = tpu.vector_load %arg17[%swap3A_425, %swap3A_426] {strides = array<i32>} : memref<2x128xf32, #tpu.memory_space<vmem>>, vector<1x16xf32>,
        %swap3A_428 = vector.shape_cast %swap3A_427 : vector<1x16xf32> to vector<16xf32>
        %swap3A_429 = vector.shape_cast %add3A_423 : vector<16xf32> to vector<1x16xf32>
        tpu.vector_store %arg17[%swap3A_425, %swap3A_426], %swap3A_429 {strides = array<i32>} : memref<2x128xf32, #tpu.memory_space<vmem>>, vector<1x16xf32>,
        %get3A_430 = arith.constant 0 : i32
        %get3A_431 = arith.index_cast %get3A_430 : i32 to index
        %get3A_432 = arith.constant 32 : index
        %get3A_433 = tpu.vector_load %arg17[%get3A_431, %get3A_432] {strides = array<i32>} : memref<2x128xf32, #tpu.memory_space<vmem>>, vector<1x16xf32>,
        %get3A_434 = vector.shape_cast %get3A_433 : vector<1x16xf32> to vector<16xf32>
        %add3A_435 = arith.addf %get3A_434, %scan3A_381#4 : vector<16xf32>
        %swap3A_436 = arith.constant 0 : i32
        %swap3A_437 = arith.index_cast %swap3A_436 : i32 to index
        %swap3A_438 = arith.constant 32 : index
        %swap3A_439 = tpu.vector_load %arg17[%swap3A_437, %swap3A_438] {strides = array<i32>} : memref<2x128xf32, #tpu.memory_space<vmem>>, vector<1x16xf32>,
        %swap3A_440 = vector.shape_cast %swap3A_439 : vector<1x16xf32> to vector<16xf32>
        %swap3A_441 = vector.shape_cast %add3A_435 : vector<16xf32> to vector<1x16xf32>
        tpu.vector_store %arg17[%swap3A_437, %swap3A_438], %swap3A_441 {strides = array<i32>} : memref<2x128xf32, #tpu.memory_space<vmem>>, vector<1x16xf32>,
        %get3A_442 = arith.constant 1 : i32
        %get3A_443 = arith.index_cast %get3A_442 : i32 to index
        %get3A_444 = arith.constant 32 : index
        %get3A_445 = tpu.vector_load %arg17[%get3A_443, %get3A_444] {strides = array<i32>} : memref<2x128xf32, #tpu.memory_space<vmem>>, vector<1x16xf32>,
        %get3A_446 = vector.shape_cast %get3A_445 : vector<1x16xf32> to vector<16xf32>
        %add3A_447 = arith.addf %get3A_446, %scan3A_381#5 : vector<16xf32>
        %swap3A_448 = arith.constant 1 : i32
        %swap3A_449 = arith.index_cast %swap3A_448 : i32 to index
        %swap3A_450 = arith.constant 32 : index
        %swap3A_451 = tpu.vector_load %arg17[%swap3A_449, %swap3A_450] {strides = array<i32>} : memref<2x128xf32, #tpu.memory_space<vmem>>, vector<1x16xf32>,
        %swap3A_452 = vector.shape_cast %swap3A_451 : vector<1x16xf32> to vector<16xf32>
        %swap3A_453 = vector.shape_cast %add3A_447 : vector<16xf32> to vector<1x16xf32>
        tpu.vector_store %arg17[%swap3A_449, %swap3A_450], %swap3A_453 {strides = array<i32>} : memref<2x128xf32, #tpu.memory_space<vmem>>, vector<1x16xf32>,
        %get3A_454 = arith.constant 0 : i32
        %get3A_455 = arith.index_cast %get3A_454 : i32 to index
        %get3A_456 = arith.constant 48 : index
        %get3A_457 = tpu.vector_load %arg17[%get3A_455, %get3A_456] {strides = array<i32>} : memref<2x128xf32, #tpu.memory_space<vmem>>, vector<1x16xf32>,
        %get3A_458 = vector.shape_cast %get3A_457 : vector<1x16xf32> to vector<16xf32>
        %add3A_459 = arith.addf %get3A_458, %scan3A_381#6 : vector<16xf32>
        %swap3A_460 = arith.constant 0 : i32
        %swap3A_461 = arith.index_cast %swap3A_460 : i32 to index
        %swap3A_462 = arith.constant 48 : index
        %swap3A_463 = tpu.vector_load %arg17[%swap3A_461, %swap3A_462] {strides = array<i32>} : memref<2x128xf32, #tpu.memory_space<vmem>>, vector<1x16xf32>,
        %swap3A_464 = vector.shape_cast %swap3A_463 : vector<1x16xf32> to vector<16xf32>
        %swap3A_465 = vector.shape_cast %add3A_459 : vector<16xf32> to vector<1x16xf32>
        tpu.vector_store %arg17[%swap3A_461, %swap3A_462], %swap3A_465 {strides = array<i32>} : memref<2x128xf32, #tpu.memory_space<vmem>>, vector<1x16xf32>,
        %get3A_466 = arith.constant 1 : i32
        %get3A_467 = arith.index_cast %get3A_466 : i32 to index
        %get3A_468 = arith.constant 48 : index
        %get3A_469 = tpu.vector_load %arg17[%get3A_467, %get3A_468] {strides = array<i32>} : memref<2x128xf32, #tpu.memory_space<vmem>>, vector<1x16xf32>,
        %get3A_470 = vector.shape_cast %get3A_469 : vector<1x16xf32> to vector<16xf32>
        %add3A_471 = arith.addf %get3A_470, %scan3A_381#7 : vector<16xf32>
        %swap3A_472 = arith.constant 1 : i32
        %swap3A_473 = arith.index_cast %swap3A_472 : i32 to index
        %swap3A_474 = arith.constant 48 : index
        %swap3A_475 = tpu.vector_load %arg17[%swap3A_473, %swap3A_474] {strides = array<i32>} : memref<2x128xf32, #tpu.memory_space<vmem>>, vector<1x16xf32>,
        %swap3A_476 = vector.shape_cast %swap3A_475 : vector<1x16xf32> to vector<16xf32>
        %swap3A_477 = vector.shape_cast %add3A_471 : vector<16xf32> to vector<1x16xf32>
        tpu.vector_store %arg17[%swap3A_473, %swap3A_474], %swap3A_477 {strides = array<i32>} : memref<2x128xf32, #tpu.memory_space<vmem>>, vector<1x16xf32>,
        %get3A_478 = arith.constant 0 : i32
        %get3A_479 = arith.index_cast %get3A_478 : i32 to index
        %get3A_480 = arith.constant 64 : index
        %get3A_481 = tpu.vector_load %arg17[%get3A_479, %get3A_480] {strides = array<i32>} : memref<2x128xf32, #tpu.memory_space<vmem>>, vector<1x16xf32>,
        %get3A_482 = vector.shape_cast %get3A_481 : vector<1x16xf32> to vector<16xf32>
        %add3A_483 = arith.addf %get3A_482, %scan3A_381#8 : vector<16xf32>
        %swap3A_484 = arith.constant 0 : i32
        %swap3A_485 = arith.index_cast %swap3A_484 : i32 to index
        %swap3A_486 = arith.constant 64 : index
        %swap3A_487 = tpu.vector_load %arg17[%swap3A_485, %swap3A_486] {strides = array<i32>} : memref<2x128xf32, #tpu.memory_space<vmem>>, vector<1x16xf32>,
        %swap3A_488 = vector.shape_cast %swap3A_487 : vector<1x16xf32> to vector<16xf32>
        %swap3A_489 = vector.shape_cast %add3A_483 : vector<16xf32> to vector<1x16xf32>
        tpu.vector_store %arg17[%swap3A_485, %swap3A_486], %swap3A_489 {strides = array<i32>} : memref<2x128xf32, #tpu.memory_space<vmem>>, vector<1x16xf32>,
        %get3A_490 = arith.constant 1 : i32
        %get3A_491 = arith.index_cast %get3A_490 : i32 to index
        %get3A_492 = arith.constant 64 : index
        %get3A_493 = tpu.vector_load %arg17[%get3A_491, %get3A_492] {strides = array<i32>} : memref<2x128xf32, #tpu.memory_space<vmem>>, vector<1x16xf32>,
        %get3A_494 = vector.shape_cast %get3A_493 : vector<1x16xf32> to vector<16xf32>
        %add3A_495 = arith.addf %get3A_494, %scan3A_381#9 : vector<16xf32>
        %swap3A_496 = arith.constant 1 : i32
        %swap3A_497 = arith.index_cast %swap3A_496 : i32 to index
        %swap3A_498 = arith.constant 64 : index
        %swap3A_499 = tpu.vector_load %arg17[%swap3A_497, %swap3A_498] {strides = array<i32>} : memref<2x128xf32, #tpu.memory_space<vmem>>, vector<1x16xf32>,
        %swap3A_500 = vector.shape_cast %swap3A_499 : vector<1x16xf32> to vector<16xf32>
        %swap3A_501 = vector.shape_cast %add3A_495 : vector<16xf32> to vector<1x16xf32>
        tpu.vector_store %arg17[%swap3A_497, %swap3A_498], %swap3A_501 {strides = array<i32>} : memref<2x128xf32, #tpu.memory_space<vmem>>, vector<1x16xf32>,
        %get3A_502 = arith.constant 0 : i32
        %get3A_503 = arith.index_cast %get3A_502 : i32 to index
        %get3A_504 = arith.constant 80 : index
        %get3A_505 = tpu.vector_load %arg17[%get3A_503, %get3A_504] {strides = array<i32>} : memref<2x128xf32, #tpu.memory_space<vmem>>, vector<1x16xf32>,
        %get3A_506 = vector.shape_cast %get3A_505 : vector<1x16xf32> to vector<16xf32>
        %add3A_507 = arith.addf %get3A_506, %scan3A_381#10 : vector<16xf32>
        %swap3A_508 = arith.constant 0 : i32
        %swap3A_509 = arith.index_cast %swap3A_508 : i32 to index
        %swap3A_510 = arith.constant 80 : index
        %swap3A_511 = tpu.vector_load %arg17[%swap3A_509, %swap3A_510] {strides = array<i32>} : memref<2x128xf32, #tpu.memory_space<vmem>>, vector<1x16xf32>,
        %swap3A_512 = vector.shape_cast %swap3A_511 : vector<1x16xf32> to vector<16xf32>
        %swap3A_513 = vector.shape_cast %add3A_507 : vector<16xf32> to vector<1x16xf32>
        tpu.vector_store %arg17[%swap3A_509, %swap3A_510], %swap3A_513 {strides = array<i32>} : memref<2x128xf32, #tpu.memory_space<vmem>>, vector<1x16xf32>,
        %get3A_514 = arith.constant 1 : i32
        %get3A_515 = arith.index_cast %get3A_514 : i32 to index
        %get3A_516 = arith.constant 80 : index
        %get3A_517 = tpu.vector_load %arg17[%get3A_515, %get3A_516] {strides = array<i32>} : memref<2x128xf32, #tpu.memory_space<vmem>>, vector<1x16xf32>,
        %get3A_518 = vector.shape_cast %get3A_517 : vector<1x16xf32> to vector<16xf32>
        %add3A_519 = arith.addf %get3A_518, %scan3A_381#11 : vector<16xf32>
        %swap3A_520 = arith.constant 1 : i32
        %swap3A_521 = arith.index_cast %swap3A_520 : i32 to index
        %swap3A_522 = arith.constant 80 : index
        %swap3A_523 = tpu.vector_load %arg17[%swap3A_521, %swap3A_522] {strides = array<i32>} : memref<2x128xf32, #tpu.memory_space<vmem>>, vector<1x16xf32>,
        %swap3A_524 = vector.shape_cast %swap3A_523 : vector<1x16xf32> to vector<16xf32>
        %swap3A_525 = vector.shape_cast %add3A_519 : vector<16xf32> to vector<1x16xf32>
        tpu.vector_store %arg17[%swap3A_521, %swap3A_522], %swap3A_525 {strides = array<i32>} : memref<2x128xf32, #tpu.memory_space<vmem>>, vector<1x16xf32>,
        %get3A_526 = arith.constant 0 : i32
        %get3A_527 = arith.index_cast %get3A_526 : i32 to index
        %get3A_528 = arith.constant 96 : index
        %get3A_529 = tpu.vector_load %arg17[%get3A_527, %get3A_528] {strides = array<i32>} : memref<2x128xf32, #tpu.memory_space<vmem>>, vector<1x16xf32>,
        %get3A_530 = vector.shape_cast %get3A_529 : vector<1x16xf32> to vector<16xf32>
        %add3A_531 = arith.addf %get3A_530, %scan3A_381#12 : vector<16xf32>
        %swap3A_532 = arith.constant 0 : i32
        %swap3A_533 = arith.index_cast %swap3A_532 : i32 to index
        %swap3A_534 = arith.constant 96 : index
        %swap3A_535 = tpu.vector_load %arg17[%swap3A_533, %swap3A_534] {strides = array<i32>} : memref<2x128xf32, #tpu.memory_space<vmem>>, vector<1x16xf32>,
        %swap3A_536 = vector.shape_cast %swap3A_535 : vector<1x16xf32> to vector<16xf32>
        %swap3A_537 = vector.shape_cast %add3A_531 : vector<16xf32> to vector<1x16xf32>
        tpu.vector_store %arg17[%swap3A_533, %swap3A_534], %swap3A_537 {strides = array<i32>} : memref<2x128xf32, #tpu.memory_space<vmem>>, vector<1x16xf32>,
        %get3A_538 = arith.constant 1 : i32
        %get3A_539 = arith.index_cast %get3A_538 : i32 to index
        %get3A_540 = arith.constant 96 : index
        %get3A_541 = tpu.vector_load %arg17[%get3A_539, %get3A_540] {strides = array<i32>} : memref<2x128xf32, #tpu.memory_space<vmem>>, vector<1x16xf32>,
        %get3A_542 = vector.shape_cast %get3A_541 : vector<1x16xf32> to vector<16xf32>
        %add3A_543 = arith.addf %get3A_542, %scan3A_381#13 : vector<16xf32>
        %swap3A_544 = arith.constant 1 : i32
        %swap3A_545 = arith.index_cast %swap3A_544 : i32 to index
        %swap3A_546 = arith.constant 96 : index
        %swap3A_547 = tpu.vector_load %arg17[%swap3A_545, %swap3A_546] {strides = array<i32>} : memref<2x128xf32, #tpu.memory_space<vmem>>, vector<1x16xf32>,
        %swap3A_548 = vector.shape_cast %swap3A_547 : vector<1x16xf32> to vector<16xf32>
        %swap3A_549 = vector.shape_cast %add3A_543 : vector<16xf32> to vector<1x16xf32>
        tpu.vector_store %arg17[%swap3A_545, %swap3A_546], %swap3A_549 {strides = array<i32>} : memref<2x128xf32, #tpu.memory_space<vmem>>, vector<1x16xf32>,
        %get3A_550 = arith.constant 0 : i32
        %get3A_551 = arith.index_cast %get3A_550 : i32 to index
        %get3A_552 = arith.constant 112 : index
        %get3A_553 = tpu.vector_load %arg17[%get3A_551, %get3A_552] {strides = array<i32>} : memref<2x128xf32, #tpu.memory_space<vmem>>, vector<1x16xf32>,
        %get3A_554 = vector.shape_cast %get3A_553 : vector<1x16xf32> to vector<16xf32>
        %add3A_555 = arith.addf %get3A_554, %scan3A_381#14 : vector<16xf32>
        %swap3A_556 = arith.constant 0 : i32
        %swap3A_557 = arith.index_cast %swap3A_556 : i32 to index
        %swap3A_558 = arith.constant 112 : index
        %swap3A_559 = tpu.vector_load %arg17[%swap3A_557, %swap3A_558] {strides = array<i32>} : memref<2x128xf32, #tpu.memory_space<vmem>>, vector<1x16xf32>,
        %swap3A_560 = vector.shape_cast %swap3A_559 : vector<1x16xf32> to vector<16xf32>
        %swap3A_561 = vector.shape_cast %add3A_555 : vector<16xf32> to vector<1x16xf32>
        tpu.vector_store %arg17[%swap3A_557, %swap3A_558], %swap3A_561 {strides = array<i32>} : memref<2x128xf32, #tpu.memory_space<vmem>>, vector<1x16xf32>,
        %get3A_562 = arith.constant 1 : i32
        %get3A_563 = arith.index_cast %get3A_562 : i32 to index
        %get3A_564 = arith.constant 112 : index
        %get3A_565 = tpu.vector_load %arg17[%get3A_563, %get3A_564] {strides = array<i32>} : memref<2x128xf32, #tpu.memory_space<vmem>>, vector<1x16xf32>,
        %get3A_566 = vector.shape_cast %get3A_565 : vector<1x16xf32> to vector<16xf32>
        %add3A_567 = arith.addf %get3A_566, %scan3A_381#15 : vector<16xf32>
        %swap3A_568 = arith.constant 1 : i32
        %swap3A_569 = arith.index_cast %swap3A_568 : i32 to index
        %swap3A_570 = arith.constant 112 : index
        %swap3A_571 = tpu.vector_load %arg17[%swap3A_569, %swap3A_570] {strides = array<i32>} : memref<2x128xf32, #tpu.memory_space<vmem>>, vector<1x16xf32>,
        %swap3A_572 = vector.shape_cast %swap3A_571 : vector<1x16xf32> to vector<16xf32>
        %swap3A_573 = vector.shape_cast %add3A_567 : vector<16xf32> to vector<1x16xf32>
        tpu.vector_store %arg17[%swap3A_569, %swap3A_570], %swap3A_573 {strides = array<i32>} : memref<2x128xf32, #tpu.memory_space<vmem>>, vector<1x16xf32>,
        %dma_wait3A_574 = arith.constant 1 : i32
        %dma_wait3A_575 = arith.constant 0 : i32
        %dma_wait3A_576 = tpu.memref_slice %arg12[%dma_wait3A_574, %dma_wait3A_575] : memref<2x40xi32, #tpu.memory_space<vmem>> -> memref<1x40xi32, #tpu.memory_space<vmem>>
        %dma_wait3A_577 = tpu.memref_squeeze %dma_wait3A_576 : memref<1x40xi32, #tpu.memory_space<vmem>> -> memref<40xi32, #tpu.memory_space<vmem>>
        %dma_wait3A_578 = arith.constant 0 : i32
        %dma_wait3A_579 = tpu.memref_slice %arg6[%dma_wait3A_578] : memref<320000xi32, #tpu.memory_space<hbm>> -> memref<40xi32, #tpu.memory_space<hbm>>
        %dma_wait3A_580 = arith.constant 0 : i32
        %dma_wait3A_581 = tpu.memref_slice %arg12[%dma_wait3A_574, %dma_wait3A_580] : memref<2x40xi32, #tpu.memory_space<vmem>> -> memref<1x40xi32, #tpu.memory_space<vmem>>
        %dma_wait3A_582 = tpu.memref_squeeze %dma_wait3A_581 : memref<1x40xi32, #tpu.memory_space<vmem>> -> memref<40xi32, #tpu.memory_space<vmem>>
        %dma_wait3A_583 = arith.constant 0 : i32
        %dma_wait3A_584 = tpu.memref_slice %arg6[%dma_wait3A_583] : memref<320000xi32, #tpu.memory_space<hbm>> -> memref<40xi32, #tpu.memory_space<hbm>>
        tpu.wait_dma2 semaphore(%arg24 : memref<!tpu.dma_semaphore, #tpu.memory_space<semaphore_mem>>) src(%dma_wait3A_584 : memref<40xi32, #tpu.memory_space<hbm>>) dst(%dma_wait3A_582 : memref<40xi32, #tpu.memory_space<vmem>>)
        %dma_start3A_585 = arith.constant 1 : i32
        %dma_start3A_586 = arith.constant 1 : i32
        %dma_start3A_587 = arith.constant 0 : i32
        %dma_start3A_588 = arith.constant 0 : i32
        %dma_start3A_589 = tpu.memref_slice %arg16[%dma_start3A_585, %dma_start3A_587, %dma_start3A_588] : memref<2x40x128xf32, #tpu.memory_space<vmem>> -> memref<1x40x128xf32, #tpu.memory_space<vmem>>
        %dma_start3A_590 = tpu.memref_squeeze %dma_start3A_589 : memref<1x40x128xf32, #tpu.memory_space<vmem>> -> memref<40x128xf32, #tpu.memory_space<vmem>>
        %dma_start3A_591 = arith.constant 0 : i32
        %dma_start3A_592 = tpu.memref_slice %arg12[%dma_start3A_586, %dma_start3A_591] : memref<2x40xi32, #tpu.memory_space<vmem>> -> memref<1x40xi32, #tpu.memory_space<vmem>>
        %dma_start3A_593 = tpu.memref_squeeze %dma_start3A_592 : memref<1x40xi32, #tpu.memory_space<vmem>> -> memref<40xi32, #tpu.memory_space<vmem>>
        %dma_start3A_594 = arith.constant 0 : i32
        %dma_start3A_595 = arith.constant 0 : i32
        %dma_start3A_596 = tpu.memref_slice %arg18[%dma_start3A_594, %dma_start3A_595] : memref<10240x128xf32, #tpu.memory_space<vmem_shared>> -> memref<10240x128xf32, #tpu.memory_space<vmem_shared>>
        tpu.enqueue_indirect_dma source(%dma_start3A_590 : memref<40x128xf32, #tpu.memory_space<vmem>>) target(%dma_start3A_596 : memref<10240x128xf32, #tpu.memory_space<vmem_shared>>) offsets(%dma_start3A_593 : memref<40xi32, #tpu.memory_space<vmem>>) semaphore(%arg26 : memref<!tpu.dma_semaphore, #tpu.memory_space<semaphore_mem>>) {add = true}
      } else {
      }
      %add3A_299 = arith.constant 2 : i32
      %add3A_300 = arith.addi %add3A_273, %add3A_299 : i32
      %lt3A_301 = arith.constant 250 : i32
      %lt3A_302 = arith.cmpi slt, %add3A_300, %lt3A_301 : i32
      %convert_element_type3A_303 = arith.extui %lt3A_302 : i1 to i32
      %cond3A_304 = arith.constant 0 : i32
      %cond3A_305 = arith.cmpi ne, %convert_element_type3A_303, %cond3A_304 : i32
      scf.if %cond3A_305 {
        %add3A_306 = arith.constant 2 : i32
        %add3A_307 = arith.addi %add3A_273, %add3A_306 : i32
        %mul3A_308 = arith.constant 40 : i32
        %mul3A_309 = arith.muli %add3A_307, %mul3A_308 : i32
        %add3A_310 = arith.addi %mul3A_2, %mul3A_309 : i32
        %dma_start3A_311 = arith.constant 1 : i32
        %dma_start3A_312 = arith.constant 0 : i32
        %dma_start3A_313 = tpu.memref_slice %arg10[%dma_start3A_311, %dma_start3A_312] : memref<2x40xi32, #tpu.memory_space<vmem>> -> memref<1x40xi32, #tpu.memory_space<vmem>>
        %dma_start3A_314 = tpu.memref_squeeze %dma_start3A_313 : memref<1x40xi32, #tpu.memory_space<vmem>> -> memref<40xi32, #tpu.memory_space<vmem>>
        %dma_start3A_315 = tpu.memref_slice %arg5[%add3A_310] : memref<320000xi32, #tpu.memory_space<hbm>> -> memref<40xi32, #tpu.memory_space<hbm>>
        %dma_start3A_316 = arith.constant 0 : i32
        %dma_start3A_317 = tpu.memref_slice %arg10[%dma_start3A_311, %dma_start3A_316] : memref<2x40xi32, #tpu.memory_space<vmem>> -> memref<1x40xi32, #tpu.memory_space<vmem>>
        %dma_start3A_318 = tpu.memref_squeeze %dma_start3A_317 : memref<1x40xi32, #tpu.memory_space<vmem>> -> memref<40xi32, #tpu.memory_space<vmem>>
        %dma_start3A_319 = tpu.memref_slice %arg5[%add3A_310] : memref<320000xi32, #tpu.memory_space<hbm>> -> memref<40xi32, #tpu.memory_space<hbm>>
        tpu.enqueue_dma source(%dma_start3A_319 : memref<40xi32, #tpu.memory_space<hbm>>) target(%dma_start3A_318 : memref<40xi32, #tpu.memory_space<vmem>>) target_semaphore(%arg22 : memref<!tpu.dma_semaphore, #tpu.memory_space<semaphore_mem>>)
        %dma_start3A_320 = arith.constant 1 : i32
        %dma_start3A_321 = arith.constant 0 : i32
        %dma_start3A_322 = tpu.memref_slice %arg11[%dma_start3A_320, %dma_start3A_321] : memref<2x40xi32, #tpu.memory_space<vmem>> -> memref<1x40xi32, #tpu.memory_space<vmem>>
        %dma_start3A_323 = tpu.memref_squeeze %dma_start3A_322 : memref<1x40xi32, #tpu.memory_space<vmem>> -> memref<40xi32, #tpu.memory_space<vmem>>
        %dma_start3A_324 = tpu.memref_slice %arg6[%add3A_310] : memref<320000xi32, #tpu.memory_space<hbm>> -> memref<40xi32, #tpu.memory_space<hbm>>
        %dma_start3A_325 = arith.constant 0 : i32
        %dma_start3A_326 = tpu.memref_slice %arg11[%dma_start3A_320, %dma_start3A_325] : memref<2x40xi32, #tpu.memory_space<vmem>> -> memref<1x40xi32, #tpu.memory_space<vmem>>
        %dma_start3A_327 = tpu.memref_squeeze %dma_start3A_326 : memref<1x40xi32, #tpu.memory_space<vmem>> -> memref<40xi32, #tpu.memory_space<vmem>>
        %dma_start3A_328 = tpu.memref_slice %arg6[%add3A_310] : memref<320000xi32, #tpu.memory_space<hbm>> -> memref<40xi32, #tpu.memory_space<hbm>>
        tpu.enqueue_dma source(%dma_start3A_328 : memref<40xi32, #tpu.memory_space<hbm>>) target(%dma_start3A_327 : memref<40xi32, #tpu.memory_space<vmem>>) target_semaphore(%arg22 : memref<!tpu.dma_semaphore, #tpu.memory_space<semaphore_mem>>)
      } else {
      }
    }
    %scan3A_208 = arith.constant 125 : i32
    %dma_wait3A_209 = arith.constant 0 : i32
    %dma_wait3A_210 = arith.constant 0 : i32
    %dma_wait3A_211 = arith.constant 0 : i32
    %dma_wait3A_212 = arith.constant 0 : i32
    %dma_wait3A_213 = tpu.memref_slice %arg16[%dma_wait3A_209, %dma_wait3A_211, %dma_wait3A_212] : memref<2x40x128xf32, #tpu.memory_space<vmem>> -> memref<1x40x128xf32, #tpu.memory_space<vmem>>
    %dma_wait3A_214 = tpu.memref_squeeze %dma_wait3A_213 : memref<1x40x128xf32, #tpu.memory_space<vmem>> -> memref<40x128xf32, #tpu.memory_space<vmem>>
    %dma_wait3A_215 = arith.constant 0 : i32
    %dma_wait3A_216 = tpu.memref_slice %arg12[%dma_wait3A_210, %dma_wait3A_215] : memref<2x40xi32, #tpu.memory_space<vmem>> -> memref<1x40xi32, #tpu.memory_space<vmem>>
    %dma_wait3A_217 = tpu.memref_squeeze %dma_wait3A_216 : memref<1x40xi32, #tpu.memory_space<vmem>> -> memref<40xi32, #tpu.memory_space<vmem>>
    %dma_wait3A_218 = arith.constant 0 : i32
    %dma_wait3A_219 = arith.constant 0 : i32
    %dma_wait3A_220 = tpu.memref_slice %arg18[%dma_wait3A_218, %dma_wait3A_219] : memref<10240x128xf32, #tpu.memory_space<vmem_shared>> -> memref<10240x128xf32, #tpu.memory_space<vmem_shared>>
    tpu.wait_indirect_dma semaphore(%arg25 : memref<!tpu.dma_semaphore, #tpu.memory_space<semaphore_mem>>) src(%dma_wait3A_214 : memref<40x128xf32, #tpu.memory_space<vmem>>) dst(%dma_wait3A_220 : memref<10240x128xf32, #tpu.memory_space<vmem_shared>>)
    %dma_wait3A_221 = arith.constant 1 : i32
    %dma_wait3A_222 = arith.constant 1 : i32
    %dma_wait3A_223 = arith.constant 0 : i32
    %dma_wait3A_224 = arith.constant 0 : i32
    %dma_wait3A_225 = tpu.memref_slice %arg16[%dma_wait3A_221, %dma_wait3A_223, %dma_wait3A_224] : memref<2x40x128xf32, #tpu.memory_space<vmem>> -> memref<1x40x128xf32, #tpu.memory_space<vmem>>
    %dma_wait3A_226 = tpu.memref_squeeze %dma_wait3A_225 : memref<1x40x128xf32, #tpu.memory_space<vmem>> -> memref<40x128xf32, #tpu.memory_space<vmem>>
    %dma_wait3A_227 = arith.constant 0 : i32
    %dma_wait3A_228 = tpu.memref_slice %arg12[%dma_wait3A_222, %dma_wait3A_227] : memref<2x40xi32, #tpu.memory_space<vmem>> -> memref<1x40xi32, #tpu.memory_space<vmem>>
    %dma_wait3A_229 = tpu.memref_squeeze %dma_wait3A_228 : memref<1x40xi32, #tpu.memory_space<vmem>> -> memref<40xi32, #tpu.memory_space<vmem>>
    %dma_wait3A_230 = arith.constant 0 : i32
    %dma_wait3A_231 = arith.constant 0 : i32
    %dma_wait3A_232 = tpu.memref_slice %arg18[%dma_wait3A_230, %dma_wait3A_231] : memref<10240x128xf32, #tpu.memory_space<vmem_shared>> -> memref<10240x128xf32, #tpu.memory_space<vmem_shared>>
    tpu.wait_indirect_dma semaphore(%arg26 : memref<!tpu.dma_semaphore, #tpu.memory_space<semaphore_mem>>) src(%dma_wait3A_226 : memref<40x128xf32, #tpu.memory_space<vmem>>) dst(%dma_wait3A_232 : memref<10240x128xf32, #tpu.memory_space<vmem_shared>>)
    "tpu.region"() ({
      %run_scoped3A = tpu.sem_alloc : memref<!tpu.dma_semaphore, #tpu.memory_space<semaphore_mem>>
      %dma_start3A_238 = arith.constant 0 : i32
      %dma_start3A_239 = arith.constant 0 : i32
      %dma_start3A_240 = tpu.memref_slice %arg9[%add3A, %dma_start3A_238, %dma_start3A_239] : memref<32x2x128xf32, #tpu.memory_space<hbm>> -> memref<1x2x128xf32, #tpu.memory_space<hbm>>
      %dma_start3A_241 = tpu.memref_squeeze %dma_start3A_240 : memref<1x2x128xf32, #tpu.memory_space<hbm>> -> memref<2x128xf32, #tpu.memory_space<hbm>>
      %dma_start3A_242 = arith.constant 0 : i32
      %dma_start3A_243 = arith.constant 0 : i32
      %dma_start3A_244 = tpu.memref_slice %arg9[%add3A, %dma_start3A_242, %dma_start3A_243] : memref<32x2x128xf32, #tpu.memory_space<hbm>> -> memref<1x2x128xf32, #tpu.memory_space<hbm>>
      %dma_start3A_245 = tpu.memref_squeeze %dma_start3A_244 : memref<1x2x128xf32, #tpu.memory_space<hbm>> -> memref<2x128xf32, #tpu.memory_space<hbm>>
      tpu.enqueue_dma source(%arg17 : memref<2x128xf32, #tpu.memory_space<vmem>>) target(%dma_start3A_245 : memref<2x128xf32, #tpu.memory_space<hbm>>) target_semaphore(%run_scoped3A : memref<!tpu.dma_semaphore, #tpu.memory_space<semaphore_mem>>)
      %dma_wait3A_246 = arith.constant 0 : i32
      %dma_wait3A_247 = arith.constant 0 : i32
      %dma_wait3A_248 = tpu.memref_slice %arg9[%add3A, %dma_wait3A_246, %dma_wait3A_247] : memref<32x2x128xf32, #tpu.memory_space<hbm>> -> memref<1x2x128xf32, #tpu.memory_space<hbm>>
      %dma_wait3A_249 = tpu.memref_squeeze %dma_wait3A_248 : memref<1x2x128xf32, #tpu.memory_space<hbm>> -> memref<2x128xf32, #tpu.memory_space<hbm>>
      %dma_wait3A_250 = arith.constant 0 : i32
      %dma_wait3A_251 = arith.constant 0 : i32
      %dma_wait3A_252 = tpu.memref_slice %arg9[%add3A, %dma_wait3A_250, %dma_wait3A_251] : memref<32x2x128xf32, #tpu.memory_space<hbm>> -> memref<1x2x128xf32, #tpu.memory_space<hbm>>
      %dma_wait3A_253 = tpu.memref_squeeze %dma_wait3A_252 : memref<1x2x128xf32, #tpu.memory_space<hbm>> -> memref<2x128xf32, #tpu.memory_space<hbm>>
      tpu.wait_dma2 semaphore(%run_scoped3A : memref<!tpu.dma_semaphore, #tpu.memory_space<semaphore_mem>>) src(%arg17 : memref<2x128xf32, #tpu.memory_space<vmem>>) dst(%dma_wait3A_253 : memref<2x128xf32, #tpu.memory_space<hbm>>)
      tpu.yield
    }) : () -> ()
    %barrier3A_233 = arith.constant 0 : index
    tpu.barrier barrier_id(%barrier3A_233)
    %mul3A_234 = arith.constant 640 : i32
    %mul3A_235 = arith.muli %arg1, %mul3A_234 : i32
    %mul3A_236 = arith.constant 640 : i32
    %mul3A_237 = arith.muli %arg1, %mul3A_236 : i32
    "tpu.region"() ({
      %run_scoped3A = tpu.sem_alloc : memref<!tpu.dma_semaphore, #tpu.memory_space<semaphore_mem>>
      %dma_start3A_238 = arith.constant 0 : i32
      %dma_start3A_239 = tpu.memref_slice %arg8[%arg0, %mul3A_237, %dma_start3A_238] : memref<2x10240x128xf32, #tpu.memory_space<hbm>> -> memref<1x640x128xf32, #tpu.memory_space<hbm>>
      %dma_start3A_240 = tpu.memref_squeeze %dma_start3A_239 : memref<1x640x128xf32, #tpu.memory_space<hbm>> -> memref<640x128xf32, #tpu.memory_space<hbm>>
      %dma_start3A_241 = arith.constant 0 : i32
      %dma_start3A_242 = tpu.memref_slice %arg18[%mul3A_235, %dma_start3A_241] : memref<10240x128xf32, #tpu.memory_space<vmem_shared>> -> memref<640x128xf32, #tpu.memory_space<vmem_shared>>
      tpu.enqueue_dma source(%dma_start3A_242 : memref<640x128xf32, #tpu.memory_space<vmem_shared>>) target(%dma_start3A_240 : memref<640x128xf32, #tpu.memory_space<hbm>>) target_semaphore(%run_scoped3A : memref<!tpu.dma_semaphore, #tpu.memory_space<semaphore_mem>>)
      %dma_wait3A_243 = arith.constant 0 : i32
      %dma_wait3A_244 = tpu.memref_slice %arg8[%arg0, %mul3A_237, %dma_wait3A_243] : memref<2x10240x128xf32, #tpu.memory_space<hbm>> -> memref<1x640x128xf32, #tpu.memory_space<hbm>>
      %dma_wait3A_245 = tpu.memref_squeeze %dma_wait3A_244 : memref<1x640x128xf32, #tpu.memory_space<hbm>> -> memref<640x128xf32, #tpu.memory_space<hbm>>
      %dma_wait3A_246 = arith.constant 0 : i32
      %dma_wait3A_247 = tpu.memref_slice %arg18[%mul3A_235, %dma_wait3A_246] : memref<10240x128xf32, #tpu.memory_space<vmem_shared>> -> memref<640x128xf32, #tpu.memory_space<vmem_shared>>
      tpu.wait_dma2 semaphore(%run_scoped3A : memref<!tpu.dma_semaphore, #tpu.memory_space<semaphore_mem>>) src(%dma_wait3A_247 : memref<640x128xf32, #tpu.memory_space<vmem_shared>>) dst(%dma_wait3A_245 : memref<640x128xf32, #tpu.memory_space<hbm>>)
      tpu.yield
    }) : () -> ()
    return
  }
}

#map = affine_map<(d0, d1) -> (0)>
#map1 = affine_map<(d0, d1) -> (0, 0)>
#map2 = affine_map<(d0, d1) -> (0, 0, 0)>
module attributes {stable_mosaic.version = 14 : i64} {
  func.func @deg_kernel(%arg0: i32, %arg1: i32, %arg2: memref<320000xi32, #tpu.memory_space<hbm>>, %arg3: memref<10240x128xf32, #tpu.memory_space<hbm>>, %arg4: memref<80x128xf32, #tpu.memory_space<hbm>>, %arg5: memref<2x10240x128xf32, #tpu.memory_space<hbm>>, %arg6: memref<2x80xi32, #tpu.memory_space<vmem>>, %arg7: memref<80x128xf32, #tpu.memory_space<vmem>>, %arg8: memref<10240x128xf32, #tpu.memory_space<vmem_shared>>, %arg9: memref<!tpu.dma_semaphore, #tpu.memory_space<semaphore_mem>>, %arg10: memref<!tpu.dma_semaphore, #tpu.memory_space<semaphore_mem>>, %arg11: memref<!tpu.dma_semaphore, #tpu.memory_space<semaphore_mem>>, %arg12: memref<!tpu.dma_semaphore, #tpu.memory_space<semaphore_mem>>) attributes {dimension_semantics = [#tpu.dimension_semantics<core_parallel>, #tpu.dimension_semantics<subcore_parallel>], iteration_bounds = array<i64: 2, 16>, scalar_prefetch = 0 : i64, scratch_operands = 7 : i64, tpu.core_type = #tpu.core_type<sc_vector_subcore>, window_params = [{transform_indices = #map}, {transform_indices = #map1}, {transform_indices = #map1}, {transform_indices = #map2}]} {
    %mul3A = arith.constant 2 : i32
    %mul3A_0 = arith.muli %arg1, %mul3A : i32
    %add3A = arith.addi %mul3A_0, %arg0 : i32
    %mul3A_1 = arith.constant 10000 : i32
    %mul3A_2 = arith.muli %add3A, %mul3A_1 : i32
    %mul3A_3 = arith.constant 640 : i32
    %mul3A_4 = arith.muli %arg1, %mul3A_3 : i32
    %mul3A_5 = arith.constant 640 : i32
    %mul3A_6 = arith.muli %arg1, %mul3A_5 : i32
    "tpu.region"() ({
      %run_scoped3A = tpu.sem_alloc : memref<!tpu.dma_semaphore, #tpu.memory_space<semaphore_mem>>
      %dma_start3A = arith.constant 0 : i32
      %dma_start3A_30 = tpu.memref_slice %arg8[%mul3A_6, %dma_start3A] : memref<10240x128xf32, #tpu.memory_space<vmem_shared>> -> memref<640x128xf32, #tpu.memory_space<vmem_shared>>
      %dma_start3A_31 = arith.constant 0 : i32
      %dma_start3A_32 = tpu.memref_slice %arg3[%mul3A_4, %dma_start3A_31] : memref<10240x128xf32, #tpu.memory_space<hbm>> -> memref<640x128xf32, #tpu.memory_space<hbm>>
      tpu.enqueue_dma source(%dma_start3A_32 : memref<640x128xf32, #tpu.memory_space<hbm>>) target(%dma_start3A_30 : memref<640x128xf32, #tpu.memory_space<vmem_shared>>) target_semaphore(%run_scoped3A : memref<!tpu.dma_semaphore, #tpu.memory_space<semaphore_mem>>)
      %dma_wait3A_33 = arith.constant 0 : i32
      %dma_wait3A_34 = tpu.memref_slice %arg8[%mul3A_6, %dma_wait3A_33] : memref<10240x128xf32, #tpu.memory_space<vmem_shared>> -> memref<640x128xf32, #tpu.memory_space<vmem_shared>>
      %dma_wait3A_35 = arith.constant 0 : i32
      %dma_wait3A_36 = tpu.memref_slice %arg3[%mul3A_4, %dma_wait3A_35] : memref<10240x128xf32, #tpu.memory_space<hbm>> -> memref<640x128xf32, #tpu.memory_space<hbm>>
      tpu.wait_dma2 semaphore(%run_scoped3A : memref<!tpu.dma_semaphore, #tpu.memory_space<semaphore_mem>>) src(%dma_wait3A_36 : memref<640x128xf32, #tpu.memory_space<hbm>>) dst(%dma_wait3A_34 : memref<640x128xf32, #tpu.memory_space<vmem_shared>>)
      tpu.yield
    }) : () -> ()
    "tpu.region"() ({
      %run_scoped3A = tpu.sem_alloc : memref<!tpu.dma_semaphore, #tpu.memory_space<semaphore_mem>>
      tpu.enqueue_dma source(%arg4 : memref<80x128xf32, #tpu.memory_space<hbm>>) target(%arg7 : memref<80x128xf32, #tpu.memory_space<vmem>>) target_semaphore(%run_scoped3A : memref<!tpu.dma_semaphore, #tpu.memory_space<semaphore_mem>>)
      tpu.wait_dma2 semaphore(%run_scoped3A : memref<!tpu.dma_semaphore, #tpu.memory_space<semaphore_mem>>) src(%arg4 : memref<80x128xf32, #tpu.memory_space<hbm>>) dst(%arg7 : memref<80x128xf32, #tpu.memory_space<vmem>>)
      tpu.yield
    }) : () -> ()
    %barrier3A = arith.constant 0 : index
    tpu.barrier barrier_id(%barrier3A)
    %scan3A = arith.constant 0 : i32
    %scan3A_7 = arith.constant 0 : i32
    %scan3A_8 = arith.constant 63 : i32
    %scan3A_9 = arith.addi %scan3A_7, %scan3A_8 : i32
    %scan3A_10 = arith.constant 1 : i32
    scf.for %scan3A_30 = %scan3A_7 to %scan3A_9 step %scan3A_10  : i32 {
      %mul3A_31 = arith.constant 2 : i32
      %mul3A_32 = arith.muli %mul3A_31, %scan3A_30 : i32
      %add3A_33 = arith.constant 0 : i32
      %add3A_34 = arith.addi %mul3A_32, %add3A_33 : i32
      %ge3A = arith.constant 2 : i32
      %ge3A_35 = arith.cmpi sge, %add3A_34, %ge3A : i32
      %lt3A = arith.constant 125 : i32
      %lt3A_36 = arith.cmpi slt, %add3A_34, %lt3A : i32
      %and3A = arith.andi %ge3A_35, %lt3A_36 : i1
      %convert_element_type3A = arith.extui %and3A : i1 to i32
      %cond3A = arith.constant 0 : i32
      %cond3A_37 = arith.cmpi ne, %convert_element_type3A, %cond3A : i32
      scf.if %cond3A_37 {
        %dma_wait3A_60 = arith.constant 0 : i32
        %dma_wait3A_61 = arith.constant 0 : i32
        %dma_wait3A_62 = tpu.memref_slice %arg6[%dma_wait3A_60, %dma_wait3A_61] : memref<2x80xi32, #tpu.memory_space<vmem>> -> memref<1x80xi32, #tpu.memory_space<vmem>>
        %dma_wait3A_63 = tpu.memref_squeeze %dma_wait3A_62 : memref<1x80xi32, #tpu.memory_space<vmem>> -> memref<80xi32, #tpu.memory_space<vmem>>
        %dma_wait3A_64 = arith.constant 0 : i32
        %dma_wait3A_65 = arith.constant 0 : i32
        %dma_wait3A_66 = tpu.memref_slice %arg8[%dma_wait3A_64, %dma_wait3A_65] : memref<10240x128xf32, #tpu.memory_space<vmem_shared>> -> memref<10240x128xf32, #tpu.memory_space<vmem_shared>>
        tpu.wait_indirect_dma semaphore(%arg11 : memref<!tpu.dma_semaphore, #tpu.memory_space<semaphore_mem>>) src(%arg7 : memref<80x128xf32, #tpu.memory_space<vmem>>) dst(%dma_wait3A_66 : memref<10240x128xf32, #tpu.memory_space<vmem_shared>>)
      } else {
      }
      %lt3A_38 = arith.constant 125 : i32
      %lt3A_39 = arith.cmpi slt, %add3A_34, %lt3A_38 : i32
      %convert_element_type3A_40 = arith.extui %lt3A_39 : i1 to i32
      %cond3A_41 = arith.constant 0 : i32
      %cond3A_42 = arith.cmpi ne, %convert_element_type3A_40, %cond3A_41 : i32
      scf.if %cond3A_42 {
        %mul3A_60 = arith.constant 80 : i32
        %mul3A_61 = arith.muli %add3A_34, %mul3A_60 : i32
        %add3A_62 = arith.addi %mul3A_2, %mul3A_61 : i32
        %dma_start3A = arith.constant 0 : i32
        %dma_start3A_63 = arith.constant 0 : i32
        %dma_start3A_64 = tpu.memref_slice %arg6[%dma_start3A, %dma_start3A_63] : memref<2x80xi32, #tpu.memory_space<vmem>> -> memref<1x80xi32, #tpu.memory_space<vmem>>
        %dma_start3A_65 = tpu.memref_squeeze %dma_start3A_64 : memref<1x80xi32, #tpu.memory_space<vmem>> -> memref<80xi32, #tpu.memory_space<vmem>>
        %dma_start3A_66 = tpu.memref_slice %arg2[%add3A_62] : memref<320000xi32, #tpu.memory_space<hbm>> -> memref<80xi32, #tpu.memory_space<hbm>>
        %dma_start3A_67 = arith.constant 0 : i32
        %dma_start3A_68 = tpu.memref_slice %arg6[%dma_start3A, %dma_start3A_67] : memref<2x80xi32, #tpu.memory_space<vmem>> -> memref<1x80xi32, #tpu.memory_space<vmem>>
        %dma_start3A_69 = tpu.memref_squeeze %dma_start3A_68 : memref<1x80xi32, #tpu.memory_space<vmem>> -> memref<80xi32, #tpu.memory_space<vmem>>
        %dma_start3A_70 = tpu.memref_slice %arg2[%add3A_62] : memref<320000xi32, #tpu.memory_space<hbm>> -> memref<80xi32, #tpu.memory_space<hbm>>
        tpu.enqueue_dma source(%dma_start3A_70 : memref<80xi32, #tpu.memory_space<hbm>>) target(%dma_start3A_69 : memref<80xi32, #tpu.memory_space<vmem>>) target_semaphore(%arg9 : memref<!tpu.dma_semaphore, #tpu.memory_space<semaphore_mem>>)
        %dma_wait3A_71 = arith.constant 0 : i32
        %dma_wait3A_72 = arith.constant 0 : i32
        %dma_wait3A_73 = tpu.memref_slice %arg6[%dma_wait3A_71, %dma_wait3A_72] : memref<2x80xi32, #tpu.memory_space<vmem>> -> memref<1x80xi32, #tpu.memory_space<vmem>>
        %dma_wait3A_74 = tpu.memref_squeeze %dma_wait3A_73 : memref<1x80xi32, #tpu.memory_space<vmem>> -> memref<80xi32, #tpu.memory_space<vmem>>
        %dma_wait3A_75 = arith.constant 0 : i32
        %dma_wait3A_76 = tpu.memref_slice %arg2[%dma_wait3A_75] : memref<320000xi32, #tpu.memory_space<hbm>> -> memref<80xi32, #tpu.memory_space<hbm>>
        %dma_wait3A_77 = arith.constant 0 : i32
        %dma_wait3A_78 = tpu.memref_slice %arg6[%dma_wait3A_71, %dma_wait3A_77] : memref<2x80xi32, #tpu.memory_space<vmem>> -> memref<1x80xi32, #tpu.memory_space<vmem>>
        %dma_wait3A_79 = tpu.memref_squeeze %dma_wait3A_78 : memref<1x80xi32, #tpu.memory_space<vmem>> -> memref<80xi32, #tpu.memory_space<vmem>>
        %dma_wait3A_80 = arith.constant 0 : i32
        %dma_wait3A_81 = tpu.memref_slice %arg2[%dma_wait3A_80] : memref<320000xi32, #tpu.memory_space<hbm>> -> memref<80xi32, #tpu.memory_space<hbm>>
        tpu.wait_dma2 semaphore(%arg9 : memref<!tpu.dma_semaphore, #tpu.memory_space<semaphore_mem>>) src(%dma_wait3A_81 : memref<80xi32, #tpu.memory_space<hbm>>) dst(%dma_wait3A_79 : memref<80xi32, #tpu.memory_space<vmem>>)
        %dma_start3A_82 = arith.constant 0 : i32
        %dma_start3A_83 = arith.constant 0 : i32
        %dma_start3A_84 = tpu.memref_slice %arg6[%dma_start3A_82, %dma_start3A_83] : memref<2x80xi32, #tpu.memory_space<vmem>> -> memref<1x80xi32, #tpu.memory_space<vmem>>
        %dma_start3A_85 = tpu.memref_squeeze %dma_start3A_84 : memref<1x80xi32, #tpu.memory_space<vmem>> -> memref<80xi32, #tpu.memory_space<vmem>>
        %dma_start3A_86 = arith.constant 0 : i32
        %dma_start3A_87 = arith.constant 0 : i32
        %dma_start3A_88 = tpu.memref_slice %arg8[%dma_start3A_86, %dma_start3A_87] : memref<10240x128xf32, #tpu.memory_space<vmem_shared>> -> memref<10240x128xf32, #tpu.memory_space<vmem_shared>>
        tpu.enqueue_indirect_dma source(%arg7 : memref<80x128xf32, #tpu.memory_space<vmem>>) target(%dma_start3A_88 : memref<10240x128xf32, #tpu.memory_space<vmem_shared>>) offsets(%dma_start3A_85 : memref<80xi32, #tpu.memory_space<vmem>>) semaphore(%arg11 : memref<!tpu.dma_semaphore, #tpu.memory_space<semaphore_mem>>) {add = true}
      } else {
      }
      %mul3A_43 = arith.constant 2 : i32
      %mul3A_44 = arith.muli %mul3A_43, %scan3A_30 : i32
      %add3A_45 = arith.constant 1 : i32
      %add3A_46 = arith.addi %mul3A_44, %add3A_45 : i32
      %ge3A_47 = arith.constant 2 : i32
      %ge3A_48 = arith.cmpi sge, %add3A_46, %ge3A_47 : i32
      %lt3A_49 = arith.constant 125 : i32
      %lt3A_50 = arith.cmpi slt, %add3A_46, %lt3A_49 : i32
      %and3A_51 = arith.andi %ge3A_48, %lt3A_50 : i1
      %convert_element_type3A_52 = arith.extui %and3A_51 : i1 to i32
      %cond3A_53 = arith.constant 0 : i32
      %cond3A_54 = arith.cmpi ne, %convert_element_type3A_52, %cond3A_53 : i32
      scf.if %cond3A_54 {
        %dma_wait3A_60 = arith.constant 1 : i32
        %dma_wait3A_61 = arith.constant 0 : i32
        %dma_wait3A_62 = tpu.memref_slice %arg6[%dma_wait3A_60, %dma_wait3A_61] : memref<2x80xi32, #tpu.memory_space<vmem>> -> memref<1x80xi32, #tpu.memory_space<vmem>>
        %dma_wait3A_63 = tpu.memref_squeeze %dma_wait3A_62 : memref<1x80xi32, #tpu.memory_space<vmem>> -> memref<80xi32, #tpu.memory_space<vmem>>
        %dma_wait3A_64 = arith.constant 0 : i32
        %dma_wait3A_65 = arith.constant 0 : i32
        %dma_wait3A_66 = tpu.memref_slice %arg8[%dma_wait3A_64, %dma_wait3A_65] : memref<10240x128xf32, #tpu.memory_space<vmem_shared>> -> memref<10240x128xf32, #tpu.memory_space<vmem_shared>>
        tpu.wait_indirect_dma semaphore(%arg12 : memref<!tpu.dma_semaphore, #tpu.memory_space<semaphore_mem>>) src(%arg7 : memref<80x128xf32, #tpu.memory_space<vmem>>) dst(%dma_wait3A_66 : memref<10240x128xf32, #tpu.memory_space<vmem_shared>>)
      } else {
      }
      %lt3A_55 = arith.constant 125 : i32
      %lt3A_56 = arith.cmpi slt, %add3A_46, %lt3A_55 : i32
      %convert_element_type3A_57 = arith.extui %lt3A_56 : i1 to i32
      %cond3A_58 = arith.constant 0 : i32
      %cond3A_59 = arith.cmpi ne, %convert_element_type3A_57, %cond3A_58 : i32
      scf.if %cond3A_59 {
        %mul3A_60 = arith.constant 80 : i32
        %mul3A_61 = arith.muli %add3A_46, %mul3A_60 : i32
        %add3A_62 = arith.addi %mul3A_2, %mul3A_61 : i32
        %dma_start3A = arith.constant 1 : i32
        %dma_start3A_63 = arith.constant 0 : i32
        %dma_start3A_64 = tpu.memref_slice %arg6[%dma_start3A, %dma_start3A_63] : memref<2x80xi32, #tpu.memory_space<vmem>> -> memref<1x80xi32, #tpu.memory_space<vmem>>
        %dma_start3A_65 = tpu.memref_squeeze %dma_start3A_64 : memref<1x80xi32, #tpu.memory_space<vmem>> -> memref<80xi32, #tpu.memory_space<vmem>>
        %dma_start3A_66 = tpu.memref_slice %arg2[%add3A_62] : memref<320000xi32, #tpu.memory_space<hbm>> -> memref<80xi32, #tpu.memory_space<hbm>>
        %dma_start3A_67 = arith.constant 0 : i32
        %dma_start3A_68 = tpu.memref_slice %arg6[%dma_start3A, %dma_start3A_67] : memref<2x80xi32, #tpu.memory_space<vmem>> -> memref<1x80xi32, #tpu.memory_space<vmem>>
        %dma_start3A_69 = tpu.memref_squeeze %dma_start3A_68 : memref<1x80xi32, #tpu.memory_space<vmem>> -> memref<80xi32, #tpu.memory_space<vmem>>
        %dma_start3A_70 = tpu.memref_slice %arg2[%add3A_62] : memref<320000xi32, #tpu.memory_space<hbm>> -> memref<80xi32, #tpu.memory_space<hbm>>
        tpu.enqueue_dma source(%dma_start3A_70 : memref<80xi32, #tpu.memory_space<hbm>>) target(%dma_start3A_69 : memref<80xi32, #tpu.memory_space<vmem>>) target_semaphore(%arg10 : memref<!tpu.dma_semaphore, #tpu.memory_space<semaphore_mem>>)
        %dma_wait3A_71 = arith.constant 1 : i32
        %dma_wait3A_72 = arith.constant 0 : i32
        %dma_wait3A_73 = tpu.memref_slice %arg6[%dma_wait3A_71, %dma_wait3A_72] : memref<2x80xi32, #tpu.memory_space<vmem>> -> memref<1x80xi32, #tpu.memory_space<vmem>>
        %dma_wait3A_74 = tpu.memref_squeeze %dma_wait3A_73 : memref<1x80xi32, #tpu.memory_space<vmem>> -> memref<80xi32, #tpu.memory_space<vmem>>
        %dma_wait3A_75 = arith.constant 0 : i32
        %dma_wait3A_76 = tpu.memref_slice %arg2[%dma_wait3A_75] : memref<320000xi32, #tpu.memory_space<hbm>> -> memref<80xi32, #tpu.memory_space<hbm>>
        %dma_wait3A_77 = arith.constant 0 : i32
        %dma_wait3A_78 = tpu.memref_slice %arg6[%dma_wait3A_71, %dma_wait3A_77] : memref<2x80xi32, #tpu.memory_space<vmem>> -> memref<1x80xi32, #tpu.memory_space<vmem>>
        %dma_wait3A_79 = tpu.memref_squeeze %dma_wait3A_78 : memref<1x80xi32, #tpu.memory_space<vmem>> -> memref<80xi32, #tpu.memory_space<vmem>>
        %dma_wait3A_80 = arith.constant 0 : i32
        %dma_wait3A_81 = tpu.memref_slice %arg2[%dma_wait3A_80] : memref<320000xi32, #tpu.memory_space<hbm>> -> memref<80xi32, #tpu.memory_space<hbm>>
        tpu.wait_dma2 semaphore(%arg10 : memref<!tpu.dma_semaphore, #tpu.memory_space<semaphore_mem>>) src(%dma_wait3A_81 : memref<80xi32, #tpu.memory_space<hbm>>) dst(%dma_wait3A_79 : memref<80xi32, #tpu.memory_space<vmem>>)
        %dma_start3A_82 = arith.constant 1 : i32
        %dma_start3A_83 = arith.constant 0 : i32
        %dma_start3A_84 = tpu.memref_slice %arg6[%dma_start3A_82, %dma_start3A_83] : memref<2x80xi32, #tpu.memory_space<vmem>> -> memref<1x80xi32, #tpu.memory_space<vmem>>
        %dma_start3A_85 = tpu.memref_squeeze %dma_start3A_84 : memref<1x80xi32, #tpu.memory_space<vmem>> -> memref<80xi32, #tpu.memory_space<vmem>>
        %dma_start3A_86 = arith.constant 0 : i32
        %dma_start3A_87 = arith.constant 0 : i32
        %dma_start3A_88 = tpu.memref_slice %arg8[%dma_start3A_86, %dma_start3A_87] : memref<10240x128xf32, #tpu.memory_space<vmem_shared>> -> memref<10240x128xf32, #tpu.memory_space<vmem_shared>>
        tpu.enqueue_indirect_dma source(%arg7 : memref<80x128xf32, #tpu.memory_space<vmem>>) target(%dma_start3A_88 : memref<10240x128xf32, #tpu.memory_space<vmem_shared>>) offsets(%dma_start3A_85 : memref<80xi32, #tpu.memory_space<vmem>>) semaphore(%arg12 : memref<!tpu.dma_semaphore, #tpu.memory_space<semaphore_mem>>) {add = true}
      } else {
      }
    }
    %scan3A_11 = arith.constant 63 : i32
    %dma_wait3A = arith.constant 0 : i32
    %dma_wait3A_12 = arith.constant 0 : i32
    %dma_wait3A_13 = tpu.memref_slice %arg6[%dma_wait3A, %dma_wait3A_12] : memref<2x80xi32, #tpu.memory_space<vmem>> -> memref<1x80xi32, #tpu.memory_space<vmem>>
    %dma_wait3A_14 = tpu.memref_squeeze %dma_wait3A_13 : memref<1x80xi32, #tpu.memory_space<vmem>> -> memref<80xi32, #tpu.memory_space<vmem>>
    %dma_wait3A_15 = arith.constant 0 : i32
    %dma_wait3A_16 = arith.constant 0 : i32
    %dma_wait3A_17 = tpu.memref_slice %arg8[%dma_wait3A_15, %dma_wait3A_16] : memref<10240x128xf32, #tpu.memory_space<vmem_shared>> -> memref<10240x128xf32, #tpu.memory_space<vmem_shared>>
    tpu.wait_indirect_dma semaphore(%arg11 : memref<!tpu.dma_semaphore, #tpu.memory_space<semaphore_mem>>) src(%arg7 : memref<80x128xf32, #tpu.memory_space<vmem>>) dst(%dma_wait3A_17 : memref<10240x128xf32, #tpu.memory_space<vmem_shared>>)
    %dma_wait3A_18 = arith.constant 1 : i32
    %dma_wait3A_19 = arith.constant 0 : i32
    %dma_wait3A_20 = tpu.memref_slice %arg6[%dma_wait3A_18, %dma_wait3A_19] : memref<2x80xi32, #tpu.memory_space<vmem>> -> memref<1x80xi32, #tpu.memory_space<vmem>>
    %dma_wait3A_21 = tpu.memref_squeeze %dma_wait3A_20 : memref<1x80xi32, #tpu.memory_space<vmem>> -> memref<80xi32, #tpu.memory_space<vmem>>
    %dma_wait3A_22 = arith.constant 0 : i32
    %dma_wait3A_23 = arith.constant 0 : i32
    %dma_wait3A_24 = tpu.memref_slice %arg8[%dma_wait3A_22, %dma_wait3A_23] : memref<10240x128xf32, #tpu.memory_space<vmem_shared>> -> memref<10240x128xf32, #tpu.memory_space<vmem_shared>>
    tpu.wait_indirect_dma semaphore(%arg12 : memref<!tpu.dma_semaphore, #tpu.memory_space<semaphore_mem>>) src(%arg7 : memref<80x128xf32, #tpu.memory_space<vmem>>) dst(%dma_wait3A_24 : memref<10240x128xf32, #tpu.memory_space<vmem_shared>>)
    %barrier3A_25 = arith.constant 0 : index
    tpu.barrier barrier_id(%barrier3A_25)
    %mul3A_26 = arith.constant 640 : i32
    %mul3A_27 = arith.muli %arg1, %mul3A_26 : i32
    %mul3A_28 = arith.constant 640 : i32
    %mul3A_29 = arith.muli %arg1, %mul3A_28 : i32
    "tpu.region"() ({
      %run_scoped3A = tpu.sem_alloc : memref<!tpu.dma_semaphore, #tpu.memory_space<semaphore_mem>>
      %dma_start3A = arith.constant 0 : i32
      %dma_start3A_30 = tpu.memref_slice %arg5[%arg0, %mul3A_29, %dma_start3A] : memref<2x10240x128xf32, #tpu.memory_space<hbm>> -> memref<1x640x128xf32, #tpu.memory_space<hbm>>
      %dma_start3A_31 = tpu.memref_squeeze %dma_start3A_30 : memref<1x640x128xf32, #tpu.memory_space<hbm>> -> memref<640x128xf32, #tpu.memory_space<hbm>>
      %dma_start3A_32 = arith.constant 0 : i32
      %dma_start3A_33 = tpu.memref_slice %arg8[%mul3A_27, %dma_start3A_32] : memref<10240x128xf32, #tpu.memory_space<vmem_shared>> -> memref<640x128xf32, #tpu.memory_space<vmem_shared>>
      tpu.enqueue_dma source(%dma_start3A_33 : memref<640x128xf32, #tpu.memory_space<vmem_shared>>) target(%dma_start3A_31 : memref<640x128xf32, #tpu.memory_space<hbm>>) target_semaphore(%run_scoped3A : memref<!tpu.dma_semaphore, #tpu.memory_space<semaphore_mem>>)
      %dma_wait3A_34 = arith.constant 0 : i32
      %dma_wait3A_35 = tpu.memref_slice %arg5[%arg0, %mul3A_29, %dma_wait3A_34] : memref<2x10240x128xf32, #tpu.memory_space<hbm>> -> memref<1x640x128xf32, #tpu.memory_space<hbm>>
      %dma_wait3A_36 = tpu.memref_squeeze %dma_wait3A_35 : memref<1x640x128xf32, #tpu.memory_space<hbm>> -> memref<640x128xf32, #tpu.memory_space<hbm>>
      %dma_wait3A_37 = arith.constant 0 : i32
      %dma_wait3A_38 = tpu.memref_slice %arg8[%mul3A_27, %dma_wait3A_37] : memref<10240x128xf32, #tpu.memory_space<vmem_shared>> -> memref<640x128xf32, #tpu.memory_space<vmem_shared>>
      tpu.wait_dma2 semaphore(%run_scoped3A : memref<!tpu.dma_semaphore, #tpu.memory_space<semaphore_mem>>) src(%dma_wait3A_38 : memref<640x128xf32, #tpu.memory_space<vmem_shared>>) dst(%dma_wait3A_36 : memref<640x128xf32, #tpu.memory_space<hbm>>)
      tpu.yield
    }) : () -> ()
    return
  }
}

module attributes {stable_mosaic.version = 14 : i64} {
  func.func @_edge_stats(%arg0: i32, %arg1: memref<20000x16xf32, #tpu.memory_space<vmem>>, %arg2: memref<16x128xf32, #tpu.memory_space<vmem>>, %arg3: memref<1x128xf32, #tpu.memory_space<vmem>>, %arg4: memref<2x128xf32, #tpu.memory_space<vmem>>) attributes {dimension_semantics = [#tpu.dimension_semantics<arbitrary>], iteration_bounds = array<i64: 16>, scalar_prefetch = 0 : i64, scratch_operands = 0 : i64, tpu.core_type = #tpu.core_type<tc>, window_params = [{transform_indices = @transform_0, window_bounds = array<i64: 20000, 16>}, {pipeline_mode = #tpu.pipeline_mode<synchronous>, transform_indices = @transform_1, window_bounds = array<i64: 16, 128>}, {pipeline_mode = #tpu.pipeline_mode<synchronous>, transform_indices = @transform_2, window_bounds = array<i64: 1, 128>}, {pipeline_mode = #tpu.pipeline_mode<synchronous>, transform_indices = @transform_3, window_bounds = array<i64: 2, 128>}]} {
    %get3A = arith.constant 0 : index
    %get3A_0 = arith.constant 0 : index
    %get3A_1 = vector.load %arg1[%get3A, %get3A_0] : memref<20000x16xf32, #tpu.memory_space<vmem>>, vector<20000x16xf32>
    %get3A_2 = arith.constant 0 : index
    %get3A_3 = arith.constant 0 : index
    %get3A_4 = vector.load %arg2[%get3A_2, %get3A_3] : memref<16x128xf32, #tpu.memory_space<vmem>>, vector<16x128xf32>
    %dot_general3A = arith.constant dense<0.000000e+00> : vector<20000x128xf32>
    %dot_general3A_5 = tpu.matmul %get3A_1, %get3A_4, %dot_general3A {dimension_numbers = #tpu.dot_dimension_numbers<[1], [0], [0], [1], [0, 0, 1, 1], [], []>, transpose_lhs_hint = false} : vector<20000x16xf32>, vector<16x128xf32>, vector<20000x128xf32> -> vector<20000x128xf32>
    %get3A_6 = arith.constant 0 : index
    %get3A_7 = arith.constant 0 : index
    %get3A_8 = vector.load %arg3[%get3A_6, %get3A_7] : memref<1x128xf32, #tpu.memory_space<vmem>>, vector<1x128xf32>
    %add3A = vector.broadcast %get3A_8 : vector<1x128xf32> to vector<20000x128xf32>
    %add3A_9 = arith.addf %dot_general3A_5, %add3A : vector<20000x128xf32>
    %max3A = arith.constant 0.000000e+00 : f32
    %max3A_10 = vector.broadcast %max3A : f32 to vector<20000x128xf32>
    %max3A_11 = arith.maximumf %add3A_9, %max3A_10 : vector<20000x128xf32>
    %reduce_sum3A = arith.constant dense<0.000000e+00> : vector<128xf32>
    %reduce_sum3A_12 = vector.multi_reduction <add>, %max3A_11, %reduce_sum3A [0] : vector<20000x128xf32> to vector<128xf32>
    %broadcast_in_dim3A = vector.shape_cast %reduce_sum3A_12 : vector<128xf32> to vector<1x128xf32>
    %mul3A = arith.mulf %max3A_11, %max3A_11 : vector<20000x128xf32>
    %reduce_sum3A_13 = arith.constant dense<0.000000e+00> : vector<128xf32>
    %reduce_sum3A_14 = vector.multi_reduction <add>, %mul3A, %reduce_sum3A_13 [0] : vector<20000x128xf32> to vector<128xf32>
    %broadcast_in_dim3A_15 = vector.shape_cast %reduce_sum3A_14 : vector<128xf32> to vector<1x128xf32>
    %concatenate3A = tpu.concatenate %broadcast_in_dim3A, %broadcast_in_dim3A_15 in 0 : vector<1x128xf32>, vector<1x128xf32> -> vector<2x128xf32>
    %eq3A = arith.constant 0 : i32
    %eq3A_16 = arith.cmpi eq, %arg0, %eq3A : i32
    %convert_element_type3A = arith.extui %eq3A_16 : i1 to i32
    %cond3A = arith.constant 0 : i32
    %cond3A_17 = arith.cmpi ne, %convert_element_type3A, %cond3A : i32
    scf.if %cond3A_17 {
      %swap3A = arith.constant 0 : index
      %swap3A_22 = arith.constant 0 : index
      %swap3A_23 = vector.load %arg4[%swap3A, %swap3A_22] : memref<2x128xf32, #tpu.memory_space<vmem>>, vector<2x128xf32>
      tpu.vector_store %arg4[%swap3A, %swap3A_22], %concatenate3A {strides = array<i32>} : memref<2x128xf32, #tpu.memory_space<vmem>>, vector<2x128xf32>,
    } else {
    }
    %gt3A = arith.constant 0 : i32
    %gt3A_18 = arith.cmpi sgt, %arg0, %gt3A : i32
    %convert_element_type3A_19 = arith.extui %gt3A_18 : i1 to i32
    %cond3A_20 = arith.constant 0 : i32
    %cond3A_21 = arith.cmpi ne, %convert_element_type3A_19, %cond3A_20 : i32
    scf.if %cond3A_21 {
      %get3A_22 = arith.constant 0 : index
      %get3A_23 = arith.constant 0 : index
      %get3A_24 = vector.load %arg4[%get3A_22, %get3A_23] : memref<2x128xf32, #tpu.memory_space<vmem>>, vector<2x128xf32>
      %add3A_25 = arith.addf %get3A_24, %concatenate3A : vector<2x128xf32>
      %swap3A = arith.constant 0 : index
      %swap3A_26 = arith.constant 0 : index
      %swap3A_27 = vector.load %arg4[%swap3A, %swap3A_26] : memref<2x128xf32, #tpu.memory_space<vmem>>, vector<2x128xf32>
      tpu.vector_store %arg4[%swap3A, %swap3A_26], %add3A_25 {strides = array<i32>} : memref<2x128xf32, #tpu.memory_space<vmem>>, vector<2x128xf32>,
    } else {
    }
    return
  }
  func.func @transform_0(%arg0: i32) -> (i32, i32) {
    %c0_i32 = arith.constant 0 : i32
    %c0_i32_0 = arith.constant 0 : i32
    return %arg0, %c0_i32 : i32, i32
  }
  func.func @transform_1(%arg0: i32) -> (i32, i32) {
    %c0_i32 = arith.constant 0 : i32
    %c0_i32_0 = arith.constant 0 : i32
    %c0_i32_1 = arith.constant 0 : i32
    return %c0_i32, %c0_i32_0 : i32, i32
  }
  func.func @transform_2(%arg0: i32) -> (i32, i32) {
    %c0_i32 = arith.constant 0 : i32
    %c0_i32_0 = arith.constant 0 : i32
    %c0_i32_1 = arith.constant 0 : i32
    return %c0_i32, %c0_i32_0 : i32, i32
  }
  func.func @transform_3(%arg0: i32) -> (i32, i32) {
    %c0_i32 = arith.constant 0 : i32
    %c0_i32_0 = arith.constant 0 : i32
    %c0_i32_1 = arith.constant 0 : i32
    return %c0_i32, %c0_i32_0 : i32, i32
  }
}

module attributes {stable_mosaic.version = 14 : i64} {
  func.func @_edge_msg(%arg0: i32, %arg1: memref<2x128xf32, #tpu.memory_space<vmem>>, %arg2: memref<16x128xf32, #tpu.memory_space<vmem>>, %arg3: memref<1x128xf32, #tpu.memory_space<vmem>>, %arg4: memref<1x128xf32, #tpu.memory_space<vmem>>, %arg5: memref<1x128xf32, #tpu.memory_space<vmem>>, %arg6: memref<128x128xf32, #tpu.memory_space<vmem>>, %arg7: memref<1x128xf32, #tpu.memory_space<vmem>>, %arg8: memref<8000x16xf32, #tpu.memory_space<vmem>>, %arg9: memref<8000x64xf32, #tpu.memory_space<vmem>>) attributes {dimension_semantics = [#tpu.dimension_semantics<arbitrary>], iteration_bounds = array<i64: 40>, scalar_prefetch = 0 : i64, scratch_operands = 0 : i64, tpu.core_type = #tpu.core_type<tc>, window_params = [{pipeline_mode = #tpu.pipeline_mode<synchronous>, transform_indices = @transform_0, window_bounds = array<i64: 2, 128>}, {pipeline_mode = #tpu.pipeline_mode<synchronous>, transform_indices = @transform_1, window_bounds = array<i64: 16, 128>}, {pipeline_mode = #tpu.pipeline_mode<synchronous>, transform_indices = @transform_2, window_bounds = array<i64: 1, 128>}, {pipeline_mode = #tpu.pipeline_mode<synchronous>, transform_indices = @transform_3, window_bounds = array<i64: 1, 128>}, {pipeline_mode = #tpu.pipeline_mode<synchronous>, transform_indices = @transform_4, window_bounds = array<i64: 1, 128>}, {pipeline_mode = #tpu.pipeline_mode<synchronous>, transform_indices = @transform_5, window_bounds = array<i64: 128, 128>}, {pipeline_mode = #tpu.pipeline_mode<synchronous>, transform_indices = @transform_6, window_bounds = array<i64: 1, 128>}, {transform_indices = @transform_7, window_bounds = array<i64: 8000, 16>}, {transform_indices = @transform_8, window_bounds = array<i64: 8000, 64>}]} {
    %get3A = arith.constant 0 : index
    %get3A_0 = arith.constant 0 : index
    %get3A_1 = vector.load %arg1[%get3A, %get3A_0] : memref<2x128xf32, #tpu.memory_space<vmem>>, vector<1x128xf32>
    %div3A = arith.constant 3.200000e+05 : f32
    %div3A_2 = vector.broadcast %div3A : f32 to vector<1x128xf32>
    %div3A_3 = arith.divf %get3A_1, %div3A_2 : vector<1x128xf32>
    %get3A_4 = arith.constant 1 : index
    %get3A_5 = arith.constant 0 : index
    %get3A_6 = vector.load %arg1[%get3A_4, %get3A_5] : memref<2x128xf32, #tpu.memory_space<vmem>>, vector<1x128xf32>
    %div3A_7 = arith.constant 3.200000e+05 : f32
    %div3A_8 = vector.broadcast %div3A_7 : f32 to vector<1x128xf32>
    %div3A_9 = arith.divf %get3A_6, %div3A_8 : vector<1x128xf32>
    %mul3A = arith.mulf %div3A_3, %div3A_3 : vector<1x128xf32>
    %sub3A = arith.subf %div3A_9, %mul3A : vector<1x128xf32>
    %get3A_10 = arith.constant 0 : index
    %get3A_11 = arith.constant 0 : index
    %get3A_12 = vector.load %arg4[%get3A_10, %get3A_11] : memref<1x128xf32, #tpu.memory_space<vmem>>, vector<1x128xf32>
    %add3A = arith.constant 9.99999974E-6 : f32
    %add3A_13 = vector.broadcast %add3A : f32 to vector<1x128xf32>
    %add3A_14 = arith.addf %sub3A, %add3A_13 : vector<1x128xf32>
    %rsqrt3A = math.rsqrt %add3A_14 : vector<1x128xf32>
    %mul3A_15 = arith.mulf %get3A_12, %rsqrt3A : vector<1x128xf32>
    %get3A_16 = arith.constant 0 : index
    %get3A_17 = arith.constant 0 : index
    %get3A_18 = vector.load %arg5[%get3A_16, %get3A_17] : memref<1x128xf32, #tpu.memory_space<vmem>>, vector<1x128xf32>
    %mul3A_19 = arith.mulf %div3A_3, %mul3A_15 : vector<1x128xf32>
    %sub3A_20 = arith.subf %get3A_18, %mul3A_19 : vector<1x128xf32>
    %get3A_21 = arith.constant 0 : index
    %get3A_22 = arith.constant 0 : index
    %get3A_23 = vector.load %arg8[%get3A_21, %get3A_22] : memref<8000x16xf32, #tpu.memory_space<vmem>>, vector<8000x16xf32>
    %get3A_24 = arith.constant 0 : index
    %get3A_25 = arith.constant 0 : index
    %get3A_26 = vector.load %arg2[%get3A_24, %get3A_25] : memref<16x128xf32, #tpu.memory_space<vmem>>, vector<16x128xf32>
    %dot_general3A = arith.constant dense<0.000000e+00> : vector<8000x128xf32>
    %dot_general3A_27 = tpu.matmul %get3A_23, %get3A_26, %dot_general3A {dimension_numbers = #tpu.dot_dimension_numbers<[1], [0], [0], [1], [0, 0, 1, 1], [], []>, transpose_lhs_hint = false} : vector<8000x16xf32>, vector<16x128xf32>, vector<8000x128xf32> -> vector<8000x128xf32>
    %get3A_28 = arith.constant 0 : index
    %get3A_29 = arith.constant 0 : index
    %get3A_30 = vector.load %arg3[%get3A_28, %get3A_29] : memref<1x128xf32, #tpu.memory_space<vmem>>, vector<1x128xf32>
    %add3A_31 = vector.broadcast %get3A_30 : vector<1x128xf32> to vector<8000x128xf32>
    %add3A_32 = arith.addf %dot_general3A_27, %add3A_31 : vector<8000x128xf32>
    %max3A = arith.constant 0.000000e+00 : f32
    %max3A_33 = vector.broadcast %max3A : f32 to vector<8000x128xf32>
    %max3A_34 = arith.maximumf %add3A_32, %max3A_33 : vector<8000x128xf32>
    %get3A_35 = arith.constant 0 : index
    %get3A_36 = arith.constant 0 : index
    %get3A_37 = vector.load %arg6[%get3A_35, %get3A_36] : memref<128x128xf32, #tpu.memory_space<vmem>>, vector<128x128xf32>
    %dot_general3A_38 = arith.constant dense<0.000000e+00> : vector<1x128xf32>
    %dot_general3A_39 = tpu.matmul %sub3A_20, %get3A_37, %dot_general3A_38 {dimension_numbers = #tpu.dot_dimension_numbers<[1], [0], [0], [1], [0, 0, 1, 1], [], []>, transpose_lhs_hint = false} : vector<1x128xf32>, vector<128x128xf32>, vector<1x128xf32> -> vector<1x128xf32>
    %get3A_40 = arith.constant 0 : index
    %get3A_41 = arith.constant 0 : index
    %get3A_42 = vector.load %arg7[%get3A_40, %get3A_41] : memref<1x128xf32, #tpu.memory_space<vmem>>, vector<1x128xf32>
    %add3A_43 = arith.addf %dot_general3A_39, %get3A_42 : vector<1x128xf32>
    %mul3A_44 = vector.broadcast %mul3A_15 : vector<1x128xf32> to vector<8000x128xf32>
    %mul3A_45 = arith.mulf %max3A_34, %mul3A_44 : vector<8000x128xf32>
    %get3A_46 = arith.constant 0 : index
    %get3A_47 = arith.constant 0 : index
    %get3A_48 = vector.load %arg6[%get3A_46, %get3A_47] : memref<128x128xf32, #tpu.memory_space<vmem>>, vector<128x128xf32>
    %dot_general3A_49 = arith.constant dense<0.000000e+00> : vector<8000x128xf32>
    %dot_general3A_50 = tpu.matmul %mul3A_45, %get3A_48, %dot_general3A_49 {dimension_numbers = #tpu.dot_dimension_numbers<[1], [0], [0], [1], [0, 0, 1, 1], [], []>, transpose_lhs_hint = false} : vector<8000x128xf32>, vector<128x128xf32>, vector<8000x128xf32> -> vector<8000x128xf32>
    %add3A_51 = vector.broadcast %add3A_43 : vector<1x128xf32> to vector<8000x128xf32>
    %add3A_52 = arith.addf %dot_general3A_50, %add3A_51 : vector<8000x128xf32>
    %bitcast_convert_type3A = tpu.bitcast %add3A_52 : vector<8000x128xf32> -> vector<8000x128xi32>
    %add3A_53 = arith.constant 32768 : i32
    %add3A_54 = vector.broadcast %add3A_53 : i32 to vector<8000x128xi32>
    %add3A_55 = arith.addi %bitcast_convert_type3A, %add3A_54 : vector<8000x128xi32>
    %slice3A = vector.extract_strided_slice %add3A_55 {offsets = [0, 0], sizes = [8000, 64], strides = [1, 1]} : vector<8000x128xi32> to vector<8000x64xi32>
    %and3A = arith.constant -65536 : i32
    %and3A_56 = vector.broadcast %and3A : i32 to vector<8000x64xi32>
    %and3A_57 = arith.andi %slice3A, %and3A_56 : vector<8000x64xi32>
    %slice3A_58 = vector.extract_strided_slice %add3A_55 {offsets = [0, 64], sizes = [8000, 64], strides = [1, 1]} : vector<8000x128xi32> to vector<8000x64xi32>
    %shift_right_logical3A = arith.constant 16 : i32
    %shift_right_logical3A_59 = vector.broadcast %shift_right_logical3A : i32 to vector<8000x64xi32>
    %shift_right_logical3A_60 = arith.shrui %slice3A_58, %shift_right_logical3A_59 : vector<8000x64xi32>
    %or3A = arith.ori %and3A_57, %shift_right_logical3A_60 : vector<8000x64xi32>
    %bitcast_convert_type3A_61 = tpu.bitcast %or3A : vector<8000x64xi32> -> vector<8000x64xf32>
    %swap3A = arith.constant 0 : index
    %swap3A_62 = arith.constant 0 : index
    %swap3A_63 = vector.load %arg9[%swap3A, %swap3A_62] : memref<8000x64xf32, #tpu.memory_space<vmem>>, vector<8000x64xf32>
    tpu.vector_store %arg9[%swap3A, %swap3A_62], %bitcast_convert_type3A_61 {strides = array<i32>} : memref<8000x64xf32, #tpu.memory_space<vmem>>, vector<8000x64xf32>,
    return
  }
  func.func @transform_0(%arg0: i32) -> (i32, i32) {
    %c0_i32 = arith.constant 0 : i32
    %c0_i32_0 = arith.constant 0 : i32
    %c0_i32_1 = arith.constant 0 : i32
    return %c0_i32, %c0_i32_0 : i32, i32
  }
  func.func @transform_1(%arg0: i32) -> (i32, i32) {
    %c0_i32 = arith.constant 0 : i32
    %c0_i32_0 = arith.constant 0 : i32
    %c0_i32_1 = arith.constant 0 : i32
    return %c0_i32, %c0_i32_0 : i32, i32
  }
  func.func @transform_2(%arg0: i32) -> (i32, i32) {
    %c0_i32 = arith.constant 0 : i32
    %c0_i32_0 = arith.constant 0 : i32
    %c0_i32_1 = arith.constant 0 : i32
    return %c0_i32, %c0_i32_0 : i32, i32
  }
  func.func @transform_3(%arg0: i32) -> (i32, i32) {
    %c0_i32 = arith.constant 0 : i32
    %c0_i32_0 = arith.constant 0 : i32
    %c0_i32_1 = arith.constant 0 : i32
    return %c0_i32, %c0_i32_0 : i32, i32
  }
  func.func @transform_4(%arg0: i32) -> (i32, i32) {
    %c0_i32 = arith.constant 0 : i32
    %c0_i32_0 = arith.constant 0 : i32
    %c0_i32_1 = arith.constant 0 : i32
    return %c0_i32, %c0_i32_0 : i32, i32
  }
  func.func @transform_5(%arg0: i32) -> (i32, i32) {
    %c0_i32 = arith.constant 0 : i32
    %c0_i32_0 = arith.constant 0 : i32
    %c0_i32_1 = arith.constant 0 : i32
    return %c0_i32, %c0_i32_0 : i32, i32
  }
  func.func @transform_6(%arg0: i32) -> (i32, i32) {
    %c0_i32 = arith.constant 0 : i32
    %c0_i32_0 = arith.constant 0 : i32
    %c0_i32_1 = arith.constant 0 : i32
    return %c0_i32, %c0_i32_0 : i32, i32
  }
  func.func @transform_7(%arg0: i32) -> (i32, i32) {
    %c0_i32 = arith.constant 0 : i32
    %c0_i32_0 = arith.constant 0 : i32
    return %arg0, %c0_i32 : i32, i32
  }
  func.func @transform_8(%arg0: i32) -> (i32, i32) {
    %c0_i32 = arith.constant 0 : i32
    %c0_i32_0 = arith.constant 0 : i32
    return %arg0, %c0_i32 : i32, i32
  }
}

module attributes {stable_mosaic.version = 14 : i64} {
  func.func @_node_prologue(%arg0: memref<10240x128xf32, #tpu.memory_space<vmem>>, %arg1: memref<128x128xf32, #tpu.memory_space<vmem>>, %arg2: memref<1x128xf32, #tpu.memory_space<vmem>>, %arg3: memref<1x128xf32, #tpu.memory_space<vmem>>, %arg4: memref<1x128xf32, #tpu.memory_space<vmem>>, %arg5: memref<128x128xf32, #tpu.memory_space<vmem>>, %arg6: memref<128x128xf32, #tpu.memory_space<vmem>>, %arg7: memref<10240x128xf32, #tpu.memory_space<vmem>>, %arg8: memref<10240x128xf32, #tpu.memory_space<vmem>>, %arg9: memref<10240x128xf32, #tpu.memory_space<vmem>>) attributes {dimension_semantics = [], scalar_prefetch = 0 : i64, scratch_operands = 0 : i64, tpu.core_type = #tpu.core_type<tc>} {
    %get3A = arith.constant 0 : index
    %get3A_0 = arith.constant 0 : index
    %get3A_1 = vector.load %arg0[%get3A, %get3A_0] : memref<10240x128xf32, #tpu.memory_space<vmem>>, vector<10240x128xf32>
    %get3A_2 = arith.constant 0 : index
    %get3A_3 = arith.constant 0 : index
    %get3A_4 = vector.load %arg1[%get3A_2, %get3A_3] : memref<128x128xf32, #tpu.memory_space<vmem>>, vector<128x128xf32>
    %dot_general3A = arith.constant dense<0.000000e+00> : vector<10240x128xf32>
    %dot_general3A_5 = tpu.matmul %get3A_1, %get3A_4, %dot_general3A {dimension_numbers = #tpu.dot_dimension_numbers<[1], [0], [0], [1], [0, 0, 1, 1], [], []>, transpose_lhs_hint = false} : vector<10240x128xf32>, vector<128x128xf32>, vector<10240x128xf32> -> vector<10240x128xf32>
    %get3A_6 = arith.constant 0 : index
    %get3A_7 = arith.constant 0 : index
    %get3A_8 = vector.load %arg2[%get3A_6, %get3A_7] : memref<1x128xf32, #tpu.memory_space<vmem>>, vector<1x128xf32>
    %add3A = vector.broadcast %get3A_8 : vector<1x128xf32> to vector<10240x128xf32>
    %add3A_9 = arith.addf %dot_general3A_5, %add3A : vector<10240x128xf32>
    %max3A = arith.constant 0.000000e+00 : f32
    %max3A_10 = vector.broadcast %max3A : f32 to vector<10240x128xf32>
    %max3A_11 = arith.maximumf %add3A_9, %max3A_10 : vector<10240x128xf32>
    %get3A_12 = arith.constant 0 : index
    %get3A_13 = arith.constant 0 : index
    %get3A_14 = vector.load %arg2[%get3A_12, %get3A_13] : memref<1x128xf32, #tpu.memory_space<vmem>>, vector<1x128xf32>
    %max3A_15 = arith.constant 0.000000e+00 : f32
    %max3A_16 = vector.broadcast %max3A_15 : f32 to vector<1x128xf32>
    %max3A_17 = arith.maximumf %get3A_14, %max3A_16 : vector<1x128xf32>
    %reduce_sum3A = arith.constant dense<0.000000e+00> : vector<128xf32>
    %reduce_sum3A_18 = vector.multi_reduction <add>, %max3A_11, %reduce_sum3A [0] : vector<10240x128xf32> to vector<128xf32>
    %broadcast_in_dim3A = vector.shape_cast %reduce_sum3A_18 : vector<128xf32> to vector<1x128xf32>
    %mul3A = arith.constant 2.400000e+02 : f32
    %mul3A_19 = vector.broadcast %mul3A : f32 to vector<1x128xf32>
    %mul3A_20 = arith.mulf %mul3A_19, %max3A_17 : vector<1x128xf32>
    %sub3A = arith.subf %broadcast_in_dim3A, %mul3A_20 : vector<1x128xf32>
    %div3A = arith.constant 1.000000e+04 : f32
    %div3A_21 = vector.broadcast %div3A : f32 to vector<1x128xf32>
    %div3A_22 = arith.divf %sub3A, %div3A_21 : vector<1x128xf32>
    %mul3A_23 = arith.mulf %max3A_11, %max3A_11 : vector<10240x128xf32>
    %reduce_sum3A_24 = arith.constant dense<0.000000e+00> : vector<128xf32>
    %reduce_sum3A_25 = vector.multi_reduction <add>, %mul3A_23, %reduce_sum3A_24 [0] : vector<10240x128xf32> to vector<128xf32>
    %broadcast_in_dim3A_26 = vector.shape_cast %reduce_sum3A_25 : vector<128xf32> to vector<1x128xf32>
    %mul3A_27 = arith.constant 2.400000e+02 : f32
    %mul3A_28 = vector.broadcast %mul3A_27 : f32 to vector<1x128xf32>
    %mul3A_29 = arith.mulf %mul3A_28, %max3A_17 : vector<1x128xf32>
    %mul3A_30 = arith.mulf %mul3A_29, %max3A_17 : vector<1x128xf32>
    %sub3A_31 = arith.subf %broadcast_in_dim3A_26, %mul3A_30 : vector<1x128xf32>
    %div3A_32 = arith.constant 1.000000e+04 : f32
    %div3A_33 = vector.broadcast %div3A_32 : f32 to vector<1x128xf32>
    %div3A_34 = arith.divf %sub3A_31, %div3A_33 : vector<1x128xf32>
    %mul3A_35 = arith.mulf %div3A_22, %div3A_22 : vector<1x128xf32>
    %sub3A_36 = arith.subf %div3A_34, %mul3A_35 : vector<1x128xf32>
    %get3A_37 = arith.constant 0 : index
    %get3A_38 = arith.constant 0 : index
    %get3A_39 = vector.load %arg3[%get3A_37, %get3A_38] : memref<1x128xf32, #tpu.memory_space<vmem>>, vector<1x128xf32>
    %add3A_40 = arith.constant 9.99999974E-6 : f32
    %add3A_41 = vector.broadcast %add3A_40 : f32 to vector<1x128xf32>
    %add3A_42 = arith.addf %sub3A_36, %add3A_41 : vector<1x128xf32>
    %rsqrt3A = math.rsqrt %add3A_42 : vector<1x128xf32>
    %mul3A_43 = arith.mulf %get3A_39, %rsqrt3A : vector<1x128xf32>
    %mul3A_44 = vector.broadcast %mul3A_43 : vector<1x128xf32> to vector<10240x128xf32>
    %mul3A_45 = arith.mulf %max3A_11, %mul3A_44 : vector<10240x128xf32>
    %get3A_46 = arith.constant 0 : index
    %get3A_47 = arith.constant 0 : index
    %get3A_48 = vector.load %arg4[%get3A_46, %get3A_47] : memref<1x128xf32, #tpu.memory_space<vmem>>, vector<1x128xf32>
    %mul3A_49 = arith.mulf %div3A_22, %mul3A_43 : vector<1x128xf32>
    %sub3A_50 = arith.subf %get3A_48, %mul3A_49 : vector<1x128xf32>
    %add3A_51 = vector.broadcast %sub3A_50 : vector<1x128xf32> to vector<10240x128xf32>
    %add3A_52 = arith.addf %mul3A_45, %add3A_51 : vector<10240x128xf32>
    %swap3A = arith.constant 0 : index
    %swap3A_53 = arith.constant 0 : index
    %swap3A_54 = vector.load %arg7[%swap3A, %swap3A_53] : memref<10240x128xf32, #tpu.memory_space<vmem>>, vector<10240x128xf32>
    tpu.vector_store %arg7[%swap3A, %swap3A_53], %add3A_52 {strides = array<i32>} : memref<10240x128xf32, #tpu.memory_space<vmem>>, vector<10240x128xf32>,
    %get3A_55 = arith.constant 0 : index
    %get3A_56 = arith.constant 0 : index
    %get3A_57 = vector.load %arg5[%get3A_55, %get3A_56] : memref<128x128xf32, #tpu.memory_space<vmem>>, vector<128x128xf32>
    %dot_general3A_58 = arith.constant dense<0.000000e+00> : vector<10240x128xf32>
    %dot_general3A_59 = tpu.matmul %get3A_1, %get3A_57, %dot_general3A_58 {dimension_numbers = #tpu.dot_dimension_numbers<[1], [0], [0], [1], [0, 0, 1, 1], [], []>, transpose_lhs_hint = false} : vector<10240x128xf32>, vector<128x128xf32>, vector<10240x128xf32> -> vector<10240x128xf32>
    %swap3A_60 = arith.constant 0 : index
    %swap3A_61 = arith.constant 0 : index
    %swap3A_62 = vector.load %arg8[%swap3A_60, %swap3A_61] : memref<10240x128xf32, #tpu.memory_space<vmem>>, vector<10240x128xf32>
    tpu.vector_store %arg8[%swap3A_60, %swap3A_61], %dot_general3A_59 {strides = array<i32>} : memref<10240x128xf32, #tpu.memory_space<vmem>>, vector<10240x128xf32>,
    %get3A_63 = arith.constant 0 : index
    %get3A_64 = arith.constant 0 : index
    %get3A_65 = vector.load %arg6[%get3A_63, %get3A_64] : memref<128x128xf32, #tpu.memory_space<vmem>>, vector<128x128xf32>
    %dot_general3A_66 = arith.constant dense<0.000000e+00> : vector<10240x128xf32>
    %dot_general3A_67 = tpu.matmul %get3A_1, %get3A_65, %dot_general3A_66 {dimension_numbers = #tpu.dot_dimension_numbers<[1], [0], [0], [1], [0, 0, 1, 1], [], []>, transpose_lhs_hint = false} : vector<10240x128xf32>, vector<128x128xf32>, vector<10240x128xf32> -> vector<10240x128xf32>
    %swap3A_68 = arith.constant 0 : index
    %swap3A_69 = arith.constant 0 : index
    %swap3A_70 = vector.load %arg9[%swap3A_68, %swap3A_69] : memref<10240x128xf32, #tpu.memory_space<vmem>>, vector<10240x128xf32>
    tpu.vector_store %arg9[%swap3A_68, %swap3A_69], %dot_general3A_67 {strides = array<i32>} : memref<10240x128xf32, #tpu.memory_space<vmem>>, vector<10240x128xf32>,
    return
  }
}

module attributes {stable_mosaic.version = 14 : i64} {
  func.func @_epilogue(%arg0: i32, %arg1: memref<32x2x128xf32, #tpu.memory_space<vmem>>, %arg2: memref<1x128xf32, #tpu.memory_space<vmem>>, %arg3: memref<1x128xf32, #tpu.memory_space<vmem>>, %arg4: memref<2x16x128x128xf32, #tpu.memory_space<vmem>>, %arg5: memref<2x16x128x128xf32, #tpu.memory_space<vmem>>, %arg6: memref<16x128x128xf32, #tpu.memory_space<vmem>>, %arg7: memref<16x128x128xf32, #tpu.memory_space<vmem>>) attributes {dimension_semantics = [#tpu.dimension_semantics<arbitrary>], iteration_bounds = array<i64: 5>, scalar_prefetch = 0 : i64, scratch_operands = 0 : i64, tpu.core_type = #tpu.core_type<tc>, window_params = [{pipeline_mode = #tpu.pipeline_mode<synchronous>, transform_indices = @transform_0, window_bounds = array<i64: 32, 2, 128>}, {pipeline_mode = #tpu.pipeline_mode<synchronous>, transform_indices = @transform_1, window_bounds = array<i64: 1, 128>}, {pipeline_mode = #tpu.pipeline_mode<synchronous>, transform_indices = @transform_2, window_bounds = array<i64: 1, 128>}, {transform_indices = @transform_3, window_bounds = array<i64: 2, 16, 128, 128>}, {transform_indices = @transform_4, window_bounds = array<i64: 2, 16, 128, 128>}, {transform_indices = @transform_5, window_bounds = array<i64: 16, 128, 128>}, {transform_indices = @transform_6, window_bounds = array<i64: 16, 128, 128>}]} {
    %get3A = arith.constant 0 : index
    %get3A_0 = arith.constant 0 : index
    %get3A_1 = arith.constant 0 : index
    %get3A_2 = vector.load %arg1[%get3A, %get3A_0, %get3A_1] : memref<32x2x128xf32, #tpu.memory_space<vmem>>, vector<32x1x128xf32>
    %get3A_3 = vector.shape_cast %get3A_2 : vector<32x1x128xf32> to vector<32x128xf32>
    %reduce_sum3A = arith.constant dense<0.000000e+00> : vector<128xf32>
    %reduce_sum3A_4 = vector.multi_reduction <add>, %get3A_3, %reduce_sum3A [0] : vector<32x128xf32> to vector<128xf32>
    %broadcast_in_dim3A = vector.shape_cast %reduce_sum3A_4 : vector<128xf32> to vector<1x128xf32>
    %get3A_5 = arith.constant 0 : index
    %get3A_6 = arith.constant 1 : index
    %get3A_7 = arith.constant 0 : index
    %get3A_8 = vector.load %arg1[%get3A_5, %get3A_6, %get3A_7] : memref<32x2x128xf32, #tpu.memory_space<vmem>>, vector<32x1x128xf32>
    %get3A_9 = vector.shape_cast %get3A_8 : vector<32x1x128xf32> to vector<32x128xf32>
    %reduce_sum3A_10 = arith.constant dense<0.000000e+00> : vector<128xf32>
    %reduce_sum3A_11 = vector.multi_reduction <add>, %get3A_9, %reduce_sum3A_10 [0] : vector<32x128xf32> to vector<128xf32>
    %broadcast_in_dim3A_12 = vector.shape_cast %reduce_sum3A_11 : vector<128xf32> to vector<1x128xf32>
    %div3A = arith.constant 3.200000e+05 : f32
    %div3A_13 = vector.broadcast %div3A : f32 to vector<1x128xf32>
    %div3A_14 = arith.divf %broadcast_in_dim3A, %div3A_13 : vector<1x128xf32>
    %div3A_15 = arith.constant 3.200000e+05 : f32
    %div3A_16 = vector.broadcast %div3A_15 : f32 to vector<1x128xf32>
    %div3A_17 = arith.divf %broadcast_in_dim3A_12, %div3A_16 : vector<1x128xf32>
    %mul3A = arith.mulf %div3A_14, %div3A_14 : vector<1x128xf32>
    %sub3A = arith.subf %div3A_17, %mul3A : vector<1x128xf32>
    %get3A_18 = arith.constant 0 : index
    %get3A_19 = arith.constant 0 : index
    %get3A_20 = vector.load %arg2[%get3A_18, %get3A_19] : memref<1x128xf32, #tpu.memory_space<vmem>>, vector<1x128xf32>
    %add3A = arith.constant 9.99999974E-6 : f32
    %add3A_21 = vector.broadcast %add3A : f32 to vector<1x128xf32>
    %add3A_22 = arith.addf %sub3A, %add3A_21 : vector<1x128xf32>
    %rsqrt3A = math.rsqrt %add3A_22 : vector<1x128xf32>
    %mul3A_23 = arith.mulf %get3A_20, %rsqrt3A : vector<1x128xf32>
    %get3A_24 = arith.constant 0 : index
    %get3A_25 = arith.constant 0 : index
    %get3A_26 = vector.load %arg3[%get3A_24, %get3A_25] : memref<1x128xf32, #tpu.memory_space<vmem>>, vector<1x128xf32>
    %mul3A_27 = arith.mulf %div3A_14, %mul3A_23 : vector<1x128xf32>
    %sub3A_28 = arith.subf %get3A_26, %mul3A_27 : vector<1x128xf32>
    %get3A_29 = arith.constant 0 : index
    %get3A_30 = arith.constant 0 : index
    %get3A_31 = arith.constant 0 : index
    %get3A_32 = arith.constant 0 : index
    %get3A_33 = vector.load %arg4[%get3A_29, %get3A_30, %get3A_31, %get3A_32] : memref<2x16x128x128xf32, #tpu.memory_space<vmem>>, vector<1x16x128x128xf32>
    %get3A_34 = vector.shape_cast %get3A_33 : vector<1x16x128x128xf32> to vector<16x128x128xf32>
    %get3A_35 = arith.constant 1 : index
    %get3A_36 = arith.constant 0 : index
    %get3A_37 = arith.constant 0 : index
    %get3A_38 = arith.constant 0 : index
    %get3A_39 = vector.load %arg4[%get3A_35, %get3A_36, %get3A_37, %get3A_38] : memref<2x16x128x128xf32, #tpu.memory_space<vmem>>, vector<1x16x128x128xf32>
    %get3A_40 = vector.shape_cast %get3A_39 : vector<1x16x128x128xf32> to vector<16x128x128xf32>
    %add3A_41 = arith.addf %get3A_34, %get3A_40 : vector<16x128x128xf32>
    %get3A_42 = arith.constant 0 : index
    %get3A_43 = arith.constant 0 : index
    %get3A_44 = arith.constant 0 : index
    %get3A_45 = arith.constant 0 : index
    %get3A_46 = vector.load %arg5[%get3A_42, %get3A_43, %get3A_44, %get3A_45] : memref<2x16x128x128xf32, #tpu.memory_space<vmem>>, vector<1x16x128x128xf32>
    %get3A_47 = vector.shape_cast %get3A_46 : vector<1x16x128x128xf32> to vector<16x128x128xf32>
    %get3A_48 = arith.constant 1 : index
    %get3A_49 = arith.constant 0 : index
    %get3A_50 = arith.constant 0 : index
    %get3A_51 = arith.constant 0 : index
    %get3A_52 = vector.load %arg5[%get3A_48, %get3A_49, %get3A_50, %get3A_51] : memref<2x16x128x128xf32, #tpu.memory_space<vmem>>, vector<1x16x128x128xf32>
    %get3A_53 = vector.shape_cast %get3A_52 : vector<1x16x128x128xf32> to vector<16x128x128xf32>
    %add3A_54 = arith.addf %get3A_47, %get3A_53 : vector<16x128x128xf32>
    %broadcast_in_dim3A_55 = vector.shape_cast %mul3A_23 : vector<1x128xf32> to vector<1x1x128xf32>
    %mul3A_56 = vector.broadcast %broadcast_in_dim3A_55 : vector<1x1x128xf32> to vector<16x128x128xf32>
    %mul3A_57 = arith.mulf %add3A_41, %mul3A_56 : vector<16x128x128xf32>
    %broadcast_in_dim3A_58 = vector.shape_cast %sub3A_28 : vector<1x128xf32> to vector<1x1x128xf32>
    %mul3A_59 = vector.broadcast %broadcast_in_dim3A_58 : vector<1x1x128xf32> to vector<16x128x128xf32>
    %mul3A_60 = arith.mulf %add3A_54, %mul3A_59 : vector<16x128x128xf32>
    %add3A_61 = arith.addf %mul3A_57, %mul3A_60 : vector<16x128x128xf32>
    %get3A_62 = arith.constant 0 : index
    %get3A_63 = arith.constant 0 : index
    %get3A_64 = arith.constant 0 : index
    %get3A_65 = vector.load %arg6[%get3A_62, %get3A_63, %get3A_64] : memref<16x128x128xf32, #tpu.memory_space<vmem>>, vector<16x128x128xf32>
    %add3A_66 = arith.addf %add3A_61, %get3A_65 : vector<16x128x128xf32>
    %swap3A = arith.constant 0 : index
    %swap3A_67 = arith.constant 0 : index
    %swap3A_68 = arith.constant 0 : index
    %swap3A_69 = vector.load %arg7[%swap3A, %swap3A_67, %swap3A_68] : memref<16x128x128xf32, #tpu.memory_space<vmem>>, vector<16x128x128xf32>
    tpu.vector_store %arg7[%swap3A, %swap3A_67, %swap3A_68], %add3A_66 {strides = array<i32>} : memref<16x128x128xf32, #tpu.memory_space<vmem>>, vector<16x128x128xf32>,
    return
  }
  func.func @transform_0(%arg0: i32) -> (i32, i32, i32) {
    %c0_i32 = arith.constant 0 : i32
    %c0_i32_0 = arith.constant 0 : i32
    %c0_i32_1 = arith.constant 0 : i32
    %c0_i32_2 = arith.constant 0 : i32
    return %c0_i32, %c0_i32_0, %c0_i32_1 : i32, i32, i32
  }
  func.func @transform_1(%arg0: i32) -> (i32, i32) {
    %c0_i32 = arith.constant 0 : i32
    %c0_i32_0 = arith.constant 0 : i32
    %c0_i32_1 = arith.constant 0 : i32
    return %c0_i32, %c0_i32_0 : i32, i32
  }
  func.func @transform_2(%arg0: i32) -> (i32, i32) {
    %c0_i32 = arith.constant 0 : i32
    %c0_i32_0 = arith.constant 0 : i32
    %c0_i32_1 = arith.constant 0 : i32
    return %c0_i32, %c0_i32_0 : i32, i32
  }
  func.func @transform_3(%arg0: i32) -> (i32, i32, i32, i32) {
    %c0_i32 = arith.constant 0 : i32
    %c0_i32_0 = arith.constant 0 : i32
    %c0_i32_1 = arith.constant 0 : i32
    %c0_i32_2 = arith.constant 0 : i32
    return %c0_i32, %arg0, %c0_i32_0, %c0_i32_1 : i32, i32, i32, i32
  }
  func.func @transform_4(%arg0: i32) -> (i32, i32, i32, i32) {
    %c0_i32 = arith.constant 0 : i32
    %c0_i32_0 = arith.constant 0 : i32
    %c0_i32_1 = arith.constant 0 : i32
    %c0_i32_2 = arith.constant 0 : i32
    return %c0_i32, %arg0, %c0_i32_0, %c0_i32_1 : i32, i32, i32, i32
  }
  func.func @transform_5(%arg0: i32) -> (i32, i32, i32) {
    %c0_i32 = arith.constant 0 : i32
    %c0_i32_0 = arith.constant 0 : i32
    %c0_i32_1 = arith.constant 0 : i32
    return %arg0, %c0_i32, %c0_i32_0 : i32, i32, i32
  }
  func.func @transform_6(%arg0: i32) -> (i32, i32, i32) {
    %c0_i32 = arith.constant 0 : i32
    %c0_i32_0 = arith.constant 0 : i32
    %c0_i32_1 = arith.constant 0 : i32
    return %arg0, %c0_i32, %c0_i32_0 : i32, i32, i32
  }
}

</mosaic_0001>

<sc_bundles>
// kernel: kernel.11.cloned.1.call-start
scs
__scs_entry_jumppad:
0x0: {  	(pc) =	sbr.rel $0x88, $3  }
0x1: {  	(tag) =	ssettag $0x0;
	lr =	simm.s32 $0x1  }
0x2: {  	[smem:$0x3F92] =	sst lr;
	_ =	strace $0xD0000000  }
0x3: {  	_ = 	snop  }
0x4: {  	_ = 	snop  }
0x5: {  	_ = 	snop  }
0x6: {  	_ = 	snop  }
0x7: {  	_ = 	snop  }
__scs_overlays_trampoline_lowered:
0x8: {  	[smem:$0x3FA1] =	sst s0  }
0x9: {  	[smem:$0x3FA2] =	sst s1  }
0xa: {  	[smem:$0x3FA3] =	sst s2  }
0xb: {  	[smem:$0x3FA4] =	sst s3  }
0xc: {  	[smem:$0x3FA5] =	sst s4  }
0xd: {  	[smem:$0x3FA6] =	sst s5  }
0xe: {  	[smem:$0x3FA7] =	sst s6  }
0xf: {  	[smem:$0x3FA8] =	sst s7  }
0x10: {  	[smem:$0x3FA9] =	sst s8  }
0x11: {  	[smem:$0x3FAA] =	sst s9;
	s0 =	simm.s32 @!p0 $0x0  }
0x12: {  	s1 =	sld [smem:$0x3F90];
	s0 =	simm.s32 @p0 $0x1  }
0x13: {  	[smem:$0x3FAB] =	sst s0;
	s0 =	simm.s32 @!p1 $0x0  }
0x14: {  	s2 =	sld [smem:$0x3F8F];
	s0 =	simm.s32 @p1 $0x1  }
0x15: {  	[smem:$0x3FAC] =	sst s0;
	s0 =	simm.s32 @!p2 $0x0  }
0x16: {  	s3 =	sld [smem:$0x3FDB];
	s0 =	simm.s32 @p2 $0x1  }
0x17: {  	s4 =	simm.s32 $0x1BF5;
	[smem:$0x3FAE] =	sst s0  }
0x18: {  	s0 =	sld [smem:$0x3F91];
	_ =	swait.ge [sflag:s4], $0x0  }
0x19: {  	s7 =	sld [smem:$0x3F92]  }
0x1a: {  	s8 =	sadd.s32 $0xFFFFE003, lr  }
0x1b: {  	s9 =	sadd.s32 $0xFFFFFEF7, lr;
	s5 =	simm.s32 $0xFFFFFFFF;
	p2 =	slt.u32 s8, $0xFFFFF086  }
0x1c: {  	p1 =	slt.u32 s9, $0xF7A;
	s5 =	simm.s32 @!p2 $0x0  }
0x1d: {  	s5 =	simm.s32 @p1 $0x1;
	p0 =	seq.s32 s7, s2  }
0x1e: {  	s7 =	smul.u32 @!p0 $0xF7A, s2;
	p2 =	seq.s32 @!p0 s5, $0x0  }
0x1f: {  	s9 =	smul.u32 $0xF7A, s1;
	s8 =	simm.s32 @!p0 $0x1BF5;
	p2 =	por !p2, p0  }
0x20: {  	[sflag:s8] =	ssyncset.s32 @!p0 $0xFFFFF086;
	s6 =	sadd.s32 @!p0 s3, s7;
	s7 =	simm.s32 @!p0 $0x108  }
0x21: {  	s3 =	sadd.s32 s3, s9;
	s6 =	sadd.s32 @!p0 $0x88, s6;
	s7 =	simm.s32 @p2 $0x1082  }
0x22: {  	[simem:s7], [sflag:s8] =	dma.local @!p0 [hbm:s6], $0xF7A  }
0x23: {  	s9 =	sor.u32 $0xD0000000, s2;
	s6 =	simm.s32 $0x108;
	_ =	swait.ge @!p0 [sflag:s8], $0x0  }
0x24: {  	s3 =	sadd.s32 $0x88, s3;
	s6 =	simm.s32 @!p1 $0x1082;
	[sflag:s4] =	ssyncset.s32 $0xFFFFF086  }
0x25: {  	[simem:s6], [sflag:s4] =	dma.local [hbm:s3], $0xF7A  }
0x26: {  	[smem:$0x3F92] =	sst s1;
	(tag) =	ssettag s2;
	_ =	strace s9  }
0x27: {  	s1 =	sld [smem:$0x3FA2]  }
0x28: {  	s2 =	sld [smem:$0x3FA3]  }
0x29: {  	s4 =	sld [smem:$0x3FA5]  }
0x2a: {  	p0 =	seq.s32 s5, $0x0;
	s5 =	sld [smem:$0x3FA6]  }
0x2b: {  	s6 =	sld [smem:$0x3FA7]  }
0x2c: {  	s7 =	sld [smem:$0x3FA8]  }
0x2d: {  	s3 =	simm.s32 $0x108;
	s8 =	sld [smem:$0x3FA9]  }
0x2e: {  	s3 =	simm.s32 @!p0 $0x1082;
	s9 =	sld [smem:$0x3FAA]  }
0x2f: {  	lr =	sadd.s32 s0, s3;
	s0 =	sld [smem:$0x3FA1]  }
0x30: {  	s3 =	sld [smem:$0x3FA4]  }
0x31: {  	[smem:$0x3FAD] =	sst s10  }
0x32: {  	s10 =	sld [smem:$0x3FAB];
	_ =	sdelay $0x3  }
0x33: {  	p0 =	seq.s32 s10, $0x1;
	s10 =	sld [smem:$0x3FAD];
	_ =	sdelay $0x3  }
0x34: {  	[smem:$0x3FAD] =	sst s10  }
0x35: {  	s10 =	sld [smem:$0x3FAC];
	_ =	sdelay $0x3  }
0x36: {  	p1 =	seq.s32 s10, $0x1;
	s10 =	sld [smem:$0x3FAD];
	_ =	sdelay $0x3  }
0x37: {  	[smem:$0x3FAD] =	sst s10  }
0x38: {  	s10 =	sld [smem:$0x3FAE]  }
0x39: {  	_ = 	snop;
	(pc) =	sbr.ind lr, $3  }
0x3a: {  	_ = 	snop  }
0x3b: {  	_ = 	snop  }
0x3c: {  	p2 =	seq.s32 s10, $0x1;
	s10 =	sld [smem:$0x3FAD]  }
0x3d: {  	_ =	shalt  }
0x3e: {  	_ =	shalt  }
0x3f: {  	_ =	shalt  }
0x40: {  	_ =	shalt  }
0x41: {  	_ =	shalt  }
0x42: {  	_ =	shalt  }
0x43: {  	_ =	shalt  }
0x44: {  	_ =	shalt  }
0x45: {  	_ =	shalt  }
0x46: {  	_ =	shalt  }
0x47: {  	_ =	shalt  }
0x48: {  	_ =	shalt  }
0x49: {  	_ =	shalt  }
0x4a: {  	_ =	shalt  }
0x4b: {  	_ =	shalt  }
0x4c: {  	_ =	shalt  }
0x4d: {  	_ =	shalt  }
0x4e: {  	_ =	shalt  }
0x4f: {  	_ =	shalt  }
0x50: {  	_ =	shalt  }
0x51: {  	_ =	shalt  }
0x52: {  	_ =	shalt  }
0x53: {  	_ =	shalt  }
0x54: {  	_ =	shalt  }
0x55: {  	_ =	shalt  }
0x56: {  	_ =	shalt  }
0x57: {  	_ =	shalt  }
0x58: {  	_ =	shalt  }
0x59: {  	_ =	shalt  }
0x5a: {  	_ =	shalt  }
0x5b: {  	_ =	shalt  }
0x5c: {  	_ =	shalt  }
0x5d: {  	_ =	shalt  }
0x5e: {  	_ =	shalt  }
0x5f: {  	_ =	shalt  }
0x60: {  	_ =	shalt  }
0x61: {  	_ =	shalt  }
0x62: {  	_ =	shalt  }
0x63: {  	_ =	shalt  }
0x64: {  	_ =	shalt  }
0x65: {  	_ =	shalt  }
0x66: {  	_ =	shalt  }
0x67: {  	_ =	shalt  }
0x68: {  	_ =	shalt  }
0x69: {  	_ =	shalt  }
0x6a: {  	_ =	shalt  }
0x6b: {  	_ =	shalt  }
0x6c: {  	_ =	shalt  }
0x6d: {  	_ =	shalt  }
0x6e: {  	_ =	shalt  }
0x6f: {  	_ =	shalt  }
0x70: {  	_ =	shalt  }
0x71: {  	_ =	shalt  }
0x72: {  	_ =	shalt  }
0x73: {  	_ =	shalt  }
0x74: {  	_ =	shalt  }
0x75: {  	_ =	shalt  }
0x76: {  	_ =	shalt  }
0x77: {  	_ =	shalt  }
0x78: {  	_ =	shalt  }
0x79: {  	_ =	shalt  }
0x7a: {  	_ =	shalt  }
0x7b: {  	_ =	shalt  }
0x7c: {  	_ =	shalt  }
0x7d: {  	_ =	shalt  }
0x7e: {  	_ =	shalt  }
0x7f: {  	_ =	shalt  }
0x80: {  	_ =	shalt  }
0x81: {  	_ =	shalt  }
0x82: {  	_ =	shalt  }
0x83: {  	_ =	shalt  }
0x84: {  	_ =	shalt  }
0x85: {  	_ =	shalt  }
0x86: {  	_ =	shalt  }
0x87: {  	_ =	shalt  }
.Lfunc_end0:
.L_simem_size_0:
called_computation.1_lowered:
.L_overlay_start_0:
0x88: {  	s2 =	sld [smem:$0x3FD9]  }
0x89: {  	s3 =	sld [smem:$0x3FFE];
	_ =	sdelay $0x1  }
0x8a: {  	s1 =	srdreg.scid  }
0x8b: {  	s0 =	sand.u32 $0x1, s1  }
0x8c: {  	s17 =	sshll.u32 s0, $0xA;
	s2 =	sadd.s32 s3, s2  }
0x8d: {  	s2 =	sadd.s32 s2, s17  }
0x8e: {  	[smem:$0x3FB9] =	sst s2  }
0x8f: {  	_ = 	snop  }
0x90: {  	s2 =	sld [smem:$0x3FD0];
	(tm) =	ssettm $0x1  }
0x91: {  	s18 =	sld [smem:$0x3FFB];
	_ =	sdelay $0x3  }
0x92: {  	_ =	strace s18  }
0x93: {  	s3 =	sld [smem:$0x3FFC];
	_ =	sdelay $0x3  }
0x94: {  	_ =	strace s3  }
0x95: {  	s3 =	sld [smem:$0x3FFD];
	_ =	sdelay $0x3  }
0x96: {  	_ =	strace s3  }
0x97: {  	_ =	strace $0x8FFFFFFF  }
0x98: {  	s19 =	sld [smem:$0x3FDB];
	_ =	sdelay $0x1  }
0x99: {  	s4 =	simm.s32 $_scs_section_size  }
0x9a: {  	s5 =	simm.s32 $_size__tile_overlayer_lowered;
	s6 =	simm.s32 $_tile_overlayer_lowered  }
0x9b: {  	s22 =	simm.s32 $0x1BFF;
	s21 =	sshll.u32 s6, $0x1;
	s3 =	sadd.s32 s4, s19  }
0x9c: {  	s7 =	simm.s32 $0x0;
	s20 =	sshll.u32 s5, $0x1;
	s5 =	sadd.s32 s21, s3  }
0x9d: {  	[timem:s7], [sflag:s22] =	dma.local [hbm:s5], s20  }
0x9e: {  	_ =	swait.ge [sflag:s22], s20  }
0x9f: {  	s4 =	ssub.s32 $0x0, s20;
	[sflag:s22] =	ssyncset.done $0x0  }
0xa0: {  	[sflag:s22] =	ssyncadd.s32 s4;
	_ =	sdelay $0x1  }
0xa1: {  	s23 =	simm.s32 $0x1B8B  }
0xa2: {  	_ =	swait.ge [sflag:s23], $0x1  }
0xa3: {  	[sflag:s23] =	ssyncset.done $0x0  }
0xa4: {  	s25 =	simm.s32 $0x1B8E;
	s24 =	sld [smem:$0x3FFE];
	[sflag:s23] =	ssyncadd.s32 $0xFFFFFFFF  }
0xa5: {  	s26 =	simm.s32 $execute0_lowered;
	[smem:$0x3FD2] =	sst s25  }
0xa6: {  	s5 =	sshll.u32 s26, $0x1;
	_ =	strace $0x80000046;
	[dreg:$0x1] =	wrdreg $0xFFFFFFFF  }
0xa7: {  	s28 =	simm.s32 $_size_execute0_lowered;
	s3 =	sadd.s32 s3, s5;
	[dreg:$0x0] =	wrdreg $0x0  }
0xa8: {  	s5 =	sshll.u32 s28, $0x1;
	[dreg:$0x2] =	wrdreg s3  }
0xa9: {  	[dreg:$0x3] =	wrdreg s5  }
0xaa: {  	[dreg:$0x4] =	wrdreg $0xC0  }
0xab: {  	_ =	task [dreg:s7], $0x5FFFF  }
0xac: {  	[dreg:$0x1] =	wrdreg $0xFFFFFFFF  }
0xad: {  	[dreg:$0x0] =	wrdreg $0x60  }
0xae: {  	[dreg:$0x2] =	wrdreg s24  }
0xaf: {  	[dreg:$0x3] =	wrdreg s2  }
0xb0: {  	[dreg:$0x4] =	wrdreg $0xA4000  }
0xb1: {  	[dreg:$0x5] =	wrdreg $0xA  }
0xb2: {  	_ =	task.clear_ibuf [dreg:s7], $0x6FFFF;
	_ =	strace $0x90000046  }
0xb3: {  	s29 =	simm.s32 $0xA;
	_ =	strace $0x80000048  }
0xb4: {  	_ =	swait.ge [sflag:s29], $0x1  }
0xb5: {  	[sflag:s29] =	ssyncadd.s32 $0xFFFFFFFF  }
0xb6: {  	_ =	strace $0x90000048  }
0xb7: {  	_ =	sfence  }
0xb8: {  	s30 =	sld [smem:$0x0];
	_ =	sdelay $0x2  }
0xb9: {  	s31 =	sshll.u32 s1, $0xD;
	s1 =	sshrl.u32 s1, $0x2  }
0xba: {  	s3 =	sand.u32 $0x4000, s31;
	s1 =	sadd.s32 s1, s30  }
0xbb: {  	s0 =	sor.u32 s3, s0;
	s1 =	sshll.u32 s1, $0x11  }
0xbc: {  	s0 =	sor.u32 s1, s0  }
0xbd: {  	s0 =	sadd.s32 $0x8F2B, s0  }
0xbe: {  	[sflag:s0] =	ssyncadd.remote.s32 $0x1  }
0xbf: {  	_ =	sfence.sel $0xFFFF  }
0xc0: {  	[dreg:$0x0] =	wrdreg $0xFFFFFFFF;
	(pc) =	sbr.abs _section_cstart, $3  }
0xc1: {  	[dreg:$0x1] =	wrdreg $0xFFFFFFFF  }
0xc2: {  	_ =	task.clear_ibuf [dreg:s7], $0x2FFFF;
	_ =	strace $0x9FFFFFFF  }
0xc3: {  	(tm) =	ssettm $0x7FFFFFFF  }
tec
execute0_lowered:
.L_overlay_start_1:
0x0: {  	(tag) =	ssettag $0x1  }
0x1: {  	s0 =	rddreg [dreg:$0x0]  }
0x2: {  	s1 =	rddreg [dreg:$0x1]  }
0x3: {  	s3 =	rddreg [dreg:$0x2];
	s4 =	simm.s32 $0x0  }
0x4: {  	s16 =	stileid.u32;
	s2 =	srdreg.scid;
	s29 =	simm.s32 $0x28  }
0x5: {  	s30 =	simm.s32 $0x4;
	s17 =	simm.s32 $0x6;
	s19 =	simm.s32 $0x8F00  }
0x6: {  	[smem:$0x7FF] =	sst s4;
	s9 =	smul.u32 $0x14000, s16;
	s2 =	sand.u32 $0x1, s2  }
0x7: {  	s5 =	sadd.s32 $0x2B400, s0;
	s6 =	sadd.s32 $0x3400, s0;
	s7 =	sadd.s32 $0x4F0200, s0  }
0x8: {  	s8 =	sadd.s32 $0x4E6400, s0;
	s20 =	sshll.u32 s16, $0x1;
	s14 =	smul.u32 $0x50000, s16  }
0x9: {  	s22 =	sshll.u32 s16, $0x6;
	s16 =	simm.s32 $0x2;
	s10 =	smul.u32 $0x140000, s2  }
0xa: {  	_ =	strace $0x80000047;
	s11 =	sshrl.u32 s9, $0x3;
	s21 =	sshrl.u32 s14, $0x2  }
0xb: {  	s11 =	sadd.s32 s11, s0;
	s9 =	sadd.s32 s9, s10;
	s10 =	sor.u32 s2, s20  }
0xc: {  	s2 =	ssub.s32 $0x2, s2;
	s14 =	sadd.s32 s21, s3;
	s20 =	sor.u32 $0x1C09, s22  }
0xd: {  	s22 =	simm.s32 $0x9;
	s21 =	simm.s32 $0x8;
	s9 =	sshrl.u32 s9, $0x3  }
0xe: {  	s12 =	sshll.u32 s10, $0x5;
	s13 =	sshrl.u32 s2, $0x1;
	s11 =	sadd.s32 $0x7B400, s11  }
0xf: {  	[dreg:$0x5] =	wrdreg s20;
	s15 =	sadd.s32 s9, s0;
	s0 =	sadd.s32 s12, s0  }
0x10: {  	s2 =	ssub.s32 s2, s13;
	s9 =	smul.u32 $0x2710, s10;
	[dreg:$0x4] =	wrdreg s11  }
0x11: {  	s10 =	smul.u32 $0x27100, s10;
	s13 =	simm.s32 $0x5;
	s0 =	sadd.s32 $0xF3400, s0  }
0x12: {  	s28 =	sadd.s32 $0xA3400, s15;
	s31 =	smax.u32 s2, $0x1;
	s2 =	simm.s32 $0x200  }
0x13: {  	s15 =	simm.s32 $0x280;
	s23 =	sshrl.u32 s9, $0x3;
	[dreg:$0xb] =	wrdreg s0  }
0x14: {  	s12 =	sadd.s32 $0x28, s9;
	s10 =	sadd.s32 s7, s10;
	[dreg:$0xc] =	wrdreg s28  }
0x15: {  	s18 =	sadd.s32 $0x78, s9;
	[dreg:$0xd] =	wrdreg s31;
	s24 =	sadd.s32 s8, s23  }
0x16: {  	s11 =	sadd.s32 s1, s23;
	s25 =	sshrl.u32 s12, $0x3;
	[dreg:$0xa] =	wrdreg s10  }
.Ltmp0:
0x17: {  	s10 =	simm.s32 $0x6700;
	[dreg:$0x6] =	wrdreg s24;
	(pc) =	sbr.rel .LBB2_1-.Ltmp0, $4  }
0x18: {  	s23 =	simm.s32 $0x0;
	[dreg:$0x7] =	wrdreg s11;
	s26 =	sadd.s32 s8, s25  }
0x19: {  	s11 =	sadd.s32 s1, s25;
	s25 =	simm.s32 $0x80;
	[dreg:$0x8] =	wrdreg s26  }
0x1a: {  	s24 =	simm.s32 $0x1;
	[dreg:$0x9] =	wrdreg s11;
	s11 =	sshrl.u32 s14, $0x3  }
0x1b: {  	v0 =	vimm.f32 $0.0e+00;
	s26 =	simm.s32 $0x180;
	s14 =	simm.s32 $0x7B00;
	[dreg:$0xe] =	wrdreg s11  }
.LBB2_8:
0x1c: {  	s0 =	simm.s32 $0x7  }
0x1d: {  	_ =	swait.ge [sflag:s0], $0x1400  }
0x1e: {  	[sflag:s0] =	ssyncset.done $0x0  }
0x1f: {  	[sflag:s0] =	ssyncadd.s32 $0xFFFFEC00  }
0x20: {  	_ =	swait.ge [sflag:s21], $0x1400  }
0x21: {  	s11 =	simm.s32 $0xA300;
	[sflag:s21] =	ssyncset.done $0x0  }
0x22: {  	s22 =	simm.s32 $0x9;
	s23 =	rddreg [dreg:$0xb];
	[sflag:s21] =	ssyncadd.s32 $0xFFFFEC00  }
0x23: {  	[hbm4b:s23+s4] =	stream.linear.scatter [tilespmem:s11], [sflag:$0x9], $0x100, $0x38;
	[tilespmem:$0x1E400] =	vst v63  }
0x24: {  	_ =	swait.ge [sflag:s22], $0x100  }
0x25: {  	[sflag:s22] =	ssyncset.done $0x0  }
0x26: {  	[sflag:s22] =	ssyncadd.s32 $0xFFFFFF00  }
0x27: {  	[bflag:$0x0] =	sbarrier.arrive $0xFFFF  }
0x28: {  	s20 =	rddreg [dreg:$0x5]  }
0x29: {  	s28 =	rddreg [dreg:$0xc]  }
0x2a: {  	s11 =	rddreg [dreg:$0xe]  }
0x2b: {  	[hbm:s28], [sflag:s20] =	dma.local [spmem:s11], $0x2800  }
0x2c: {  	_ =	swait.ge [sflag:s22], $0x2800  }
0x2d: {  	s23 =	rddreg [dreg:$0xf]  }
0x2e: {  	s31 =	rddreg [dreg:$0xd];
	s23 =	sadd.s32 $0x1, s23  }
0x2f: {  	p0 =	sne.s32 s23, s31  }
.Ltmp1:
0x30: {  	_ = 	snop;
	(pc) =	sbr.rel @!p0 .LBB2_9-.Ltmp1, $3  }
0x31: {  	_ =	sdelay $0x1  }
0x32: {  	[sflag:s22] =	ssyncset.done $0x0  }
0x33: {  	[sflag:s22] =	ssyncadd.s32 $0xFFFFD800  }
.LBB2_1:
0x34: {  	[dreg:$0xf] =	wrdreg s23  }
0x35: {  	s0 =	rddreg [dreg:$0x4]  }
0x36: {  	[spmem:s11], [sflag:s20] =	dma.local [hbm:s0], $0x2800  }
0x37: {  	_ =	swait.ge [sflag:s22], $0x2800  }
0x38: {  	[sflag:s22] =	ssyncset.done $0x0  }
0x39: {  	[sflag:s22] =	ssyncadd.s32 $0xFFFFD800  }
0x3a: {  	[tilespmem:$0xA300] =	vst v0  }
0x3b: {  	[tilespmem:$0xA380] =	vst v0  }
0x3c: {  	[tilespmem:$0xA310] =	vst v0  }
0x3d: {  	[tilespmem:$0xA390] =	vst v0  }
0x3e: {  	[tilespmem:$0xA320] =	vst v0  }
0x3f: {  	[tilespmem:$0xA3A0] =	vst v0  }
0x40: {  	[tilespmem:$0xA330] =	vst v0  }
0x41: {  	[tilespmem:$0xA3B0] =	vst v0  }
0x42: {  	[tilespmem:$0xA340] =	vst v0  }
0x43: {  	[tilespmem:$0xA3C0] =	vst v0  }
0x44: {  	[tilespmem:$0xA350] =	vst v0  }
0x45: {  	[tilespmem:$0xA3D0] =	vst v0  }
0x46: {  	[tilespmem:$0xA360] =	vst v0  }
0x47: {  	[tilespmem:$0xA3E0] =	vst v0  }
0x48: {  	[tilespmem:$0xA370] =	vst v0  }
0x49: {  	[tilespmem:$0xA3F0] =	vst v0  }
0x4a: {  	[bflag:$0x0] =	sbarrier.arrive $0xFFFF  }
0x4b: {  	s22 =	rddreg [dreg:$0x6]  }
0x4c: {  	[tilespmem:s4], [sflag:$0x3] =	stream.linear.gather [hbm4b:s22+s4], $0x28, $0x38;
	[tilespmem:$0x1E400] =	vst v63  }
0x4d: {  	s11 =	simm.s32 $0x100;
	s23 =	rddreg [dreg:$0x7]  }
0x4e: {  	[tilespmem:s11], [sflag:$0x3] =	stream.linear.gather [hbm4b:s23+s4], $0x28, $0x38;
	[tilespmem:$0x1E400] =	vst v63  }
0x4f: {  	s28 =	rddreg [dreg:$0x8]  }
0x50: {  	[tilespmem:s25], [sflag:$0x4] =	stream.linear.gather [hbm4b:s28+s4], $0x28, $0x38;
	[tilespmem:$0x1E400] =	vst v63  }
0x51: {  	s20 =	simm.s32 $0x3;
	s31 =	rddreg [dreg:$0x9]  }
0x52: {  	[tilespmem:s26], [sflag:$0x4] =	stream.linear.gather [hbm4b:s31+s4], $0x28, $0x38;
	[tilespmem:$0x1E400] =	vst v63  }
0x53: {  	_ =	swait.ge [sflag:s20], $0x28  }
0x54: {  	[sflag:s20] =	ssyncset.done $0x0  }
0x55: {  	[sflag:s20] =	ssyncadd.s32 $0xFFFFFFD8  }
0x56: {  	_ =	swait.ge [sflag:s20], $0x28  }
0x57: {  	[sflag:s20] =	ssyncset.done $0x0  }
0x58: {  	s22 =	simm.s32 $0x300;
	[sflag:s20] =	ssyncadd.s32 $0xFFFFFFD8  }
0x59: {  	[tilespmem:s22], [sflag:$0x1] =	stream.indirect.gather [hbm4b:s5+s29], $0x80, s4, s29, $0xb8;
	[tilespmem:$0x1E400] =	vst v63  }
0x5a: {  	s23 =	simm.s32 $0x2B00  }
0x5b: {  	[tilespmem:s23], [sflag:$0x1] =	stream.indirect.gather [hbm4b:s6+s29], $0x80, s11, s29, $0xb8;
	[tilespmem:$0x1E400] =	vst v63  }
0x5c: {  	s31 =	simm.s32 $0x5300;
	s28 =	rddreg [dreg:$0xa];
	s11 =	simm.s32 $0x0  }
0x5d: {  	[tilespmem:s31], [sflag:$0x1] =	stream.linear.gather [hbm4b:s28+s4], $0x1400, $0x38;
	[tilespmem:$0x1E400] =	vst v63  }
.LBB2_2:
0x5e: {  	s23 =	sshll.u32 s11, $0x1  }
0x5f: {  	s0 =	sadd.s32 $0xFFFFFFFE, s23  }
0x60: {  	s22 =	smul.u32 $0x50, s11;
	p0 =	sgt.u32 s0, $0xF7  }
0x61: {  	s0 =	simm.s32 @!p0 $0x7  }
0x62: {  	s20 =	sadd.s32 s9, s22;
	_ =	swait.ge @!p0 [sflag:s0], $0x1400  }
0x63: {  	s20 =	sshrl.u32 s20, $0x3;
	[sflag:s0] =	ssyncset.done @!p0 $0x0  }
0x64: {  	[sflag:s0] =	ssyncadd.s32 @!p0 $0xFFFFEC00;
	s0 =	sadd.s32 s1, s20;
	s20 =	simm.s32 $0x0  }
0x65: {  	[tilespmem:s2], [sflag:$0x5] =	stream.linear.gather [hbm4b:s0+s20], $0x28, $0x38;
	[tilespmem:$0x1E400] =	vst v63  }
0x66: {  	_ =	swait.ge [sflag:s30], $0x28  }
0x67: {  	[sflag:s30] =	ssyncset.done $0x0  }
0x68: {  	[sflag:s30] =	ssyncadd.s32 $0xFFFFFFD8  }
0x69: {  	_ =	swait.ge [sflag:s30], $0x28  }
0x6a: {  	[sflag:s30] =	ssyncset.done $0x0  }
0x6b: {  	s0 =	simm.s32 $0x1700;
	[sflag:s30] =	ssyncadd.s32 $0xFFFFFFD8  }
0x6c: {  	[tilespmem:s0], [sflag:$0x2] =	stream.indirect.gather [hbm4b:s5+s29], $0x80, s25, s29, $0xb8;
	[tilespmem:$0x1E400] =	vst v63  }
0x6d: {  	s28 =	sadd.s32 s22, s12;
	s0 =	simm.s32 $0x3F00  }
0x6e: {  	[tilespmem:s0], [sflag:$0x2] =	stream.indirect.gather [hbm4b:s6+s29], $0x80, s26, s29, $0xb8;
	[tilespmem:$0x1E400] =	vst v63  }
0x6f: {  	s0 =	sshll.u32 s28, $0x4  }
0x70: {  	s0 =	sadd.s32 s7, s0  }
0x71: {  	[tilespmem:s10], [sflag:$0x2] =	stream.linear.gather [hbm4b:s0+s20], $0x1400, $0x38;
	[tilespmem:$0x1E400] =	vst v63  }
0x72: {  	_ =	swait.ge [sflag:s24], $0x1400  }
0x73: {  	[sflag:s24] =	ssyncset.done $0x0  }
0x74: {  	[sflag:s24] =	ssyncadd.s32 $0xFFFFEC00  }
0x75: {  	_ =	swait.ge [sflag:s24], $0x1400  }
0x76: {  	[sflag:s24] =	ssyncset.done $0x0  }
0x77: {  	[sflag:s24] =	ssyncadd.s32 $0xFFFFEC00  }
0x78: {  	_ =	swait.ge [sflag:s24], $0x1400  }
0x79: {  	[sflag:s24] =	ssyncset.done $0x0  }
0x7a: {  	s31 =	simm.s32 $0x0;
	[sflag:s24] =	ssyncadd.s32 $0xFFFFEC00  }
0x7b: {  	v1 =	vld [tilespmem:s31+$0x5330]  }
0x7c: {  	v2 =	vld [tilespmem:s31+$0x2B50]  }
0x7d: {  	v3 =	vld [tilespmem:s31+$0x5320]  }
0x7e: {  	v4 =	vld [tilespmem:s31+$0x2B60]  }
0x7f: {  	v5 =	vld [tilespmem:s31+$0x2B40]  }
0x80: {  	v6 =	vld [tilespmem:s31+$0x2B00]  }
0x81: {  	v7 =	vld [tilespmem:s31+$0x2B70]  }
0x82: {  	v8 =	vld [tilespmem:s31+$0x360]  }
0x83: {  	v10 =	vld [tilespmem:s31+$0x2B10]  }
0x84: {  	v9 =	vld [tilespmem:s31+$0x350]  }
0x85: {  	v11 =	vld [tilespmem:s31+$0x2B30]  }
0x86: {  	v13 =	vld [tilespmem:s31+$0x2B20]  }
0x87: {  	v14 =	vld [tilespmem:s31+$0x340]  }
0x88: {  	v16 =	vld [tilespmem:s31+$0x310];
	v4 =	vadd.f32 v4, v8  }
0x89: {  	v8 =	vld [tilespmem:s31+$0x370];
	v12 =	vand.u32 $0xFFFF0000, v1;
	v2 =	vadd.f32 v2, v9  }
0x8a: {  	v15 =	vld [tilespmem:s31+$0x300];
	v9 =	vshll.u32 v3, $0x10;
	v4 =	vadd.f32 v12, v4  }
0x8b: {  	v17 =	vld [tilespmem:s31+$0x320];
	v2 =	vadd.f32 v9, v2  }
0x8c: {  	v18 =	vld [tilespmem:s31+$0x5310];
	v4 =	vmax.f32 v4, $0.0e+00  }
0x8d: {  	s20 =	simm.s32 $0x80;
	v23 =	vld [tilespmem:s31+$0x5300];
	v20 =	vmax.f32 v2, $0.0e+00;
	[tilespmem:s31+$0x7B60] =	vst v4  }
0x8e: {  	v2 =	vadd.f32 v7, v8;
	v21 =	vld [tilespmem:s20+$0x5330];
	[tilespmem:s31+$0x7B50] =	vst v20  }
0x8f: {  	v1 =	vshll.u32 v1, $0x10;
	v5 =	vadd.f32 v5, v14;
	v26 =	vld [tilespmem:s20+$0x2B50]  }
0x90: {  	v6 =	vadd.f32 v6, v15;
	v28 =	vld [tilespmem:s20+$0x5320];
	v1 =	vadd.f32 v1, v2;
	v2 =	vand.u32 $0xFFFF0000, v3  }
0x91: {  	v10 =	vadd.f32 v10, v16;
	v9 =	vimm.f32 $0.0e+00;
	v24 =	vld [tilespmem:s20+$0x2B60];
	v2 =	vadd.f32 v2, v5  }
0x92: {  	v8 =	vand.u32 $0xFFFF0000, v18;
	v29 =	vld [tilespmem:s20+$0x2B40];
	v5 =	vmax.f32 v1, $0.0e+00;
	v1 =	vadd.f32 v13, v17  }
0x93: {  	v3 =	vld [tilespmem:s31+$0x330];
	v17 =	vand.u32 $0xFFFF0000, v23;
	v7 =	vmax.f32 v2, $0.0e+00;
	v2 =	vmul.f32 v4, v4  }
0x94: {  	v14 =	vmul.f32 v20, v20;
	v12 =	vld [tilespmem:s20+$0x2B00];
	v6 =	vadd.f32 v17, v6;
	v8 =	vadd.f32 v8, v1  }
0x95: {  	v30 =	vld [tilespmem:s20+$0x2B70];
	[tilespmem:s31+$0x7B70] =	vst v5;
	v25 =	vshll.u32 v21, $0x10;
	v1 =	vadd.f32 v2, v9;
	v2 =	vadd.f32 v4, v9  }
0x96: {  	v13 =	vld [tilespmem:s20+$0x360];
	[tilespmem:s31+$0x7B40] =	vst v7;
	v4 =	vadd.f32 v14, v9;
	v14 =	vmul.f32 v7, v7;
	v16 =	vmax.f32 v6, $0.0e+00  }
0x97: {  	v15 =	vld [tilespmem:s20+$0x2B10];
	v6 =	vadd.f32 v20, v9;
	v20 =	vand.u32 $0xFFFF0000, v21;
	v17 =	vmax.f32 v8, $0.0e+00  }
0x98: {  	v31 =	vld [tilespmem:s20+$0x350];
	v8 =	vadd.f32 v11, v3;
	v11 =	vshll.u32 v18, $0x10;
	v18 =	vshll.u32 v23, $0x10  }
0x99: {  	v19 =	vld [tilespmem:s20+$0x2B30];
	v3 =	vadd.f32 v5, v9;
	v5 =	vmul.f32 v5, v5;
	[tilespmem:s31+$0x7B20] =	vst v17;
	v10 =	vadd.f32 v18, v10  }
0x9a: {  	v23 =	vshll.u32 v28, $0x10;
	v22 =	vld [tilespmem:s20+$0x2B20];
	v11 =	vadd.f32 v11, v8;
	[tilespmem:s31+$0x7B00] =	vst v16;
	v8 =	vadd.f32 v7, v9  }
0x9b: {  	v28 =	vand.u32 $0xFFFF0000, v28;
	v7 =	vadd.f32 v14, v9;
	v5 =	vadd.f32 v5, v9;
	v33 =	vld [tilespmem:s20+$0x370]  }
0x9c: {  	v18 =	vld [tilespmem:s20+$0x340];
	v27 =	vadd.f32 v24, v13;
	v32 =	vmax.f32 v10, $0.0e+00;
	v14 =	vmax.f32 v11, $0.0e+00  }
0x9d: {  	v13 =	vadd.f32 v16, v9;
	v11 =	vmul.f32 v17, v17;
	v34 =	vadd.f32 v26, v31;
	[tilespmem:s31+$0x7B30] =	vst v14  }
0x9e: {  	v21 =	vadd.f32 v20, v27;
	v20 =	vmul.f32 v32, v32;
	v10 =	vadd.f32 v14, v9;
	v24 =	vld [tilespmem:s20+$0x310];
	[tilespmem:s31+$0x7B10] =	vst v32  }
0x9f: {  	v26 =	vmul.f32 v14, v14;
	v14 =	vadd.f32 v32, v9;
	v11 =	vadd.f32 v11, v9;
	v27 =	vld [tilespmem:s20+$0x330]  }
0xa0: {  	v35 =	vadd.f32 v23, v34;
	v31 =	vld [tilespmem:s20+$0x300];
	v21 =	vmax.f32 v21, $0.0e+00;
	v34 =	vadd.f32 v30, v33  }
0xa1: {  	v32 =	vld [tilespmem:s20+$0x320];
	v23 =	vmul.f32 v21, v21;
	v33 =	vadd.f32 v29, v18;
	v30 =	vmul.f32 v16, v16  }
0xa2: {  	s31 =	simm.s32 $0x400;
	[tilespmem:s20+$0x7B60] =	vst v21;
	v29 =	vld [tilespmem:s20+$0x5310];
	v16 =	vadd.f32 v17, v9;
	v18 =	vimm.f32 $0.0e+00;
	v17 =	vimm.f32 $0.0e+00  }
.LBB2_3:
0xa3: {  	s0 =	sshra.s32 s31, $0x2;
	p0 =	sne.s32 s31, $0x4E00;
	s31 =	sadd.s32 $0x200, s31;
	v36 =	vld [tilespmem:s20+$0x5300];
	v35 =	vmax.f32 v35, $0.0e+00;
	v1 =	vadd.f32 v23, v1;
	v9 =	vadd.f32 v26, v9  }
0xa4: {  	v2 =	vadd.f32 v21, v2;
	v23 =	vld [tilespmem:s0+$0x5330];
	[tilespmem:s20+$0x7B50] =	vst v35;
	v26 =	vmul.f32 v35, v35;
	v18 =	vadd.f32 v30, v18  }
0xa5: {  	v25 =	vadd.f32 v25, v34;
	v21 =	vld [tilespmem:s0+$0x2B50];
	v30 =	vadd.f32 v12, v31  }
0xa6: {  	v34 =	vld [tilespmem:s0+$0x5320];
	v22 =	vadd.f32 v22, v32;
	v4 =	vadd.f32 v26, v4  }
0xa7: {  	v19 =	vadd.f32 v19, v27;
	v27 =	vadd.f32 v28, v33;
	v26 =	vld [tilespmem:s0+$0x2B60]  }
0xa8: {  	v24 =	vadd.f32 v15, v24;
	v15 =	vand.u32 $0xFFFF0000, v29;
	v33 =	vld [tilespmem:s0+$0x2B40];
	v28 =	vand.u32 $0xFFFF0000, v36  }
0xa9: {  	v25 =	vmax.f32 v25, $0.0e+00;
	v29 =	vshll.u32 v29, $0x10;
	v22 =	vadd.f32 v15, v22;
	v12 =	vld [tilespmem:s0+$0x2B00]  }
0xaa: {  	v27 =	vmax.f32 v27, $0.0e+00;
	v3 =	vadd.f32 v25, v3;
	v31 =	vshll.u32 v36, $0x10;
	v37 =	vld [tilespmem:s0+$0x2B70];
	[tilespmem:s20+$0x7B70] =	vst v25  }
0xab: {  	v17 =	vadd.f32 v20, v17;
	v6 =	vadd.f32 v35, v6;
	v36 =	vmul.f32 v27, v27;
	v32 =	vld [tilespmem:s0+$0x360];
	[tilespmem:s20+$0x7B40] =	vst v27  }
0xac: {  	v8 =	vadd.f32 v27, v8;
	v20 =	vadd.f32 v28, v30;
	v15 =	vld [tilespmem:s0+$0x2B10]  }
0xad: {  	v38 =	vmax.f32 v22, $0.0e+00;
	v7 =	vadd.f32 v36, v7;
	v27 =	vadd.f32 v29, v19;
	v28 =	vld [tilespmem:s0+$0x350]  }
0xae: {  	v29 =	vshll.u32 v34, $0x10;
	v30 =	vmax.f32 v20, $0.0e+00;
	v35 =	vmul.f32 v38, v38;
	v19 =	vld [tilespmem:s0+$0x2B30];
	[tilespmem:s20+$0x7B20] =	vst v38  }
0xaf: {  	v24 =	vadd.f32 v31, v24;
	v31 =	vmul.f32 v25, v25;
	v20 =	vand.u32 $0xFFFF0000, v23;
	v22 =	vld [tilespmem:s0+$0x2B20];
	[tilespmem:s20+$0x7B00] =	vst v30  }
0xb0: {  	v25 =	vshll.u32 v23, $0x10;
	v23 =	vadd.f32 v26, v32;
	v36 =	vld [tilespmem:s0+$0x370];
	v26 =	vmax.f32 v27, $0.0e+00  }
0xb1: {  	v5 =	vadd.f32 v31, v5;
	v13 =	vadd.f32 v30, v13;
	v32 =	vmax.f32 v24, $0.0e+00;
	v39 =	vld [tilespmem:s0+$0x340];
	[tilespmem:s20+$0x7B30] =	vst v26  }
.Ltmp2:
0xb2: {  	v11 =	vadd.f32 v35, v11;
	v24 =	vld [tilespmem:s0+$0x310];
	v23 =	vadd.f32 v20, v23;
	[tilespmem:s20+$0x7B10] =	vst v32;
	v20 =	vmul.f32 v32, v32;
	s20 =	smov.u32 s0;
	(pc) =	sbr.rel @p0 .LBB2_3-.Ltmp2, $4  }
0xb3: {  	v10 =	vadd.f32 v26, v10;
	v26 =	vmul.f32 v26, v26;
	v35 =	vadd.f32 v21, v28;
	v27 =	vld [tilespmem:s20+$0x330]  }
0xb4: {  	v14 =	vadd.f32 v32, v14;
	v28 =	vand.u32 $0xFFFF0000, v34;
	v31 =	vld [tilespmem:s20+$0x300];
	v21 =	vmax.f32 v23, $0.0e+00  }
0xb5: {  	v35 =	vadd.f32 v29, v35;
	v32 =	vld [tilespmem:s20+$0x320];
	v34 =	vadd.f32 v37, v36;
	[tilespmem:s20+$0x7B60] =	vst v21;
	v23 =	vmul.f32 v21, v21  }
0xb6: {  	v16 =	vadd.f32 v38, v16;
	v30 =	vmul.f32 v30, v30;
	v29 =	vld [tilespmem:s20+$0x5310];
	v33 =	vadd.f32 v33, v39  }
0xb7: {  	_ = 	snop  }
0xb8: {  	v36 =	vld [tilespmem:s20+$0x5300];
	v25 =	vadd.f32 v25, v34  }
0xb9: {  	v15 =	vadd.f32 v15, v24;
	v19 =	vadd.f32 v19, v27  }
0xba: {  	v27 =	vadd.f32 v28, v33;
	v22 =	vadd.f32 v22, v32  }
0xbb: {  	v12 =	vadd.f32 v12, v31;
	v31 =	vmax.f32 v35, $0.0e+00;
	v60 =	vand.u32 $0xFFFF0000, v29  }
0xbc: {  	v24 =	vmax.f32 v25, $0.0e+00;
	[tilespmem:s20+$0x7B50] =	vst v31;
	v25 =	vshll.u32 v29, $0x10;
	v22 =	vadd.f32 v60, v22  }
0xbd: {  	v27 =	vmax.f32 v27, $0.0e+00;
	[tilespmem:s20+$0x7B70] =	vst v24;
	v28 =	vand.u32 $0xFFFF0000, v36;
	v19 =	vadd.f32 v25, v19  }
0xbe: {  	[tilespmem:s20+$0x7B40] =	vst v27;
	v12 =	vadd.f32 v28, v12;
	v28 =	vshll.u32 v36, $0x10;
	v22 =	vmax.f32 v22, $0.0e+00  }
0xbf: {  	v15 =	vadd.f32 v28, v15;
	v19 =	vmax.f32 v19, $0.0e+00;
	[tilespmem:s20+$0x7B20] =	vst v22  }
0xc0: {  	v12 =	vmax.f32 v12, $0.0e+00;
	[tilespmem:s20+$0x7B30] =	vst v19  }
0xc1: {  	[tilespmem:s20+$0x7B00] =	vst v12;
	v15 =	vmax.f32 v15, $0.0e+00  }
0xc2: {  	[tilespmem:s20+$0x7B10] =	vst v15  }
0xc3: {  	v17 =	vadd.f32 v20, v17;
	v20 =	vmul.f32 v15, v15;
	v25 =	vld [tilespmem:$0xA300]  }
0xc4: {  	v29 =	vmul.f32 v12, v12;
	v12 =	vadd.f32 v12, v13;
	v13 =	vld [tilespmem:$0xA390]  }
0xc5: {  	v17 =	vadd.f32 v20, v17;
	v20 =	vld [tilespmem:$0xA330]  }
0xc6: {  	v18 =	vadd.f32 v30, v18;
	v30 =	vld [tilespmem:$0xA310]  }
0xc7: {  	v9 =	vadd.f32 v26, v9;
	v28 =	vld [tilespmem:$0xA380]  }
0xc8: {  	v10 =	vadd.f32 v19, v10;
	v26 =	vld [tilespmem:$0xA320];
	v12 =	vadd.f32 v25, v12  }
0xc9: {  	v14 =	vadd.f32 v15, v14;
	v15 =	vld [tilespmem:$0xA3A0];
	v13 =	vadd.f32 v13, v17  }
0xca: {  	v18 =	vadd.f32 v29, v18;
	v25 =	vmul.f32 v22, v22;
	v17 =	vld [tilespmem:$0xA340];
	v10 =	vadd.f32 v20, v10;
	[tilespmem:$0xA300] =	vst v12  }
0xcb: {  	v16 =	vadd.f32 v22, v16;
	v12 =	vadd.f32 v30, v14;
	v14 =	vld [tilespmem:$0xA3B0];
	[tilespmem:$0xA390] =	vst v13  }
0xcc: {  	v18 =	vadd.f32 v28, v18;
	v22 =	vmul.f32 v19, v19;
	v11 =	vadd.f32 v25, v11;
	v13 =	vld [tilespmem:$0xA350];
	[tilespmem:$0xA330] =	vst v10  }
0xcd: {  	v8 =	vadd.f32 v27, v8;
	v10 =	vld [tilespmem:$0xA3E0];
	[tilespmem:$0xA310] =	vst v12;
	v12 =	vadd.f32 v26, v16  }
0xce: {  	[tilespmem:$0xA380] =	vst v18;
	v9 =	vadd.f32 v22, v9;
	v16 =	vld [tilespmem:$0xA3C0];
	v11 =	vadd.f32 v15, v11  }
0xcf: {  	v6 =	vadd.f32 v31, v6;
	v18 =	vmul.f32 v27, v27;
	v8 =	vadd.f32 v17, v8;
	[tilespmem:$0xA320] =	vst v12;
	v12 =	vld [tilespmem:$0xA3D0]  }
0xd0: {  	v1 =	vadd.f32 v23, v1;
	v15 =	vmul.f32 v31, v31;
	[tilespmem:$0xA3A0] =	vst v11;
	v11 =	vld [tilespmem:$0xA360];
	v9 =	vadd.f32 v14, v9  }
0xd1: {  	v7 =	vadd.f32 v18, v7;
	[tilespmem:$0xA340] =	vst v8;
	v6 =	vadd.f32 v13, v6;
	v8 =	vld [tilespmem:$0xA3F0]  }
0xd2: {  	v4 =	vadd.f32 v15, v4;
	v13 =	vmul.f32 v24, v24;
	v1 =	vadd.f32 v10, v1;
	[tilespmem:$0xA3B0] =	vst v9;
	v9 =	vld [tilespmem:$0xA370]  }
0xd3: {  	v2 =	vadd.f32 v21, v2;
	v7 =	vadd.f32 v16, v7;
	[tilespmem:$0xA350] =	vst v6  }
0xd4: {  	v5 =	vadd.f32 v13, v5;
	[tilespmem:$0xA3E0] =	vst v1;
	v4 =	vadd.f32 v12, v4  }
0xd5: {  	v3 =	vadd.f32 v24, v3;
	[tilespmem:$0xA3C0] =	vst v7;
	v2 =	vadd.f32 v11, v2  }
0xd6: {  	v1 =	vadd.f32 v8, v5;
	[tilespmem:$0xA3D0] =	vst v4  }
0xd7: {  	[tilespmem:$0xA360] =	vst v2;
	v2 =	vadd.f32 v9, v3  }
0xd8: {  	s0 =	sadd.s32 $0x2, s23;
	p0 =	seq.s32 s11, $0x7C;
	[tilespmem:$0xA3F0] =	vst v1  }
0xd9: {  	s0 =	smul.u32 @!p0 $0x28, s0;
	[tilespmem:$0xA370] =	vst v2  }
0xda: {  	_ =	swait.ge [sflag:s13], $0x28  }
0xdb: {  	s0 =	sadd.s32 @!p0 s9, s0;
	[sflag:s13] =	ssyncset.done $0x0  }
0xdc: {  	s23 =	sshrl.u32 @!p0 s0, $0x3;
	[sflag:s13] =	ssyncadd.s32 $0xFFFFFFD8  }
0xdd: {  	[spmem:s3] =	stream.indirect.scatter.add.f32 [tilespmem:s14], [sflag:$0x7], $0x80, s2, s29, $0xb8;
	[tilespmem:$0x1E400] =	vst v63  }
0xde: {  	p1 =	seq.s32 @!p0 s11, $0x0;
	s31 =	sadd.s32 @!p0 s8, s23;
	s20 =	simm.s32 @!p0 $0x0  }
0xdf: {  	[tilespmem:s20], [sflag:$0x3] =	stream.linear.gather @!p0 [hbm4b:s31+s20], $0x28, $0x38;
	[tilespmem:$0x1E400] =	vst v63  }
0xe0: {  	p1 =	por p0, !p1;
	s31 =	sadd.s32 @!p0 s1, s23;
	s23 =	simm.s32 @!p0 $0x100  }
0xe1: {  	[tilespmem:s23], [sflag:$0x3] =	stream.linear.gather @!p0 [hbm4b:s31+s20], $0x28, $0x38;
	[tilespmem:$0x1E400] =	vst v63  }
0xe2: {  	_ =	swait.ge @p1 [sflag:s21], $0x1400  }
0xe3: {  	s28 =	sshrl.u32 s28, $0x3;
	[sflag:s21] =	ssyncset.done @p1 $0x0  }
0xe4: {  	s28 =	sadd.s32 s1, s28;
	[sflag:s21] =	ssyncadd.s32 @p1 $0xFFFFEC00  }
0xe5: {  	[tilespmem:s15], [sflag:$0x6] =	stream.linear.gather [hbm4b:s28+s4], $0x28, $0x38;
	[tilespmem:$0x1E400] =	vst v63  }
0xe6: {  	s28 =	simm.s32 @!p0 $0x3  }
0xe7: {  	_ =	swait.ge @!p0 [sflag:s28], $0x28  }
0xe8: {  	[sflag:s28] =	ssyncset.done @!p0 $0x0  }
0xe9: {  	[sflag:s28] =	ssyncadd.s32 @!p0 $0xFFFFFFD8  }
0xea: {  	_ =	swait.ge @!p0 [sflag:s28], $0x28  }
0xeb: {  	[sflag:s28] =	ssyncset.done @!p0 $0x0  }
0xec: {  	s31 =	simm.s32 @!p0 $0x300;
	[sflag:s28] =	ssyncadd.s32 @!p0 $0xFFFFFFD8;
	s28 =	simm.s32 @!p0 $0x28  }
0xed: {  	[tilespmem:s31], [sflag:$0x1] =	stream.indirect.gather @!p0 [hbm4b:s5+s28], $0x80, s20, s28, $0xb8;
	[tilespmem:$0x1E400] =	vst v63  }
0xee: {  	s0 =	sshll.u32 @!p0 s0, $0x4;
	s31 =	simm.s32 @!p0 $0x2B00  }
0xef: {  	[tilespmem:s31], [sflag:$0x1] =	stream.indirect.gather @!p0 [hbm4b:s6+s28], $0x80, s23, s28, $0xb8;
	[tilespmem:$0x1E400] =	vst v63  }
0xf0: {  	s0 =	sadd.s32 @!p0 s7, s0;
	s23 =	simm.s32 @!p0 $0x5300  }
0xf1: {  	[tilespmem:s23], [sflag:$0x1] =	stream.linear.gather @!p0 [hbm4b:s0+s20], $0x1400, $0x38;
	[tilespmem:$0x1E400] =	vst v63  }
0xf2: {  	_ =	swait.ge [sflag:s16], $0x1400  }
0xf3: {  	[sflag:s16] =	ssyncset.done $0x0  }
0xf4: {  	[sflag:s16] =	ssyncadd.s32 $0xFFFFEC00  }
0xf5: {  	_ =	swait.ge [sflag:s16], $0x1400  }
0xf6: {  	[sflag:s16] =	ssyncset.done $0x0  }
0xf7: {  	[sflag:s16] =	ssyncadd.s32 $0xFFFFEC00  }
0xf8: {  	_ =	swait.ge [sflag:s16], $0x1400  }
0xf9: {  	[sflag:s16] =	ssyncset.done $0x0  }
0xfa: {  	s31 =	simm.s32 $0x0;
	[sflag:s16] =	ssyncadd.s32 $0xFFFFEC00  }
0xfb: {  	v1 =	vld [tilespmem:s31+$0x6730]  }
0xfc: {  	v2 =	vld [tilespmem:s31+$0x3F50]  }
0xfd: {  	v3 =	vld [tilespmem:s31+$0x6720]  }
0xfe: {  	v4 =	vld [tilespmem:s31+$0x3F60]  }
0xff: {  	v5 =	vld [tilespmem:s31+$0x3F40]  }
0x100: {  	v6 =	vld [tilespmem:s31+$0x3F00]  }
0x101: {  	v7 =	vld [tilespmem:s31+$0x3F70]  }
0x102: {  	v8 =	vld [tilespmem:s31+$0x1760]  }
0x103: {  	v10 =	vld [tilespmem:s31+$0x3F10]  }
0x104: {  	v9 =	vld [tilespmem:s31+$0x1750]  }
0x105: {  	v11 =	vld [tilespmem:s31+$0x3F30]  }
0x106: {  	v13 =	vld [tilespmem:s31+$0x3F20]  }
0x107: {  	v14 =	vld [tilespmem:s31+$0x1740]  }
0x108: {  	v16 =	vld [tilespmem:s31+$0x1710];
	v4 =	vadd.f32 v4, v8  }
0x109: {  	v8 =	vld [tilespmem:s31+$0x1770];
	v12 =	vand.u32 $0xFFFF0000, v1;
	v2 =	vadd.f32 v2, v9  }
0x10a: {  	v15 =	vld [tilespmem:s31+$0x1700];
	v9 =	vshll.u32 v3, $0x10;
	v4 =	vadd.f32 v12, v4  }
0x10b: {  	v17 =	vld [tilespmem:s31+$0x1720];
	v2 =	vadd.f32 v9, v2  }
0x10c: {  	v18 =	vld [tilespmem:s31+$0x6710];
	v4 =	vmax.f32 v4, $0.0e+00  }
0x10d: {  	s20 =	simm.s32 $0x80;
	v23 =	vld [tilespmem:s31+$0x6700];
	v20 =	vmax.f32 v2, $0.0e+00;
	[tilespmem:s31+$0x8F60] =	vst v4  }
0x10e: {  	v2 =	vadd.f32 v7, v8;
	v21 =	vld [tilespmem:s20+$0x6730];
	[tilespmem:s31+$0x8F50] =	vst v20  }
0x10f: {  	v1 =	vshll.u32 v1, $0x10;
	v5 =	vadd.f32 v5, v14;
	v26 =	vld [tilespmem:s20+$0x3F50]  }
0x110: {  	v6 =	vadd.f32 v6, v15;
	v28 =	vld [tilespmem:s20+$0x6720];
	v1 =	vadd.f32 v1, v2;
	v2 =	vand.u32 $0xFFFF0000, v3  }
0x111: {  	v10 =	vadd.f32 v10, v16;
	v9 =	vimm.f32 $0.0e+00;
	v24 =	vld [tilespmem:s20+$0x3F60];
	v2 =	vadd.f32 v2, v5  }
0x112: {  	v8 =	vand.u32 $0xFFFF0000, v18;
	v29 =	vld [tilespmem:s20+$0x3F40];
	v5 =	vmax.f32 v1, $0.0e+00;
	v1 =	vadd.f32 v13, v17  }
0x113: {  	v3 =	vld [tilespmem:s31+$0x1730];
	v17 =	vand.u32 $0xFFFF0000, v23;
	v7 =	vmax.f32 v2, $0.0e+00;
	v2 =	vmul.f32 v4, v4  }
0x114: {  	v14 =	vmul.f32 v20, v20;
	v12 =	vld [tilespmem:s20+$0x3F00];
	v6 =	vadd.f32 v17, v6;
	v8 =	vadd.f32 v8, v1  }
0x115: {  	v30 =	vld [tilespmem:s20+$0x3F70];
	[tilespmem:s31+$0x8F70] =	vst v5;
	v25 =	vshll.u32 v21, $0x10;
	v1 =	vadd.f32 v2, v9;
	v2 =	vadd.f32 v4, v9  }
0x116: {  	v13 =	vld [tilespmem:s20+$0x1760];
	[tilespmem:s31+$0x8F40] =	vst v7;
	v4 =	vadd.f32 v14, v9;
	v14 =	vmul.f32 v7, v7;
	v16 =	vmax.f32 v6, $0.0e+00  }
0x117: {  	v15 =	vld [tilespmem:s20+$0x3F10];
	v6 =	vadd.f32 v20, v9;
	v20 =	vand.u32 $0xFFFF0000, v21;
	v17 =	vmax.f32 v8, $0.0e+00  }
0x118: {  	v31 =	vld [tilespmem:s20+$0x1750];
	v8 =	vadd.f32 v11, v3;
	v11 =	vshll.u32 v18, $0x10;
	v18 =	vshll.u32 v23, $0x10  }
0x119: {  	v19 =	vld [tilespmem:s20+$0x3F30];
	v3 =	vadd.f32 v5, v9;
	v5 =	vmul.f32 v5, v5;
	[tilespmem:s31+$0x8F20] =	vst v17;
	v10 =	vadd.f32 v18, v10  }
0x11a: {  	v23 =	vshll.u32 v28, $0x10;
	v22 =	vld [tilespmem:s20+$0x3F20];
	v11 =	vadd.f32 v11, v8;
	[tilespmem:s31+$0x8F00] =	vst v16;
	v8 =	vadd.f32 v7, v9  }
0x11b: {  	v28 =	vand.u32 $0xFFFF0000, v28;
	v7 =	vadd.f32 v14, v9;
	v5 =	vadd.f32 v5, v9;
	v61 =	vld [tilespmem:s20+$0x1770]  }
0x11c: {  	v18 =	vld [tilespmem:s20+$0x1740];
	v27 =	vadd.f32 v24, v13;
	v62 =	vmax.f32 v10, $0.0e+00;
	v14 =	vmax.f32 v11, $0.0e+00  }
0x11d: {  	v13 =	vadd.f32 v16, v9;
	v11 =	vmul.f32 v17, v17;
	v63 =	vadd.f32 v26, v31;
	[tilespmem:s31+$0x8F30] =	vst v14  }
0x11e: {  	v21 =	vadd.f32 v20, v27;
	v20 =	vmul.f32 v62, v62;
	v10 =	vadd.f32 v14, v9;
	v24 =	vld [tilespmem:s20+$0x1710];
	[tilespmem:s31+$0x8F10] =	vst v62  }
0x11f: {  	v26 =	vmul.f32 v14, v14;
	v14 =	vadd.f32 v62, v9;
	v11 =	vadd.f32 v11, v9;
	v27 =	vld [tilespmem:s20+$0x1730]  }
0x120: {  	v35 =	vadd.f32 v23, v63;
	v31 =	vld [tilespmem:s20+$0x1700];
	v21 =	vmax.f32 v21, $0.0e+00;
	v34 =	vadd.f32 v30, v61  }
0x121: {  	v32 =	vld [tilespmem:s20+$0x1720];
	v23 =	vmul.f32 v21, v21;
	v33 =	vadd.f32 v29, v18;
	v30 =	vmul.f32 v16, v16  }
0x122: {  	s23 =	simm.s32 $0x400;
	[tilespmem:s20+$0x8F60] =	vst v21;
	v29 =	vld [tilespmem:s20+$0x6710];
	v16 =	vadd.f32 v17, v9;
	v18 =	vimm.f32 $0.0e+00;
	v17 =	vimm.f32 $0.0e+00  }
.LBB2_5:
0x123: {  	s0 =	sshra.s32 s23, $0x2;
	p1 =	sne.s32 s23, $0x4E00;
	s23 =	sadd.s32 $0x200, s23;
	v36 =	vld [tilespmem:s20+$0x6700];
	v35 =	vmax.f32 v35, $0.0e+00;
	v1 =	vadd.f32 v23, v1;
	v9 =	vadd.f32 v26, v9  }
0x124: {  	v2 =	vadd.f32 v21, v2;
	v23 =	vld [tilespmem:s0+$0x6730];
	[tilespmem:s20+$0x8F50] =	vst v35;
	v26 =	vmul.f32 v35, v35;
	v18 =	vadd.f32 v30, v18  }
0x125: {  	v25 =	vadd.f32 v25, v34;
	v21 =	vld [tilespmem:s0+$0x3F50];
	v30 =	vadd.f32 v12, v31  }
0x126: {  	v34 =	vld [tilespmem:s0+$0x6720];
	v22 =	vadd.f32 v22, v32;
	v4 =	vadd.f32 v26, v4  }
0x127: {  	v19 =	vadd.f32 v19, v27;
	v27 =	vadd.f32 v28, v33;
	v26 =	vld [tilespmem:s0+$0x3F60]  }
0x128: {  	v24 =	vadd.f32 v15, v24;
	v15 =	vand.u32 $0xFFFF0000, v29;
	v33 =	vld [tilespmem:s0+$0x3F40];
	v28 =	vand.u32 $0xFFFF0000, v36  }
0x129: {  	v25 =	vmax.f32 v25, $0.0e+00;
	v29 =	vshll.u32 v29, $0x10;
	v22 =	vadd.f32 v15, v22;
	v12 =	vld [tilespmem:s0+$0x3F00]  }
0x12a: {  	v27 =	vmax.f32 v27, $0.0e+00;
	v3 =	vadd.f32 v25, v3;
	v31 =	vshll.u32 v36, $0x10;
	v37 =	vld [tilespmem:s0+$0x3F70];
	[tilespmem:s20+$0x8F70] =	vst v25  }
0x12b: {  	v17 =	vadd.f32 v20, v17;
	v6 =	vadd.f32 v35, v6;
	v36 =	vmul.f32 v27, v27;
	v32 =	vld [tilespmem:s0+$0x1760];
	[tilespmem:s20+$0x8F40] =	vst v27  }
0x12c: {  	v8 =	vadd.f32 v27, v8;
	v20 =	vadd.f32 v28, v30;
	v15 =	vld [tilespmem:s0+$0x3F10]  }
0x12d: {  	v38 =	vmax.f32 v22, $0.0e+00;
	v7 =	vadd.f32 v36, v7;
	v27 =	vadd.f32 v29, v19;
	v28 =	vld [tilespmem:s0+$0x1750]  }
0x12e: {  	v29 =	vshll.u32 v34, $0x10;
	v30 =	vmax.f32 v20, $0.0e+00;
	v35 =	vmul.f32 v38, v38;
	v19 =	vld [tilespmem:s0+$0x3F30];
	[tilespmem:s20+$0x8F20] =	vst v38  }
0x12f: {  	v24 =	vadd.f32 v31, v24;
	v31 =	vmul.f32 v25, v25;
	v20 =	vand.u32 $0xFFFF0000, v23;
	v22 =	vld [tilespmem:s0+$0x3F20];
	[tilespmem:s20+$0x8F00] =	vst v30  }
0x130: {  	v25 =	vshll.u32 v23, $0x10;
	v23 =	vadd.f32 v26, v32;
	v36 =	vld [tilespmem:s0+$0x1770];
	v26 =	vmax.f32 v27, $0.0e+00  }
0x131: {  	v5 =	vadd.f32 v31, v5;
	v13 =	vadd.f32 v30, v13;
	v32 =	vmax.f32 v24, $0.0e+00;
	v39 =	vld [tilespmem:s0+$0x1740];
	[tilespmem:s20+$0x8F30] =	vst v26  }
.Ltmp3:
0x132: {  	v11 =	vadd.f32 v35, v11;
	v24 =	vld [tilespmem:s0+$0x1710];
	v23 =	vadd.f32 v20, v23;
	[tilespmem:s20+$0x8F10] =	vst v32;
	v20 =	vmul.f32 v32, v32;
	s20 =	smov.u32 s0;
	(pc) =	sbr.rel @p1 .LBB2_5-.Ltmp3, $4  }
0x133: {  	v10 =	vadd.f32 v26, v10;
	v26 =	vmul.f32 v26, v26;
	v35 =	vadd.f32 v21, v28;
	v27 =	vld [tilespmem:s20+$0x1730]  }
0x134: {  	v14 =	vadd.f32 v32, v14;
	v28 =	vand.u32 $0xFFFF0000, v34;
	v31 =	vld [tilespmem:s20+$0x1700];
	v21 =	vmax.f32 v23, $0.0e+00  }
0x135: {  	v35 =	vadd.f32 v29, v35;
	v32 =	vld [tilespmem:s20+$0x1720];
	v34 =	vadd.f32 v37, v36;
	[tilespmem:s20+$0x8F60] =	vst v21;
	v23 =	vmul.f32 v21, v21  }
0x136: {  	v16 =	vadd.f32 v38, v16;
	v30 =	vmul.f32 v30, v30;
	v29 =	vld [tilespmem:s20+$0x6710];
	v33 =	vadd.f32 v33, v39  }
0x137: {  	_ = 	snop  }
0x138: {  	v36 =	vld [tilespmem:s20+$0x6700]  }
0x139: {  	v25 =	vadd.f32 v25, v34;
	v15 =	vadd.f32 v15, v24  }
0x13a: {  	v60 =	vmax.f32 v35, $0.0e+00;
	v19 =	vadd.f32 v19, v27;
	v22 =	vadd.f32 v22, v32  }
0x13b: {  	v61 =	vadd.f32 v28, v33;
	v12 =	vadd.f32 v12, v31;
	v63 =	vand.u32 $0xFFFF0000, v29  }
0x13c: {  	[tilespmem:s20+$0x8F50] =	vst v60;
	v35 =	vmax.f32 v25, $0.0e+00;
	v37 =	vshll.u32 v29, $0x10;
	v22 =	vadd.f32 v63, v22  }
0x13d: {  	v27 =	vmax.f32 v61, $0.0e+00;
	[tilespmem:s20+$0x8F70] =	vst v35;
	v62 =	vand.u32 $0xFFFF0000, v36;
	v19 =	vadd.f32 v37, v19  }
0x13e: {  	[tilespmem:s20+$0x8F40] =	vst v27;
	v38 =	vshll.u32 v36, $0x10;
	v12 =	vadd.f32 v62, v12;
	v22 =	vmax.f32 v22, $0.0e+00  }
0x13f: {  	v15 =	vadd.f32 v38, v15;
	v19 =	vmax.f32 v19, $0.0e+00;
	[tilespmem:s20+$0x8F20] =	vst v22  }
0x140: {  	v12 =	vmax.f32 v12, $0.0e+00;
	[tilespmem:s20+$0x8F30] =	vst v19  }
0x141: {  	v15 =	vmax.f32 v15, $0.0e+00;
	[tilespmem:s20+$0x8F00] =	vst v12  }
0x142: {  	[tilespmem:s20+$0x8F10] =	vst v15  }
0x143: {  	v39 =	vld [tilespmem:$0xA300]  }
0x144: {  	v40 =	vld [tilespmem:$0xA380]  }
0x145: {  	v18 =	vadd.f32 v30, v18;
	v41 =	vmul.f32 v12, v12;
	v42 =	vld [tilespmem:$0xA310]  }
0x146: {  	v9 =	vadd.f32 v26, v9;
	v12 =	vadd.f32 v12, v13;
	v43 =	vld [tilespmem:$0xA390]  }
0x147: {  	v17 =	vadd.f32 v20, v17;
	v44 =	vmul.f32 v15, v15;
	v45 =	vld [tilespmem:$0xA320];
	v18 =	vadd.f32 v41, v18  }
0x148: {  	v14 =	vadd.f32 v15, v14;
	v46 =	vld [tilespmem:$0xA3A0];
	v12 =	vadd.f32 v39, v12  }
0x149: {  	v47 =	vmul.f32 v22, v22;
	v48 =	vld [tilespmem:$0xA330];
	v17 =	vadd.f32 v44, v17;
	v18 =	vadd.f32 v40, v18  }
0x14a: {  	v16 =	vadd.f32 v22, v16;
	v50 =	vld [tilespmem:$0xA3B0];
	v49 =	vadd.f32 v42, v14;
	[tilespmem:$0xA300] =	vst v12  }
0x14b: {  	v51 =	vmul.f32 v19, v19;
	v11 =	vadd.f32 v47, v11;
	v52 =	vld [tilespmem:$0xA340];
	v13 =	vadd.f32 v43, v17;
	[tilespmem:$0xA380] =	vst v18  }
0x14c: {  	v10 =	vadd.f32 v19, v10;
	v54 =	vld [tilespmem:$0xA3C0];
	v53 =	vadd.f32 v45, v16;
	[tilespmem:$0xA310] =	vst v49  }
0x14d: {  	v55 =	vmul.f32 v27, v27;
	v9 =	vadd.f32 v51, v9;
	v56 =	vld [tilespmem:$0xA350];
	v11 =	vadd.f32 v46, v11;
	[tilespmem:$0xA390] =	vst v13  }
0x14e: {  	v8 =	vadd.f32 v27, v8;
	v57 =	vld [tilespmem:$0xA3D0];
	v10 =	vadd.f32 v48, v10;
	[tilespmem:$0xA320] =	vst v53  }
0x14f: {  	v58 =	vmul.f32 v60, v60;
	v7 =	vadd.f32 v55, v7;
	v59 =	vld [tilespmem:$0xA360];
	v9 =	vadd.f32 v50, v9;
	[tilespmem:$0xA3A0] =	vst v11  }
0x150: {  	v6 =	vadd.f32 v60, v6;
	v60 =	vld [tilespmem:$0xA3E0];
	v8 =	vadd.f32 v52, v8;
	[tilespmem:$0xA330] =	vst v10  }
0x151: {  	v4 =	vadd.f32 v58, v4;
	v61 =	vld [tilespmem:$0xA370];
	v7 =	vadd.f32 v54, v7;
	[tilespmem:$0xA3B0] =	vst v9  }
0x152: {  	v2 =	vadd.f32 v21, v2;
	v62 =	vld [tilespmem:$0xA3F0];
	v6 =	vadd.f32 v56, v6;
	[tilespmem:$0xA340] =	vst v8  }
0x153: {  	v1 =	vadd.f32 v23, v1;
	v63 =	vmul.f32 v35, v35;
	v4 =	vadd.f32 v57, v4;
	[tilespmem:$0xA3C0] =	vst v7  }
0x154: {  	v3 =	vadd.f32 v35, v3;
	v2 =	vadd.f32 v59, v2;
	[tilespmem:$0xA350] =	vst v6  }
0x155: {  	v5 =	vadd.f32 v63, v5;
	v1 =	vadd.f32 v60, v1;
	[tilespmem:$0xA3D0] =	vst v4  }
0x156: {  	[tilespmem:$0xA360] =	vst v2;
	v2 =	vadd.f32 v61, v3  }
0x157: {  	[tilespmem:$0xA3E0] =	vst v1;
	v1 =	vadd.f32 v62, v5  }
0x158: {  	[tilespmem:$0xA370] =	vst v2  }
.Ltmp4:
0x159: {  	[tilespmem:$0xA3F0] =	vst v1;
	(pc) =	sbr.rel @p0 .LBB2_8-.Ltmp4, $4  }
0x15a: {  	_ =	swait.ge [sflag:s17], $0x28  }
0x15b: {  	[sflag:s17] =	ssyncset.done $0x0  }
0x15c: {  	[sflag:s17] =	ssyncadd.s32 $0xFFFFFFD8  }
0x15d: {  	[spmem:s3] =	stream.indirect.scatter.add.f32 [tilespmem:s19], [sflag:$0x8], $0x80, s15, s29, $0xb8;
	[tilespmem:$0x1E400] =	vst v63  }
0x15e: {  	s0 =	sadd.s32 s22, s18  }
.Ltmp5:
0x15f: {  	s0 =	sshrl.u32 s0, $0x3;
	(pc) =	sbr.rel .LBB2_2-.Ltmp5, $4  }
0x160: {  	s20 =	sadd.s32 s8, s0  }
0x161: {  	[tilespmem:s25], [sflag:$0x4] =	stream.linear.gather [hbm4b:s20+s4], $0x28, $0x38;
	[tilespmem:$0x1E400] =	vst v63  }
0x162: {  	s11 =	sadd.s32 $0x1, s11;
	s0 =	sadd.s32 s1, s0  }
0x163: {  	[tilespmem:s26], [sflag:$0x4] =	stream.linear.gather [hbm4b:s0+s4], $0x28, $0x38;
	[tilespmem:$0x1E400] =	vst v63  }
.LBB2_9:
0x164: {  	_ =	sfence.sel $0x180000  }
0x165: {  	[bflag:$0x0] =	sbarrier.arrive $0xFFFF  }
0x166: {  	_ =	strace $0x90000047  }
0x167: {  	s0 =	stileid.u32;
	[bflag:$0x2] =	sbarrier.arrive $0xFFFF  }
0x168: {  	p0 =	sne.s32 s0, $0x0;
	s0 =	rddreg [dreg:$0x3]  }
0x169: {  	s0 =	sadd.s32 @!p0 $0x100000, s0  }
0x16a: {  	[sflag:s0] =	ssyncadd.tile.s32 @!p0 $0x1;
	_ =	shalt  }
.Lfunc_end2:
_tile_overlayer_lowered:
.L_overlay_start_2:
0x16b: {  	(tag) =	ssettag $0x2  }
0x16c: {  	s0 =	rddreg [dreg:$0x0];
	s2 =	stileid.u32  }
0x16d: {  	s1 =	rddreg [dreg:$0x1];
	p0 =	sne.s32 s2, $0x0  }
0x16e: {  	s3 =	rddreg [dreg:$0x2];
	[bflag:$0x3] =	sbarrier.arrive $0xFFFF;
	s2 =	simm.s32 @!p0 $0x1C09  }
0x16f: {  	[timem:s3], [sflag:s2] =	dma.local @!p0 [hbm:s0], s1  }
0x170: {  	s0 =	simm.s32 @!p0 $0x9  }
0x171: {  	_ =	swait.ge @!p0 [sflag:s0], s1  }
0x172: {  	s1 =	ssub.s32 @!p0 $0x0, s1;
	[sflag:s0] =	ssyncset.done @!p0 $0x0  }
0x173: {  	[sflag:s0] =	ssyncadd.s32 @!p0 s1  }
0x174: {  	[bflag:$0x3] =	sbarrier.arrive $0xFFFF  }
0x175: {  	_ =	shalt  }

// kernel: kernel.8.cloned.1.call-start
scs
__scs_entry_jumppad:
0x0: {  	(pc) =	sbr.rel $0x88, $3  }
0x1: {  	(tag) =	ssettag $0x0;
	lr =	simm.s32 $0x1  }
0x2: {  	[smem:$0x3F92] =	sst lr;
	_ =	strace $0xD0000000  }
0x3: {  	_ = 	snop  }
0x4: {  	_ = 	snop  }
0x5: {  	_ = 	snop  }
0x6: {  	_ = 	snop  }
0x7: {  	_ = 	snop  }
__scs_overlays_trampoline_lowered:
0x8: {  	[smem:$0x3FA1] =	sst s0  }
0x9: {  	[smem:$0x3FA2] =	sst s1  }
0xa: {  	[smem:$0x3FA3] =	sst s2  }
0xb: {  	[smem:$0x3FA4] =	sst s3  }
0xc: {  	[smem:$0x3FA5] =	sst s4  }
0xd: {  	[smem:$0x3FA6] =	sst s5  }
0xe: {  	[smem:$0x3FA7] =	sst s6  }
0xf: {  	[smem:$0x3FA8] =	sst s7  }
0x10: {  	[smem:$0x3FA9] =	sst s8  }
0x11: {  	[smem:$0x3FAA] =	sst s9;
	s0 =	simm.s32 @!p0 $0x0  }
0x12: {  	s1 =	sld [smem:$0x3F90];
	s0 =	simm.s32 @p0 $0x1  }
0x13: {  	[smem:$0x3FAB] =	sst s0;
	s0 =	simm.s32 @!p1 $0x0  }
0x14: {  	s2 =	sld [smem:$0x3F8F];
	s0 =	simm.s32 @p1 $0x1  }
0x15: {  	[smem:$0x3FAC] =	sst s0;
	s0 =	simm.s32 @!p2 $0x0  }
0x16: {  	s3 =	sld [smem:$0x3FDB];
	s0 =	simm.s32 @p2 $0x1  }
0x17: {  	s4 =	simm.s32 $0x1BF5;
	[smem:$0x3FAE] =	sst s0  }
0x18: {  	s0 =	sld [smem:$0x3F91];
	_ =	swait.ge [sflag:s4], $0x0  }
0x19: {  	s7 =	sld [smem:$0x3F92]  }
0x1a: {  	s8 =	sadd.s32 $0xFFFFE003, lr  }
0x1b: {  	s9 =	sadd.s32 $0xFFFFFEF7, lr;
	s5 =	simm.s32 $0xFFFFFFFF;
	p2 =	slt.u32 s8, $0xFFFFF086  }
0x1c: {  	p1 =	slt.u32 s9, $0xF7A;
	s5 =	simm.s32 @!p2 $0x0  }
0x1d: {  	s5 =	simm.s32 @p1 $0x1;
	p0 =	seq.s32 s7, s2  }
0x1e: {  	s7 =	smul.u32 @!p0 $0xF7A, s2;
	p2 =	seq.s32 @!p0 s5, $0x0  }
0x1f: {  	s9 =	smul.u32 $0xF7A, s1;
	s8 =	simm.s32 @!p0 $0x1BF5;
	p2 =	por !p2, p0  }
0x20: {  	[sflag:s8] =	ssyncset.s32 @!p0 $0xFFFFF086;
	s6 =	sadd.s32 @!p0 s3, s7;
	s7 =	simm.s32 @!p0 $0x108  }
0x21: {  	s3 =	sadd.s32 s3, s9;
	s6 =	sadd.s32 @!p0 $0x88, s6;
	s7 =	simm.s32 @p2 $0x1082  }
0x22: {  	[simem:s7], [sflag:s8] =	dma.local @!p0 [hbm:s6], $0xF7A  }
0x23: {  	s9 =	sor.u32 $0xD0000000, s2;
	s6 =	simm.s32 $0x108;
	_ =	swait.ge @!p0 [sflag:s8], $0x0  }
0x24: {  	s3 =	sadd.s32 $0x88, s3;
	s6 =	simm.s32 @!p1 $0x1082;
	[sflag:s4] =	ssyncset.s32 $0xFFFFF086  }
0x25: {  	[simem:s6], [sflag:s4] =	dma.local [hbm:s3], $0xF7A  }
0x26: {  	[smem:$0x3F92] =	sst s1;
	(tag) =	ssettag s2;
	_ =	strace s9  }
0x27: {  	s1 =	sld [smem:$0x3FA2]  }
0x28: {  	s2 =	sld [smem:$0x3FA3]  }
0x29: {  	s4 =	sld [smem:$0x3FA5]  }
0x2a: {  	p0 =	seq.s32 s5, $0x0;
	s5 =	sld [smem:$0x3FA6]  }
0x2b: {  	s6 =	sld [smem:$0x3FA7]  }
0x2c: {  	s7 =	sld [smem:$0x3FA8]  }
0x2d: {  	s3 =	simm.s32 $0x108;
	s8 =	sld [smem:$0x3FA9]  }
0x2e: {  	s3 =	simm.s32 @!p0 $0x1082;
	s9 =	sld [smem:$0x3FAA]  }
0x2f: {  	lr =	sadd.s32 s0, s3;
	s0 =	sld [smem:$0x3FA1]  }
0x30: {  	s3 =	sld [smem:$0x3FA4]  }
0x31: {  	[smem:$0x3FAD] =	sst s10  }
0x32: {  	s10 =	sld [smem:$0x3FAB];
	_ =	sdelay $0x3  }
0x33: {  	p0 =	seq.s32 s10, $0x1;
	s10 =	sld [smem:$0x3FAD];
	_ =	sdelay $0x3  }
0x34: {  	[smem:$0x3FAD] =	sst s10  }
0x35: {  	s10 =	sld [smem:$0x3FAC];
	_ =	sdelay $0x3  }
0x36: {  	p1 =	seq.s32 s10, $0x1;
	s10 =	sld [smem:$0x3FAD];
	_ =	sdelay $0x3  }
0x37: {  	[smem:$0x3FAD] =	sst s10  }
0x38: {  	s10 =	sld [smem:$0x3FAE]  }
0x39: {  	_ = 	snop;
	(pc) =	sbr.ind lr, $3  }
0x3a: {  	_ = 	snop  }
0x3b: {  	_ = 	snop  }
0x3c: {  	p2 =	seq.s32 s10, $0x1;
	s10 =	sld [smem:$0x3FAD]  }
0x3d: {  	_ =	shalt  }
0x3e: {  	_ =	shalt  }
0x3f: {  	_ =	shalt  }
0x40: {  	_ =	shalt  }
0x41: {  	_ =	shalt  }
0x42: {  	_ =	shalt  }
0x43: {  	_ =	shalt  }
0x44: {  	_ =	shalt  }
0x45: {  	_ =	shalt  }
0x46: {  	_ =	shalt  }
0x47: {  	_ =	shalt  }
0x48: {  	_ =	shalt  }
0x49: {  	_ =	shalt  }
0x4a: {  	_ =	shalt  }
0x4b: {  	_ =	shalt  }
0x4c: {  	_ =	shalt  }
0x4d: {  	_ =	shalt  }
0x4e: {  	_ =	shalt  }
0x4f: {  	_ =	shalt  }
0x50: {  	_ =	shalt  }
0x51: {  	_ =	shalt  }
0x52: {  	_ =	shalt  }
0x53: {  	_ =	shalt  }
0x54: {  	_ =	shalt  }
0x55: {  	_ =	shalt  }
0x56: {  	_ =	shalt  }
0x57: {  	_ =	shalt  }
0x58: {  	_ =	shalt  }
0x59: {  	_ =	shalt  }
0x5a: {  	_ =	shalt  }
0x5b: {  	_ =	shalt  }
0x5c: {  	_ =	shalt  }
0x5d: {  	_ =	shalt  }
0x5e: {  	_ =	shalt  }
0x5f: {  	_ =	shalt  }
0x60: {  	_ =	shalt  }
0x61: {  	_ =	shalt  }
0x62: {  	_ =	shalt  }
0x63: {  	_ =	shalt  }
0x64: {  	_ =	shalt  }
0x65: {  	_ =	shalt  }
0x66: {  	_ =	shalt  }
0x67: {  	_ =	shalt  }
0x68: {  	_ =	shalt  }
0x69: {  	_ =	shalt  }
0x6a: {  	_ =	shalt  }
0x6b: {  	_ =	shalt  }
0x6c: {  	_ =	shalt  }
0x6d: {  	_ =	shalt  }
0x6e: {  	_ =	shalt  }
0x6f: {  	_ =	shalt  }
0x70: {  	_ =	shalt  }
0x71: {  	_ =	shalt  }
0x72: {  	_ =	shalt  }
0x73: {  	_ =	shalt  }
0x74: {  	_ =	shalt  }
0x75: {  	_ =	shalt  }
0x76: {  	_ =	shalt  }
0x77: {  	_ =	shalt  }
0x78: {  	_ =	shalt  }
0x79: {  	_ =	shalt  }
0x7a: {  	_ =	shalt  }
0x7b: {  	_ =	shalt  }
0x7c: {  	_ =	shalt  }
0x7d: {  	_ =	shalt  }
0x7e: {  	_ =	shalt  }
0x7f: {  	_ =	shalt  }
0x80: {  	_ =	shalt  }
0x81: {  	_ =	shalt  }
0x82: {  	_ =	shalt  }
0x83: {  	_ =	shalt  }
0x84: {  	_ =	shalt  }
0x85: {  	_ =	shalt  }
0x86: {  	_ =	shalt  }
0x87: {  	_ =	shalt  }
.Lfunc_end0:
.L_simem_size_0:
called_computation_lowered:
.L_overlay_start_0:
0x88: {  	s2 =	sld [smem:$0x3FD9]  }
0x89: {  	s3 =	sld [smem:$0x3FFE];
	_ =	sdelay $0x1  }
0x8a: {  	s1 =	srdreg.scid  }
0x8b: {  	s0 =	sand.u32 $0x1, s1  }
0x8c: {  	s17 =	sshll.u32 s0, $0xA;
	s2 =	sadd.s32 s3, s2  }
0x8d: {  	s2 =	sadd.s32 s2, s17  }
0x8e: {  	[smem:$0x3FB9] =	sst s2  }
0x8f: {  	_ = 	snop  }
0x90: {  	s18 =	sld [smem:$0x3FD0];
	(tm) =	ssettm $0x1  }
0x91: {  	s19 =	sld [smem:$0x3FFB];
	_ =	sdelay $0x3  }
0x92: {  	_ =	strace s19  }
0x93: {  	s2 =	sld [smem:$0x3FFC];
	_ =	sdelay $0x3  }
0x94: {  	_ =	strace s2  }
0x95: {  	s2 =	sld [smem:$0x3FFD];
	_ =	sdelay $0x3  }
0x96: {  	_ =	strace s2  }
0x97: {  	_ =	strace $0x8FFFFFFF  }
0x98: {  	s20 =	sld [smem:$0x3FDB];
	_ =	sdelay $0x1  }
0x99: {  	s4 =	simm.s32 $_scs_section_size  }
0x9a: {  	s5 =	simm.s32 $_size__tile_overlayer_lowered;
	s6 =	simm.s32 $_tile_overlayer_lowered  }
0x9b: {  	s7 =	simm.s32 $0x1BFF;
	s21 =	sshll.u32 s6, $0x1;
	s4 =	sadd.s32 s4, s20  }
0x9c: {  	s22 =	simm.s32 $0x0;
	s5 =	sshll.u32 s5, $0x1;
	s6 =	sadd.s32 s21, s4  }
0x9d: {  	[timem:s22], [sflag:s7] =	dma.local [hbm:s6], s5  }
0x9e: {  	_ =	swait.ge [sflag:s7], s5  }
0x9f: {  	s5 =	ssub.s32 $0x0, s5;
	[sflag:s7] =	ssyncset.done $0x0  }
0xa0: {  	[sflag:s7] =	ssyncadd.s32 s5;
	_ =	sdelay $0x1  }
0xa1: {  	s23 =	simm.s32 $0x1B8B  }
0xa2: {  	_ =	swait.ge [sflag:s23], $0x1  }
0xa3: {  	[sflag:s23] =	ssyncset.done $0x0  }
0xa4: {  	[sflag:s23] =	ssyncadd.s32 $0xFFFFFFFF  }
0xa5: {  	s5 =	sld [smem:$0x0]  }
0xa6: {  	s6 =	sand.u32 $0xFFFFFFFE, s1  }
0xa7: {  	p0 =	sne.s32 s1, s6  }
0xa8: {  	s6 =	sshll.u32 @p0 s6, $0xE  }
0xa9: {  	s6 =	sadd.s32 @p0 $0x11B8D, s6;
	s7 =	sshll.u32 @p0 s5, $0x11  }
0xaa: {  	s6 =	sor.u32 @p0 s7, s6  }
0xab: {  	[sflag:s6] =	ssyncadd.remote.s32 @p0 $0x1;
	_ =	sdelay $0x1  }
0xac: {  	s6 =	simm.s32 @p0 $0x1B8D  }
0xad: {  	_ =	swait.eq @p0 [sflag:s6], $0x1  }
0xae: {  	[sflag:s6] =	ssyncadd.s32 @p0 $0xFFFFFFFF  }
0xaf: {  	s7 =	sshll.u32 @!p0 s1, $0xE  }
0xb0: {  	s7 =	sor.u32 @!p0 $0x4000, s7;
	s6 =	simm.s32 @!p0 $0x1B8D  }
0xb1: {  	s5 =	sshll.u32 @!p0 s5, $0x11;
	s7 =	sadd.s32 @!p0 $0x11B8D, s7;
	_ =	swait.eq @!p0 [sflag:s6], $0x1  }
0xb2: {  	s5 =	sor.u32 @!p0 s5, s7;
	[sflag:s6] =	ssyncadd.s32 @!p0 $0xFFFFFFFF  }
0xb3: {  	s25 =	simm.s32 $0x1B8E;
	s24 =	sld [smem:$0x3FFE];
	[sflag:s5] =	ssyncadd.remote.s32 @!p0 $0x1  }
0xb4: {  	s26 =	simm.s32 $execute0_lowered;
	[smem:$0x3FD2] =	sst s25  }
0xb5: {  	s6 =	sshll.u32 s26, $0x1;
	_ =	strace $0x80000049;
	[dreg:$0x1] =	wrdreg $0xFFFFFFFF  }
0xb6: {  	s28 =	simm.s32 $_size_execute0_lowered;
	s4 =	sadd.s32 s4, s6;
	[dreg:$0x0] =	wrdreg $0x0  }
0xb7: {  	s6 =	sshll.u32 s28, $0x1;
	[dreg:$0x2] =	wrdreg s4  }
0xb8: {  	[dreg:$0x3] =	wrdreg s6  }
0xb9: {  	[dreg:$0x4] =	wrdreg $0xC0  }
0xba: {  	_ =	task [dreg:s22], $0x5FFFF  }
0xbb: {  	[dreg:$0x1] =	wrdreg $0xFFFFFFFF  }
0xbc: {  	[dreg:$0x0] =	wrdreg $0x60  }
0xbd: {  	[dreg:$0x2] =	wrdreg s18  }
0xbe: {  	[dreg:$0x3] =	wrdreg s24  }
0xbf: {  	[dreg:$0x4] =	wrdreg $0x29000  }
0xc0: {  	[dreg:$0x5] =	wrdreg $0x9  }
0xc1: {  	_ =	task.clear_ibuf [dreg:s22], $0x6FFFF;
	_ =	strace $0x90000049  }
0xc2: {  	s29 =	simm.s32 $0x9;
	_ =	strace $0x8000004B  }
0xc3: {  	_ =	swait.ge [sflag:s29], $0x1  }
0xc4: {  	[sflag:s29] =	ssyncadd.s32 $0xFFFFFFFF  }
0xc5: {  	_ =	strace $0x9000004B  }
0xc6: {  	_ =	sfence  }
0xc7: {  	s30 =	sld [smem:$0x0];
	_ =	sdelay $0x2  }
0xc8: {  	s31 =	sshll.u32 s1, $0xD;
	s1 =	sshrl.u32 s1, $0x2  }
0xc9: {  	s4 =	sand.u32 $0x4000, s31;
	s1 =	sadd.s32 s1, s30  }
0xca: {  	s0 =	sor.u32 s4, s0;
	s1 =	sshll.u32 s1, $0x11  }
0xcb: {  	s0 =	sor.u32 s1, s0  }
0xcc: {  	s0 =	sadd.s32 $0x8F2B, s0  }
0xcd: {  	[sflag:s0] =	ssyncadd.remote.s32 $0x1  }
0xce: {  	_ =	sfence.sel $0xFFFF  }
0xcf: {  	[dreg:$0x0] =	wrdreg $0xFFFFFFFF;
	(pc) =	sbr.abs _section_cstart, $3  }
0xd0: {  	[dreg:$0x1] =	wrdreg $0xFFFFFFFF  }
0xd1: {  	_ =	task.clear_ibuf [dreg:s22], $0x2FFFF;
	_ =	strace $0x9FFFFFFF  }
0xd2: {  	(tm) =	ssettm $0x7FFFFFFF  }
0xd3: {  	_ =	shalt  }
tec
execute0_lowered:
.L_overlay_start_1:
0x0: {  	(tag) =	ssettag $0x1  }
0x1: {  	s1 =	rddreg [dreg:$0x0]  }
0x2: {  	s6 =	rddreg [dreg:$0x1]  }
0x3: {  	s3 =	rddreg [dreg:$0x2]  }
0x4: {  	s0 =	rddreg [dreg:$0x3];
	s4 =	simm.s32 $0x0  }
0x5: {  	s2 =	stileid.u32;
	s5 =	srdreg.scid;
	s16 =	simm.s32 $0x5  }
0x6: {  	s17 =	simm.s32 $0x100;
	s18 =	simm.s32 $0x1;
	s19 =	simm.s32 $0x50  }
0x7: {  	s20 =	simm.s32 $0x80;
	s21 =	simm.s32 $0x2;
	s22 =	simm.s32 $0x3  }
0x8: {  	s23 =	simm.s32 $0x4;
	[smem:$0x7FF] =	sst s4;
	s7 =	smul.u32 $0x14000, s2  }
0x9: {  	s8 =	sand.u32 $0x1, s5;
	s10 =	sshll.u32 s2, $0x1;
	s13 =	smul.u32 $0x50000, s2  }
0xa: {  	s5 =	sadd.s32 $0xF3800, s6;
	s26 =	smul.u32 $0x4E20, s2;
	s29 =	sshll.u32 s2, $0x6  }
0xb: {  	_ =	strace $0x8000004A;
	s9 =	smul.u32 $0x140000, s8;
	s10 =	sor.u32 s8, s10  }
0xc: {  	s25 =	ssub.s32 $0x2, s8;
	s30 =	smul.u32 $0x2710, s8;
	s24 =	sshrl.u32 s7, $0x3  }
0xd: {  	s10 =	smul.u32 $0x2710, s10;
	s12 =	sshrl.u32 s25, $0x1;
	s28 =	sshrl.u32 s13, $0x2  }
0xe: {  	s11 =	sadd.s32 s24, s6;
	s7 =	sadd.s32 s7, s9;
	s9 =	ssub.s32 s25, s12  }
0xf: {  	s15 =	sadd.s32 s28, s3;
	s31 =	sadd.s32 s30, s26;
	s24 =	simm.s32 $0x0  }
0x10: {  	s7 =	sshrl.u32 s7, $0x3;
	s10 =	sshrl.u32 s10, $0x3;
	s9 =	smax.u32 s9, $0x1  }
0x11: {  	s13 =	sadd.s32 $0xF0, s31;
	s15 =	sshrl.u32 s15, $0x3;
	s14 =	sadd.s32 s7, s6  }
0x12: {  	s6 =	sadd.s32 $0x7B400, s11;
	s7 =	sor.u32 $0x1C05, s29;
	s10 =	sadd.s32 s1, s10  }
0x13: {  	s13 =	sshrl.u32 s13, $0x3;
	s8 =	sadd.s32 $0xF3E00, s14;
	s11 =	sadd.s32 $0xA, s10  }
0x14: {  	s12 =	sadd.s32 $0x4D8, s10;
	s13 =	sadd.s32 s13, s1;
	s14 =	sadd.s32 $0xA0, s31  }
.LBB2_1:
0x15: {  	[spmem:s15], [sflag:s7] =	dma.local [hbm:s6], $0x2800  }
0x16: {  	_ =	swait.ge [sflag:s16], $0x2800  }
0x17: {  	[sflag:s16] =	ssyncset.done $0x0  }
0x18: {  	[sflag:s16] =	ssyncadd.s32 $0xFFFFD800  }
0x19: {  	[tilespmem:s17], [sflag:$0x5] =	stream.linear.gather [hbm4b:s5+s4], $0x2800, $0x38;
	[tilespmem:$0x16900] =	vst v63  }
0x1a: {  	_ =	swait.ge [sflag:s16], $0x2800  }
0x1b: {  	[sflag:s16] =	ssyncset.done $0x0  }
0x1c: {  	[sflag:s16] =	ssyncadd.s32 $0xFFFFD800  }
0x1d: {  	[bflag:$0x0] =	sbarrier.arrive $0xFFFF  }
0x1e: {  	[tilespmem:s4], [sflag:$0x1] =	stream.linear.gather [hbm4b:s10+s4], $0x50, $0x38;
	[tilespmem:$0x16900] =	vst v63  }
0x1f: {  	_ =	swait.ge [sflag:s18], $0x50  }
0x20: {  	[sflag:s18] =	ssyncset.done $0x0  }
0x21: {  	[sflag:s18] =	ssyncadd.s32 $0xFFFFFFB0  }
0x22: {  	[spmem:s3] =	stream.indirect.scatter.add.f32 [tilespmem:s17], [sflag:$0x3], $0x80, s4, s19, $0xb8;
	[tilespmem:$0x16900] =	vst v63  }
0x23: {  	_ = 	snop  }
0x24: {  	[tilespmem:s20], [sflag:$0x2] =	stream.linear.gather [hbm4b:s11+s4], $0x50, $0x38;
	[tilespmem:$0x16900] =	vst v63  }
0x25: {  	_ =	swait.ge [sflag:s21], $0x50  }
0x26: {  	[sflag:s21] =	ssyncset.done $0x0  }
0x27: {  	[sflag:s21] =	ssyncadd.s32 $0xFFFFFFB0  }
0x28: {  	[spmem:s3] =	stream.indirect.scatter.add.f32 [tilespmem:s17], [sflag:$0x4], $0x80, s20, s19, $0xb8;
	[tilespmem:$0x16900] =	vst v63  }
0x29: {  	_ =	swait.ge [sflag:s22], $0x2800  }
0x2a: {  	s25 =	sshrl.u32 s14, $0x3;
	[sflag:s22] =	ssyncset.done $0x0  }
0x2b: {  	s25 =	sadd.s32 s1, s25;
	[sflag:s22] =	ssyncadd.s32 $0xFFFFD800  }
0x2c: {  	[tilespmem:s4], [sflag:$0x1] =	stream.linear.gather [hbm4b:s25+s4], $0x50, $0x38;
	[tilespmem:$0x16900] =	vst v63  }
0x2d: {  	_ =	swait.ge [sflag:s18], $0x50  }
0x2e: {  	[sflag:s18] =	ssyncset.done $0x0  }
0x2f: {  	[sflag:s18] =	ssyncadd.s32 $0xFFFFFFB0  }
0x30: {  	[spmem:s3] =	stream.indirect.scatter.add.f32 [tilespmem:s17], [sflag:$0x3], $0x80, s4, s19, $0xb8;
	[tilespmem:$0x16900] =	vst v63  }
0x31: {  	_ =	swait.ge [sflag:s23], $0x2800  }
0x32: {  	[sflag:s23] =	ssyncset.done $0x0  }
0x33: {  	s31 =	sadd.s32 $0x0, s13;
	[sflag:s23] =	ssyncadd.s32 $0xFFFFD800  }
0x34: {  	[tilespmem:s20], [sflag:$0x2] =	stream.linear.gather [hbm4b:s31+s4], $0x50, $0x38;
	[tilespmem:$0x16900] =	vst v63  }
0x35: {  	_ =	swait.ge [sflag:s21], $0x50  }
0x36: {  	[sflag:s21] =	ssyncset.done $0x0  }
0x37: {  	s26 =	sadd.s32 $0xA0, s14;
	s25 =	simm.s32 $0x14;
	[sflag:s21] =	ssyncadd.s32 $0xFFFFFFB0  }
.LBB2_2:
0x38: {  	[spmem:s3] =	stream.indirect.scatter.add.f32 [tilespmem:s17], [sflag:$0x4], $0x80, s20, s19, $0xb8;
	[tilespmem:$0x16900] =	vst v63  }
0x39: {  	s28 =	smov.u32 s25  }
0x3a: {  	p0 =	sne.s32 s25, $0x4B0;
	s25 =	sadd.s32 $0x14, s25;
	_ =	swait.ge [sflag:s22], $0x2800  }
0x3b: {  	s29 =	sshrl.u32 s26, $0x3;
	[sflag:s22] =	ssyncset.done $0x0  }
0x3c: {  	s29 =	sadd.s32 s1, s29;
	[sflag:s22] =	ssyncadd.s32 $0xFFFFD800  }
0x3d: {  	[tilespmem:s4], [sflag:$0x1] =	stream.linear.gather [hbm4b:s29+s4], $0x50, $0x38;
	[tilespmem:$0x16900] =	vst v63  }
0x3e: {  	_ =	swait.ge [sflag:s18], $0x50  }
0x3f: {  	[sflag:s18] =	ssyncset.done $0x0  }
0x40: {  	[sflag:s18] =	ssyncadd.s32 $0xFFFFFFB0  }
0x41: {  	[spmem:s3] =	stream.indirect.scatter.add.f32 [tilespmem:s17], [sflag:$0x3], $0x80, s4, s19, $0xb8;
	[tilespmem:$0x16900] =	vst v63  }
0x42: {  	_ =	swait.ge [sflag:s23], $0x2800  }
0x43: {  	[sflag:s23] =	ssyncset.done $0x0  }
.Ltmp0:
0x44: {  	s28 =	sadd.s32 s28, s13;
	[sflag:s23] =	ssyncadd.s32 $0xFFFFD800;
	(pc) =	sbr.rel @p0 .LBB2_2-.Ltmp0, $4  }
0x45: {  	[tilespmem:s20], [sflag:$0x2] =	stream.linear.gather [hbm4b:s28+s4], $0x50, $0x38;
	[tilespmem:$0x16900] =	vst v63  }
0x46: {  	_ =	swait.ge [sflag:s21], $0x50  }
0x47: {  	[sflag:s21] =	ssyncset.done $0x0  }
0x48: {  	s26 =	sadd.s32 $0xA0, s26;
	[sflag:s21] =	ssyncadd.s32 $0xFFFFFFB0  }
0x49: {  	[spmem:s3] =	stream.indirect.scatter.add.f32 [tilespmem:s17], [sflag:$0x4], $0x80, s20, s19, $0xb8;
	[tilespmem:$0x16900] =	vst v63  }
0x4a: {  	_ =	swait.ge [sflag:s22], $0x2800  }
0x4b: {  	[sflag:s22] =	ssyncset.done $0x0  }
0x4c: {  	[sflag:s22] =	ssyncadd.s32 $0xFFFFD800  }
0x4d: {  	[tilespmem:s4], [sflag:$0x1] =	stream.linear.gather [hbm4b:s12+s4], $0x50, $0x38;
	[tilespmem:$0x16900] =	vst v63  }
0x4e: {  	_ =	swait.ge [sflag:s18], $0x50  }
0x4f: {  	[sflag:s18] =	ssyncset.done $0x0  }
0x50: {  	[sflag:s18] =	ssyncadd.s32 $0xFFFFFFB0  }
0x51: {  	[spmem:s3] =	stream.indirect.scatter.add.f32 [tilespmem:s17], [sflag:$0x3], $0x80, s4, s19, $0xb8;
	[tilespmem:$0x16900] =	vst v63  }
0x52: {  	_ =	swait.ge [sflag:s22], $0x2800  }
0x53: {  	[sflag:s22] =	ssyncset.done $0x0  }
0x54: {  	[sflag:s22] =	ssyncadd.s32 $0xFFFFD800  }
0x55: {  	_ =	swait.ge [sflag:s23], $0x2800  }
0x56: {  	s24 =	sadd.s32 $0x1, s24;
	[sflag:s23] =	ssyncset.done $0x0  }
0x57: {  	p0 =	sne.s32 s24, s9;
	[sflag:s23] =	ssyncadd.s32 $0xFFFFD800  }
.Ltmp1:
0x58: {  	[bflag:$0x0] =	sbarrier.arrive $0xFFFF;
	(pc) =	sbr.rel @p0 .LBB2_1-.Ltmp1, $4  }
0x59: {  	[hbm:s8], [sflag:s7] =	dma.local [spmem:s15], $0x2800  }
0x5a: {  	_ =	swait.ge [sflag:s16], $0x2800  }
0x5b: {  	[sflag:s16] =	ssyncset.done $0x0  }
0x5c: {  	[sflag:s16] =	ssyncadd.s32 $0xFFFFD800  }
0x5d: {  	_ =	sfence.sel $0x180000  }
0x5e: {  	[bflag:$0x0] =	sbarrier.arrive $0xFFFF  }
0x5f: {  	p0 =	sne.s32 s2, $0x0;
	_ =	strace $0x9000004A  }
0x60: {  	s0 =	sadd.s32 @!p0 $0x100000, s0;
	[bflag:$0x2] =	sbarrier.arrive $0xFFFF  }
0x61: {  	[sflag:s0] =	ssyncadd.tile.s32 @!p0 $0x1;
	_ =	shalt  }
.Lfunc_end2:
_tile_overlayer_lowered:
.L_overlay_start_2:
0x62: {  	(tag) =	ssettag $0x2  }
0x63: {  	s0 =	rddreg [dreg:$0x0];
	s2 =	stileid.u32  }
0x64: {  	s1 =	rddreg [dreg:$0x1];
	p0 =	sne.s32 s2, $0x0  }
0x65: {  	s3 =	rddreg [dreg:$0x2];
	[bflag:$0x3] =	sbarrier.arrive $0xFFFF;
	s2 =	simm.s32 @!p0 $0x1C05  }
0x66: {  	[timem:s3], [sflag:s2] =	dma.local @!p0 [hbm:s0], s1  }
0x67: {  	s0 =	simm.s32 @!p0 $0x5  }
0x68: {  	_ =	swait.ge @!p0 [sflag:s0], s1  }
0x69: {  	s1 =	ssub.s32 @!p0 $0x0, s1;
	[sflag:s0] =	ssyncset.done @!p0 $0x0  }
0x6a: {  	[sflag:s0] =	ssyncadd.s32 @!p0 s1  }
0x6b: {  	[bflag:$0x3] =	sbarrier.arrive $0xFFFF  }
0x6c: {  	_ =	shalt  }

</sc_bundles>
